<compile_context>
chip_gen: v7x
topology: tpu7x:2x2x1
jax: 0.10.2.dev20260603
libtpu: 0.0.44.dev20260713+nightly
codegen_flags: <defaults>
</compile_context>

<pallas_src>
import functools

import jax
import jax.numpy as jnp
from jax import lax
from jax.experimental import pallas as pl
from jax.experimental.pallas import tpu as pltpu
from jax.experimental.pallas import tpu_sc as plsc

N = 10000
D = 128
E = 320000

NC = 2
NS = 16
NW = NC * NS

CH = 128
TOT_CHUNKS = 2560
E_PAD = TOT_CHUNKS * CH
K0 = 152
K1 = 8
assert NS * (K0 + K1) == TOT_CHUNKS and K0 % 2 == 0 and K1 % 2 == 0

N_PAD = 10240
RPS = N_PAD // NS

def _i0():
    return jnp.int32(0)


BM = 1000
BD_I = 1024
BD_J = 1024


def _sc_scatter_body(h_hbm, src_hbm, dst_hbm, out0, out1,
                     srcv0, srcv1, dstv0, dstv1, rows0, rows1, acc_sh,
                     sis0, sis1, sid0, sid1, sg0, sg1):
    cid = lax.axis_index("c")
    sid = lax.axis_index("s")

    kk = jnp.where(cid == 0, jnp.int32(K0), jnp.int32(K1))
    base = jnp.where(cid == 0, sid * jnp.int32(K0),
                     jnp.int32(NS * K0) + sid * jnp.int32(K1))

    zv = jnp.zeros((16,), jnp.float32)

    def zrow(r, carry):
        for c8 in range(D // 16):
            rows0[r, pl.ds(jnp.int32(c8 * 16), 16)] = zv
        return carry

    lax.fori_loop(jnp.int32(0), jnp.int32(CH), zrow, jnp.int32(0))
    for s5 in range(RPS // CH):
        pltpu.sync_copy(
            rows0, acc_sh.at[pl.ds(sid * RPS + jnp.int32(s5 * CH), CH)])

    plsc.subcore_barrier()

    def edge_sl(c):
        return pl.ds((base + c) * jnp.int32(CH), CH)

    si = (sis0, sis1)
    sd = (sid0, sid1)
    sg = (sg0, sg1)
    srcb = (srcv0, srcv1)
    dstb = (dstv0, dstv1)
    rows = (rows0, rows1)

    def idx_dma(c, p):
        pltpu.async_copy(src_hbm.at[edge_sl(c)], srcb[p], si[p])
        pltpu.async_copy(dst_hbm.at[edge_sl(c)], dstb[p], sd[p])

    def wait_idx(p):
        z = pl.ds(jnp.int32(0), CH)
        pltpu.make_async_copy(src_hbm.at[z], srcb[p], si[p]).wait()
        pltpu.make_async_copy(dst_hbm.at[z], dstb[p], sd[p]).wait()

    def gather(c, p):
        pltpu.async_copy(h_hbm.at[srcb[p]], rows[p], sg[p])

    def wait_gather(p):
        pltpu.make_async_copy(h_hbm.at[srcb[p]], rows[p], sg[p]).wait()

    def scatter(p):
        pltpu.sync_copy(rows[p], acc_sh.at[dstb[p]], add=True)

    idx_dma(jnp.int32(0), 0)
    idx_dma(jnp.int32(1), 1)
    wait_idx(0)
    gather(jnp.int32(0), 0)

    def step(i, carry):
        c = i * jnp.int32(2)
        wait_idx(1)
        gather(c + 1, 1)
        wait_gather(0)
        scatter(0)
        idx_dma(c + 2, 0)
        wait_idx(0)
        gather(c + 2, 0)
        wait_gather(1)
        scatter(1)
        idx_dma(c + 3, 1)
        return carry

    lax.fori_loop(jnp.int32(0), (kk - 2) // 2, step, jnp.int32(0))
    wait_idx(1)
    gather(kk - 1, 1)
    wait_gather(0)
    scatter(0)
    wait_gather(1)
    scatter(1)

    plsc.subcore_barrier()

    rq = RPS // 4
    osems = (sis0, sis1, sid0, sid1)

    def osl_k(k):
        return pl.ds(sid * RPS + jnp.int32(k * rq), rq)

    @pl.when(cid == 0)
    def _():
        for k in range(4):
            pltpu.async_copy(acc_sh.at[osl_k(k)], out0.at[osl_k(k)], osems[k])
        for k in range(4):
            pltpu.make_async_copy(acc_sh.at[osl_k(k)], out0.at[osl_k(k)],
                                  osems[k]).wait()

    @pl.when(cid == 1)
    def _():
        for k in range(4):
            pltpu.async_copy(acc_sh.at[osl_k(k)], out1.at[osl_k(k)], osems[k])
        for k in range(4):
            pltpu.make_async_copy(acc_sh.at[osl_k(k)], out1.at[osl_k(k)],
                                  osems[k]).wait()


def _sc_scatter(h, src, dst):
    mesh = plsc.VectorSubcoreMesh(core_axis_name="c", subcore_axis_name="s")
    f = functools.partial(
        pl.kernel,
        out_type=(
            jax.ShapeDtypeStruct((N_PAD, D), jnp.float32),
            jax.ShapeDtypeStruct((N_PAD, D), jnp.float32),
        ),
        mesh=mesh,
        scratch_types=[
            pltpu.VMEM((CH,), jnp.int32),
            pltpu.VMEM((CH,), jnp.int32),
            pltpu.VMEM((CH,), jnp.int32),
            pltpu.VMEM((CH,), jnp.int32),
            pltpu.VMEM((CH, D), jnp.float32),
            pltpu.VMEM((CH, D), jnp.float32),
            pltpu.VMEM_SHARED((N_PAD, D), jnp.float32),
            pltpu.SemaphoreType.DMA,
            pltpu.SemaphoreType.DMA,
            pltpu.SemaphoreType.DMA,
            pltpu.SemaphoreType.DMA,
            pltpu.SemaphoreType.DMA,
            pltpu.SemaphoreType.DMA,
        ],
    )(_sc_scatter_body)
    return f(h, src, dst)


def _conv_body(p0_ref, p1_ref, x_ref, wr_ref, wt_ref, b_ref, o_ref, *, relu):
    agg = p0_ref[...] + p1_ref[...]
    y = (
        jnp.dot(agg, wr_ref[...], preferred_element_type=jnp.float32,
                precision=lax.Precision.HIGHEST)
        + b_ref[...]
        + jnp.dot(x_ref[...], wt_ref[...], preferred_element_type=jnp.float32,
                  precision=lax.Precision.HIGHEST)
    )
    if relu:
        y = jnp.maximum(y, 0.0)
    o_ref[...] = y


def _conv_tc(p0, p1, x, w_rel_t, w_root_t, b2d, relu):
    grid = (N // BM,)
    return pl.pallas_call(
        functools.partial(_conv_body, relu=relu),
        grid=grid,
        in_specs=[
            pl.BlockSpec((BM, D), lambda i: (i, _i0())),
            pl.BlockSpec((BM, D), lambda i: (i, _i0())),
            pl.BlockSpec((BM, D), lambda i: (i, _i0())),
            pl.BlockSpec((D, D), lambda i: (_i0(), _i0())),
            pl.BlockSpec((D, D), lambda i: (_i0(), _i0())),
            pl.BlockSpec((1, D), lambda i: (_i0(), _i0())),
        ],
        out_specs=pl.BlockSpec((BM, D), lambda i: (i, _i0())),
        out_shape=jax.ShapeDtypeStruct((N, D), jnp.float32),
    )(p0, p1, x, w_rel_t, w_root_t, b2d)


def _decoder_body(zi_ref, zj_ref, o_ref):
    zi = zi_ref[...]
    zj = zj_ref[...]
    zi_hi = zi.astype(jnp.bfloat16)
    zi_lo = (zi - zi_hi.astype(jnp.float32)).astype(jnp.bfloat16)
    zj_hi = zj.astype(jnp.bfloat16)
    zj_lo = (zj - zj_hi.astype(jnp.float32)).astype(jnp.bfloat16)
    dn = (((1,), (1,)), ((), ()))
    logits = lax.dot_general(zi_hi, zj_hi, dn,
                             preferred_element_type=jnp.float32)
    logits += lax.dot_general(zi_hi, zj_lo, dn,
                              preferred_element_type=jnp.float32)
    logits += lax.dot_general(zi_lo, zj_hi, dn,
                              preferred_element_type=jnp.float32)
    o_ref[...] = 1.0 / (1.0 + jnp.exp(-logits))


def _decoder_tc(z):
    grid = (pl.cdiv(N, BD_I), pl.cdiv(N, BD_J))
    return pl.pallas_call(
        _decoder_body,
        grid=grid,
        in_specs=[
            pl.BlockSpec((BD_I, D), lambda i, j: (i, _i0())),
            pl.BlockSpec((BD_J, D), lambda i, j: (j, _i0())),
        ],
        out_specs=pl.BlockSpec((BD_I, BD_J), lambda i, j: (i, j)),
        out_shape=jax.ShapeDtypeStruct((N, N), jnp.float32),
        compiler_params=pltpu.CompilerParams(
            dimension_semantics=("parallel", "parallel"),
        ),
    )(z, z)


def kernel(x, adj, W_rel, b_rel, W_root):
    x = x.astype(jnp.float32)
    src = adj[0].astype(jnp.int32)
    dst = adj[1].astype(jnp.int32)
    pad = E_PAD - E
    src = jnp.concatenate([src, jnp.zeros((pad,), jnp.int32)])
    dst = jnp.concatenate([dst, jnp.full((pad,), N_PAD - 1, jnp.int32)])

    w_rel_t = W_rel.astype(jnp.float32).T
    w_root_t = W_root.astype(jnp.float32).T
    b2d = b_rel.astype(jnp.float32).reshape(1, D)

    p0, p1 = _sc_scatter(x, src, dst)
    h1 = _conv_tc(p0, p1, x, w_rel_t, w_root_t, b2d, relu=True)
    q0, q1 = _sc_scatter(h1, src, dst)
    x2 = _conv_tc(q0, q1, h1, w_rel_t, w_root_t, b2d, relu=False)
    z_pad = jnp.pad(x2, ((0, N_PAD - N), (0, 0)))
    A = _decoder_tc(z_pad)
    return (A, x2)

# --- scband reference (transcript-rebuilt; emitter-appended) ---
"""Pipeline reference for scband-gate-gnn-62835371541000 (READ-ONLY COPY).

The authoritative reference and input builder live on the scoring server;
editing this copy changes nothing except your own understanding.
"""

import jax
jax.config.update("jax_enable_x64", True)
import jax.numpy as jnp
import numpy as np

N = 10000
D = 128
E = 320000


def setup_inputs(seed: int = 0) -> dict:
    key = jax.random.key(seed)
    k1, k2, k3, k4, k5 = jax.random.split(key, 5)
    x = jax.random.normal(k1, (N, D), dtype=jnp.float32)
    adj = jax.random.randint(k2, (2, E), 0, N, dtype=jnp.int64)
    s = 1.0 / np.sqrt(D)
    W_rel = jax.random.uniform(k3, (D, D), dtype=jnp.float32, minval=-s, maxval=s)
    b_rel = jnp.zeros((D,), dtype=jnp.float32)
    W_root = jax.random.uniform(k4, (D, D), dtype=jnp.float32, minval=-s, maxval=s)
    return {"x": x, "adj": adj, "W_rel": W_rel, "b_rel": b_rel, "W_root": W_root}


def reference(x, adj, W_rel, b_rel, W_root):
    # GraphConv (PyG): out = lin_rel(scatter_add(x[src] -> dst)) + lin_root(x)
    src = adj[0]
    dst = adj[1]

    def conv(h):
        msgs = jnp.take(h, src, axis=0)
        agg = jnp.zeros_like(h).at[dst].add(msgs)
        return agg @ W_rel.T + b_rel + h @ W_root.T

    x1 = jax.nn.relu(conv(x))
    # dropout is identity in eval mode
    x1 = conv(x1)
    # InnerProductDecoder (dropout identity in eval): sigmoid(z z^T)
    logits = x1 @ x1.T
    A = jax.nn.sigmoid(logits)
    return (A, x1)

if __name__ == "__main__":
    import jax
    _d = setup_inputs()
    print(jax.jit(kernel)(*tuple(_d.values())))

</pallas_src>

<mosaic_0001>
#map = affine_map<(d0, d1) -> (0, 0)>
#map1 = affine_map<(d0, d1) -> (0)>
module attributes {stable_mosaic.version = 14 : i64} {
  func.func @_sc_scatter_body(%arg0: i32, %arg1: i32, %arg2: memref<10000x128xf32, #tpu.memory_space<hbm>>, %arg3: memref<327680xi32, #tpu.memory_space<hbm>>, %arg4: memref<327680xi32, #tpu.memory_space<hbm>>, %arg5: memref<10240x128xf32, #tpu.memory_space<hbm>>, %arg6: memref<10240x128xf32, #tpu.memory_space<hbm>>, %arg7: memref<128xi32, #tpu.memory_space<vmem>>, %arg8: memref<128xi32, #tpu.memory_space<vmem>>, %arg9: memref<128xi32, #tpu.memory_space<vmem>>, %arg10: memref<128xi32, #tpu.memory_space<vmem>>, %arg11: memref<128x128xf32, #tpu.memory_space<vmem>>, %arg12: memref<128x128xf32, #tpu.memory_space<vmem>>, %arg13: memref<10240x128xf32, #tpu.memory_space<vmem_shared>>, %arg14: memref<!tpu.dma_semaphore, #tpu.memory_space<semaphore_mem>>, %arg15: memref<!tpu.dma_semaphore, #tpu.memory_space<semaphore_mem>>, %arg16: memref<!tpu.dma_semaphore, #tpu.memory_space<semaphore_mem>>, %arg17: memref<!tpu.dma_semaphore, #tpu.memory_space<semaphore_mem>>, %arg18: memref<!tpu.dma_semaphore, #tpu.memory_space<semaphore_mem>>, %arg19: memref<!tpu.dma_semaphore, #tpu.memory_space<semaphore_mem>>) attributes {dimension_semantics = [#tpu.dimension_semantics<core_parallel>, #tpu.dimension_semantics<subcore_parallel>], iteration_bounds = array<i64: 2, 16>, scalar_prefetch = 0 : i64, scratch_operands = 13 : i64, tpu.core_type = #tpu.core_type<sc_vector_subcore>, window_params = [{transform_indices = #map}, {transform_indices = #map1}, {transform_indices = #map1}, {transform_indices = #map}, {transform_indices = #map}]} {
    %eq3A = arith.constant 0 : i32
    %eq3A_0 = arith.cmpi eq, %arg0, %eq3A : i32
    %jit3A = arith.constant 152 : i32
    %jit3A_1 = arith.constant 8 : i32
    %select_n3A = arith.select %eq3A_0, %jit3A, %jit3A_1 : i32
    %eq3A_2 = arith.constant 0 : i32
    %eq3A_3 = arith.cmpi eq, %arg0, %eq3A_2 : i32
    %mul3A = arith.constant 152 : i32
    %mul3A_4 = arith.muli %arg1, %mul3A : i32
    %mul3A_5 = arith.constant 8 : i32
    %mul3A_6 = arith.muli %arg1, %mul3A_5 : i32
    %add3A = arith.constant 2432 : i32
    %add3A_7 = arith.addi %add3A, %mul3A_6 : i32
    %select_n3A_8 = arith.select %eq3A_3, %mul3A_4, %add3A_7 : i32
    %broadcast_in_dim3A = arith.constant 0.000000e+00 : f32
    %broadcast_in_dim3A_9 = vector.broadcast %broadcast_in_dim3A : f32 to vector<16xf32>
    %while3A = arith.constant 0 : i32
    %while3A_10 = arith.constant 0 : i32
    %while3A_11 = arith.constant 128 : i32
    %while3A_12 = arith.subi %while3A_11, %while3A_10 : i32
    %while3A_13 = arith.addi %while3A_10, %while3A_12 : i32
    %while3A_14 = arith.constant 1 : i32
    %while3A_15 = arith.divsi %while3A_12, %while3A_14 : i32
    %while3A_16 = arith.muli %while3A_15, %while3A_14 : i32
    %while3A_17 = arith.addi %while3A_10, %while3A_16 : i32
    %while3A_18 = arith.constant 1 : i32
    scf.for %while3A_128 = %while3A_10 to %while3A_17 step %while3A_18  : i32 {
      %swap3A = arith.constant 0 : i32
      %swap3A_129 = arith.index_cast %while3A_128 : i32 to index
      %swap3A_130 = arith.index_cast %swap3A : i32 to index
      %swap3A_131 = tpu.vector_load %arg11[%swap3A_129, %swap3A_130] {strides = array<i32>} : memref<128x128xf32, #tpu.memory_space<vmem>>, vector<1x16xf32>,
      %swap3A_132 = vector.shape_cast %swap3A_131 : vector<1x16xf32> to vector<16xf32>
      %swap3A_133 = vector.shape_cast %broadcast_in_dim3A_9 : vector<16xf32> to vector<1x16xf32>
      tpu.vector_store %arg11[%swap3A_129, %swap3A_130], %swap3A_133 {strides = array<i32>} : memref<128x128xf32, #tpu.memory_space<vmem>>, vector<1x16xf32>,
      %swap3A_134 = arith.constant 16 : i32
      %swap3A_135 = arith.index_cast %while3A_128 : i32 to index
      %swap3A_136 = arith.index_cast %swap3A_134 : i32 to index
      %swap3A_137 = tpu.vector_load %arg11[%swap3A_135, %swap3A_136] {strides = array<i32>} : memref<128x128xf32, #tpu.memory_space<vmem>>, vector<1x16xf32>,
      %swap3A_138 = vector.shape_cast %swap3A_137 : vector<1x16xf32> to vector<16xf32>
      %swap3A_139 = vector.shape_cast %broadcast_in_dim3A_9 : vector<16xf32> to vector<1x16xf32>
      tpu.vector_store %arg11[%swap3A_135, %swap3A_136], %swap3A_139 {strides = array<i32>} : memref<128x128xf32, #tpu.memory_space<vmem>>, vector<1x16xf32>,
      %swap3A_140 = arith.constant 32 : i32
      %swap3A_141 = arith.index_cast %while3A_128 : i32 to index
      %swap3A_142 = arith.index_cast %swap3A_140 : i32 to index
      %swap3A_143 = tpu.vector_load %arg11[%swap3A_141, %swap3A_142] {strides = array<i32>} : memref<128x128xf32, #tpu.memory_space<vmem>>, vector<1x16xf32>,
      %swap3A_144 = vector.shape_cast %swap3A_143 : vector<1x16xf32> to vector<16xf32>
      %swap3A_145 = vector.shape_cast %broadcast_in_dim3A_9 : vector<16xf32> to vector<1x16xf32>
      tpu.vector_store %arg11[%swap3A_141, %swap3A_142], %swap3A_145 {strides = array<i32>} : memref<128x128xf32, #tpu.memory_space<vmem>>, vector<1x16xf32>,
      %swap3A_146 = arith.constant 48 : i32
      %swap3A_147 = arith.index_cast %while3A_128 : i32 to index
      %swap3A_148 = arith.index_cast %swap3A_146 : i32 to index
      %swap3A_149 = tpu.vector_load %arg11[%swap3A_147, %swap3A_148] {strides = array<i32>} : memref<128x128xf32, #tpu.memory_space<vmem>>, vector<1x16xf32>,
      %swap3A_150 = vector.shape_cast %swap3A_149 : vector<1x16xf32> to vector<16xf32>
      %swap3A_151 = vector.shape_cast %broadcast_in_dim3A_9 : vector<16xf32> to vector<1x16xf32>
      tpu.vector_store %arg11[%swap3A_147, %swap3A_148], %swap3A_151 {strides = array<i32>} : memref<128x128xf32, #tpu.memory_space<vmem>>, vector<1x16xf32>,
      %swap3A_152 = arith.constant 64 : i32
      %swap3A_153 = arith.index_cast %while3A_128 : i32 to index
      %swap3A_154 = arith.index_cast %swap3A_152 : i32 to index
      %swap3A_155 = tpu.vector_load %arg11[%swap3A_153, %swap3A_154] {strides = array<i32>} : memref<128x128xf32, #tpu.memory_space<vmem>>, vector<1x16xf32>,
      %swap3A_156 = vector.shape_cast %swap3A_155 : vector<1x16xf32> to vector<16xf32>
      %swap3A_157 = vector.shape_cast %broadcast_in_dim3A_9 : vector<16xf32> to vector<1x16xf32>
      tpu.vector_store %arg11[%swap3A_153, %swap3A_154], %swap3A_157 {strides = array<i32>} : memref<128x128xf32, #tpu.memory_space<vmem>>, vector<1x16xf32>,
      %swap3A_158 = arith.constant 80 : i32
      %swap3A_159 = arith.index_cast %while3A_128 : i32 to index
      %swap3A_160 = arith.index_cast %swap3A_158 : i32 to index
      %swap3A_161 = tpu.vector_load %arg11[%swap3A_159, %swap3A_160] {strides = array<i32>} : memref<128x128xf32, #tpu.memory_space<vmem>>, vector<1x16xf32>,
      %swap3A_162 = vector.shape_cast %swap3A_161 : vector<1x16xf32> to vector<16xf32>
      %swap3A_163 = vector.shape_cast %broadcast_in_dim3A_9 : vector<16xf32> to vector<1x16xf32>
      tpu.vector_store %arg11[%swap3A_159, %swap3A_160], %swap3A_163 {strides = array<i32>} : memref<128x128xf32, #tpu.memory_space<vmem>>, vector<1x16xf32>,
      %swap3A_164 = arith.constant 96 : i32
      %swap3A_165 = arith.index_cast %while3A_128 : i32 to index
      %swap3A_166 = arith.index_cast %swap3A_164 : i32 to index
      %swap3A_167 = tpu.vector_load %arg11[%swap3A_165, %swap3A_166] {strides = array<i32>} : memref<128x128xf32, #tpu.memory_space<vmem>>, vector<1x16xf32>,
      %swap3A_168 = vector.shape_cast %swap3A_167 : vector<1x16xf32> to vector<16xf32>
      %swap3A_169 = vector.shape_cast %broadcast_in_dim3A_9 : vector<16xf32> to vector<1x16xf32>
      tpu.vector_store %arg11[%swap3A_165, %swap3A_166], %swap3A_169 {strides = array<i32>} : memref<128x128xf32, #tpu.memory_space<vmem>>, vector<1x16xf32>,
      %swap3A_170 = arith.constant 112 : i32
      %swap3A_171 = arith.index_cast %while3A_128 : i32 to index
      %swap3A_172 = arith.index_cast %swap3A_170 : i32 to index
      %swap3A_173 = tpu.vector_load %arg11[%swap3A_171, %swap3A_172] {strides = array<i32>} : memref<128x128xf32, #tpu.memory_space<vmem>>, vector<1x16xf32>,
      %swap3A_174 = vector.shape_cast %swap3A_173 : vector<1x16xf32> to vector<16xf32>
      %swap3A_175 = vector.shape_cast %broadcast_in_dim3A_9 : vector<16xf32> to vector<1x16xf32>
      tpu.vector_store %arg11[%swap3A_171, %swap3A_172], %swap3A_175 {strides = array<i32>} : memref<128x128xf32, #tpu.memory_space<vmem>>, vector<1x16xf32>,
    }
    %while3A_19 = arith.constant 1 : i32
    scf.for %while3A_128 = %while3A_17 to %while3A_13 step %while3A_19  : i32 {
      %swap3A = arith.constant 0 : i32
      %swap3A_129 = arith.index_cast %while3A_128 : i32 to index
      %swap3A_130 = arith.index_cast %swap3A : i32 to index
      %swap3A_131 = tpu.vector_load %arg11[%swap3A_129, %swap3A_130] {strides = array<i32>} : memref<128x128xf32, #tpu.memory_space<vmem>>, vector<1x16xf32>,
      %swap3A_132 = vector.shape_cast %swap3A_131 : vector<1x16xf32> to vector<16xf32>
      %swap3A_133 = vector.shape_cast %broadcast_in_dim3A_9 : vector<16xf32> to vector<1x16xf32>
      tpu.vector_store %arg11[%swap3A_129, %swap3A_130], %swap3A_133 {strides = array<i32>} : memref<128x128xf32, #tpu.memory_space<vmem>>, vector<1x16xf32>,
      %swap3A_134 = arith.constant 16 : i32
      %swap3A_135 = arith.index_cast %while3A_128 : i32 to index
      %swap3A_136 = arith.index_cast %swap3A_134 : i32 to index
      %swap3A_137 = tpu.vector_load %arg11[%swap3A_135, %swap3A_136] {strides = array<i32>} : memref<128x128xf32, #tpu.memory_space<vmem>>, vector<1x16xf32>,
      %swap3A_138 = vector.shape_cast %swap3A_137 : vector<1x16xf32> to vector<16xf32>
      %swap3A_139 = vector.shape_cast %broadcast_in_dim3A_9 : vector<16xf32> to vector<1x16xf32>
      tpu.vector_store %arg11[%swap3A_135, %swap3A_136], %swap3A_139 {strides = array<i32>} : memref<128x128xf32, #tpu.memory_space<vmem>>, vector<1x16xf32>,
      %swap3A_140 = arith.constant 32 : i32
      %swap3A_141 = arith.index_cast %while3A_128 : i32 to index
      %swap3A_142 = arith.index_cast %swap3A_140 : i32 to index
      %swap3A_143 = tpu.vector_load %arg11[%swap3A_141, %swap3A_142] {strides = array<i32>} : memref<128x128xf32, #tpu.memory_space<vmem>>, vector<1x16xf32>,
      %swap3A_144 = vector.shape_cast %swap3A_143 : vector<1x16xf32> to vector<16xf32>
      %swap3A_145 = vector.shape_cast %broadcast_in_dim3A_9 : vector<16xf32> to vector<1x16xf32>
      tpu.vector_store %arg11[%swap3A_141, %swap3A_142], %swap3A_145 {strides = array<i32>} : memref<128x128xf32, #tpu.memory_space<vmem>>, vector<1x16xf32>,
      %swap3A_146 = arith.constant 48 : i32
      %swap3A_147 = arith.index_cast %while3A_128 : i32 to index
      %swap3A_148 = arith.index_cast %swap3A_146 : i32 to index
      %swap3A_149 = tpu.vector_load %arg11[%swap3A_147, %swap3A_148] {strides = array<i32>} : memref<128x128xf32, #tpu.memory_space<vmem>>, vector<1x16xf32>,
      %swap3A_150 = vector.shape_cast %swap3A_149 : vector<1x16xf32> to vector<16xf32>
      %swap3A_151 = vector.shape_cast %broadcast_in_dim3A_9 : vector<16xf32> to vector<1x16xf32>
      tpu.vector_store %arg11[%swap3A_147, %swap3A_148], %swap3A_151 {strides = array<i32>} : memref<128x128xf32, #tpu.memory_space<vmem>>, vector<1x16xf32>,
      %swap3A_152 = arith.constant 64 : i32
      %swap3A_153 = arith.index_cast %while3A_128 : i32 to index
      %swap3A_154 = arith.index_cast %swap3A_152 : i32 to index
      %swap3A_155 = tpu.vector_load %arg11[%swap3A_153, %swap3A_154] {strides = array<i32>} : memref<128x128xf32, #tpu.memory_space<vmem>>, vector<1x16xf32>,
      %swap3A_156 = vector.shape_cast %swap3A_155 : vector<1x16xf32> to vector<16xf32>
      %swap3A_157 = vector.shape_cast %broadcast_in_dim3A_9 : vector<16xf32> to vector<1x16xf32>
      tpu.vector_store %arg11[%swap3A_153, %swap3A_154], %swap3A_157 {strides = array<i32>} : memref<128x128xf32, #tpu.memory_space<vmem>>, vector<1x16xf32>,
      %swap3A_158 = arith.constant 80 : i32
      %swap3A_159 = arith.index_cast %while3A_128 : i32 to index
      %swap3A_160 = arith.index_cast %swap3A_158 : i32 to index
      %swap3A_161 = tpu.vector_load %arg11[%swap3A_159, %swap3A_160] {strides = array<i32>} : memref<128x128xf32, #tpu.memory_space<vmem>>, vector<1x16xf32>,
      %swap3A_162 = vector.shape_cast %swap3A_161 : vector<1x16xf32> to vector<16xf32>
      %swap3A_163 = vector.shape_cast %broadcast_in_dim3A_9 : vector<16xf32> to vector<1x16xf32>
      tpu.vector_store %arg11[%swap3A_159, %swap3A_160], %swap3A_163 {strides = array<i32>} : memref<128x128xf32, #tpu.memory_space<vmem>>, vector<1x16xf32>,
      %swap3A_164 = arith.constant 96 : i32
      %swap3A_165 = arith.index_cast %while3A_128 : i32 to index
      %swap3A_166 = arith.index_cast %swap3A_164 : i32 to index
      %swap3A_167 = tpu.vector_load %arg11[%swap3A_165, %swap3A_166] {strides = array<i32>} : memref<128x128xf32, #tpu.memory_space<vmem>>, vector<1x16xf32>,
      %swap3A_168 = vector.shape_cast %swap3A_167 : vector<1x16xf32> to vector<16xf32>
      %swap3A_169 = vector.shape_cast %broadcast_in_dim3A_9 : vector<16xf32> to vector<1x16xf32>
      tpu.vector_store %arg11[%swap3A_165, %swap3A_166], %swap3A_169 {strides = array<i32>} : memref<128x128xf32, #tpu.memory_space<vmem>>, vector<1x16xf32>,
      %swap3A_170 = arith.constant 112 : i32
      %swap3A_171 = arith.index_cast %while3A_128 : i32 to index
      %swap3A_172 = arith.index_cast %swap3A_170 : i32 to index
      %swap3A_173 = tpu.vector_load %arg11[%swap3A_171, %swap3A_172] {strides = array<i32>} : memref<128x128xf32, #tpu.memory_space<vmem>>, vector<1x16xf32>,
      %swap3A_174 = vector.shape_cast %swap3A_173 : vector<1x16xf32> to vector<16xf32>
      %swap3A_175 = vector.shape_cast %broadcast_in_dim3A_9 : vector<16xf32> to vector<1x16xf32>
      tpu.vector_store %arg11[%swap3A_171, %swap3A_172], %swap3A_175 {strides = array<i32>} : memref<128x128xf32, #tpu.memory_space<vmem>>, vector<1x16xf32>,
    }
    %mul3A_20 = arith.constant 640 : i32
    %mul3A_21 = arith.muli %arg1, %mul3A_20 : i32
    %add3A_22 = arith.constant 0 : i32
    %add3A_23 = arith.addi %mul3A_21, %add3A_22 : i32
    "tpu.region"() ({
      %run_scoped3A = tpu.sem_alloc : memref<!tpu.dma_semaphore, #tpu.memory_space<semaphore_mem>>
      %dma_start3A_128 = arith.constant 0 : i32
      %dma_start3A_129 = tpu.memref_slice %arg13[%add3A_23, %dma_start3A_128] : memref<10240x128xf32, #tpu.memory_space<vmem_shared>> -> memref<128x128xf32, #tpu.memory_space<vmem_shared>>
      %dma_start3A_130 = arith.constant 0 : i32
      %dma_start3A_131 = tpu.memref_slice %arg13[%add3A_23, %dma_start3A_130] : memref<10240x128xf32, #tpu.memory_space<vmem_shared>> -> memref<128x128xf32, #tpu.memory_space<vmem_shared>>
      tpu.enqueue_dma source(%arg11 : memref<128x128xf32, #tpu.memory_space<vmem>>) target(%dma_start3A_131 : memref<128x128xf32, #tpu.memory_space<vmem_shared>>) target_semaphore(%run_scoped3A : memref<!tpu.dma_semaphore, #tpu.memory_space<semaphore_mem>>)
      %dma_wait3A_132 = arith.constant 0 : i32
      %dma_wait3A_133 = tpu.memref_slice %arg13[%add3A_23, %dma_wait3A_132] : memref<10240x128xf32, #tpu.memory_space<vmem_shared>> -> memref<128x128xf32, #tpu.memory_space<vmem_shared>>
      %dma_wait3A_134 = arith.constant 0 : i32
      %dma_wait3A_135 = tpu.memref_slice %arg13[%add3A_23, %dma_wait3A_134] : memref<10240x128xf32, #tpu.memory_space<vmem_shared>> -> memref<128x128xf32, #tpu.memory_space<vmem_shared>>
      tpu.wait_dma2 semaphore(%run_scoped3A : memref<!tpu.dma_semaphore, #tpu.memory_space<semaphore_mem>>) src(%arg11 : memref<128x128xf32, #tpu.memory_space<vmem>>) dst(%dma_wait3A_135 : memref<128x128xf32, #tpu.memory_space<vmem_shared>>)
      tpu.yield
    }) : () -> ()
    %mul3A_24 = arith.constant 640 : i32
    %mul3A_25 = arith.muli %arg1, %mul3A_24 : i32
    %add3A_26 = arith.constant 128 : i32
    %add3A_27 = arith.addi %mul3A_25, %add3A_26 : i32
    "tpu.region"() ({
      %run_scoped3A = tpu.sem_alloc : memref<!tpu.dma_semaphore, #tpu.memory_space<semaphore_mem>>
      %dma_start3A_128 = arith.constant 0 : i32
      %dma_start3A_129 = tpu.memref_slice %arg13[%add3A_27, %dma_start3A_128] : memref<10240x128xf32, #tpu.memory_space<vmem_shared>> -> memref<128x128xf32, #tpu.memory_space<vmem_shared>>
      %dma_start3A_130 = arith.constant 0 : i32
      %dma_start3A_131 = tpu.memref_slice %arg13[%add3A_27, %dma_start3A_130] : memref<10240x128xf32, #tpu.memory_space<vmem_shared>> -> memref<128x128xf32, #tpu.memory_space<vmem_shared>>
      tpu.enqueue_dma source(%arg11 : memref<128x128xf32, #tpu.memory_space<vmem>>) target(%dma_start3A_131 : memref<128x128xf32, #tpu.memory_space<vmem_shared>>) target_semaphore(%run_scoped3A : memref<!tpu.dma_semaphore, #tpu.memory_space<semaphore_mem>>)
      %dma_wait3A_132 = arith.constant 0 : i32
      %dma_wait3A_133 = tpu.memref_slice %arg13[%add3A_27, %dma_wait3A_132] : memref<10240x128xf32, #tpu.memory_space<vmem_shared>> -> memref<128x128xf32, #tpu.memory_space<vmem_shared>>
      %dma_wait3A_134 = arith.constant 0 : i32
      %dma_wait3A_135 = tpu.memref_slice %arg13[%add3A_27, %dma_wait3A_134] : memref<10240x128xf32, #tpu.memory_space<vmem_shared>> -> memref<128x128xf32, #tpu.memory_space<vmem_shared>>
      tpu.wait_dma2 semaphore(%run_scoped3A : memref<!tpu.dma_semaphore, #tpu.memory_space<semaphore_mem>>) src(%arg11 : memref<128x128xf32, #tpu.memory_space<vmem>>) dst(%dma_wait3A_135 : memref<128x128xf32, #tpu.memory_space<vmem_shared>>)
      tpu.yield
    }) : () -> ()
    %mul3A_28 = arith.constant 640 : i32
    %mul3A_29 = arith.muli %arg1, %mul3A_28 : i32
    %add3A_30 = arith.constant 256 : i32
    %add3A_31 = arith.addi %mul3A_29, %add3A_30 : i32
    "tpu.region"() ({
      %run_scoped3A = tpu.sem_alloc : memref<!tpu.dma_semaphore, #tpu.memory_space<semaphore_mem>>
      %dma_start3A_128 = arith.constant 0 : i32
      %dma_start3A_129 = tpu.memref_slice %arg13[%add3A_31, %dma_start3A_128] : memref<10240x128xf32, #tpu.memory_space<vmem_shared>> -> memref<128x128xf32, #tpu.memory_space<vmem_shared>>
      %dma_start3A_130 = arith.constant 0 : i32
      %dma_start3A_131 = tpu.memref_slice %arg13[%add3A_31, %dma_start3A_130] : memref<10240x128xf32, #tpu.memory_space<vmem_shared>> -> memref<128x128xf32, #tpu.memory_space<vmem_shared>>
      tpu.enqueue_dma source(%arg11 : memref<128x128xf32, #tpu.memory_space<vmem>>) target(%dma_start3A_131 : memref<128x128xf32, #tpu.memory_space<vmem_shared>>) target_semaphore(%run_scoped3A : memref<!tpu.dma_semaphore, #tpu.memory_space<semaphore_mem>>)
      %dma_wait3A_132 = arith.constant 0 : i32
      %dma_wait3A_133 = tpu.memref_slice %arg13[%add3A_31, %dma_wait3A_132] : memref<10240x128xf32, #tpu.memory_space<vmem_shared>> -> memref<128x128xf32, #tpu.memory_space<vmem_shared>>
      %dma_wait3A_134 = arith.constant 0 : i32
      %dma_wait3A_135 = tpu.memref_slice %arg13[%add3A_31, %dma_wait3A_134] : memref<10240x128xf32, #tpu.memory_space<vmem_shared>> -> memref<128x128xf32, #tpu.memory_space<vmem_shared>>
      tpu.wait_dma2 semaphore(%run_scoped3A : memref<!tpu.dma_semaphore, #tpu.memory_space<semaphore_mem>>) src(%arg11 : memref<128x128xf32, #tpu.memory_space<vmem>>) dst(%dma_wait3A_135 : memref<128x128xf32, #tpu.memory_space<vmem_shared>>)
      tpu.yield
    }) : () -> ()
    %mul3A_32 = arith.constant 640 : i32
    %mul3A_33 = arith.muli %arg1, %mul3A_32 : i32
    %add3A_34 = arith.constant 384 : i32
    %add3A_35 = arith.addi %mul3A_33, %add3A_34 : i32
    "tpu.region"() ({
      %run_scoped3A = tpu.sem_alloc : memref<!tpu.dma_semaphore, #tpu.memory_space<semaphore_mem>>
      %dma_start3A_128 = arith.constant 0 : i32
      %dma_start3A_129 = tpu.memref_slice %arg13[%add3A_35, %dma_start3A_128] : memref<10240x128xf32, #tpu.memory_space<vmem_shared>> -> memref<128x128xf32, #tpu.memory_space<vmem_shared>>
      %dma_start3A_130 = arith.constant 0 : i32
      %dma_start3A_131 = tpu.memref_slice %arg13[%add3A_35, %dma_start3A_130] : memref<10240x128xf32, #tpu.memory_space<vmem_shared>> -> memref<128x128xf32, #tpu.memory_space<vmem_shared>>
      tpu.enqueue_dma source(%arg11 : memref<128x128xf32, #tpu.memory_space<vmem>>) target(%dma_start3A_131 : memref<128x128xf32, #tpu.memory_space<vmem_shared>>) target_semaphore(%run_scoped3A : memref<!tpu.dma_semaphore, #tpu.memory_space<semaphore_mem>>)
      %dma_wait3A_132 = arith.constant 0 : i32
      %dma_wait3A_133 = tpu.memref_slice %arg13[%add3A_35, %dma_wait3A_132] : memref<10240x128xf32, #tpu.memory_space<vmem_shared>> -> memref<128x128xf32, #tpu.memory_space<vmem_shared>>
      %dma_wait3A_134 = arith.constant 0 : i32
      %dma_wait3A_135 = tpu.memref_slice %arg13[%add3A_35, %dma_wait3A_134] : memref<10240x128xf32, #tpu.memory_space<vmem_shared>> -> memref<128x128xf32, #tpu.memory_space<vmem_shared>>
      tpu.wait_dma2 semaphore(%run_scoped3A : memref<!tpu.dma_semaphore, #tpu.memory_space<semaphore_mem>>) src(%arg11 : memref<128x128xf32, #tpu.memory_space<vmem>>) dst(%dma_wait3A_135 : memref<128x128xf32, #tpu.memory_space<vmem_shared>>)
      tpu.yield
    }) : () -> ()
    %mul3A_36 = arith.constant 640 : i32
    %mul3A_37 = arith.muli %arg1, %mul3A_36 : i32
    %add3A_38 = arith.constant 512 : i32
    %add3A_39 = arith.addi %mul3A_37, %add3A_38 : i32
    "tpu.region"() ({
      %run_scoped3A = tpu.sem_alloc : memref<!tpu.dma_semaphore, #tpu.memory_space<semaphore_mem>>
      %dma_start3A_128 = arith.constant 0 : i32
      %dma_start3A_129 = tpu.memref_slice %arg13[%add3A_39, %dma_start3A_128] : memref<10240x128xf32, #tpu.memory_space<vmem_shared>> -> memref<128x128xf32, #tpu.memory_space<vmem_shared>>
      %dma_start3A_130 = arith.constant 0 : i32
      %dma_start3A_131 = tpu.memref_slice %arg13[%add3A_39, %dma_start3A_130] : memref<10240x128xf32, #tpu.memory_space<vmem_shared>> -> memref<128x128xf32, #tpu.memory_space<vmem_shared>>
      tpu.enqueue_dma source(%arg11 : memref<128x128xf32, #tpu.memory_space<vmem>>) target(%dma_start3A_131 : memref<128x128xf32, #tpu.memory_space<vmem_shared>>) target_semaphore(%run_scoped3A : memref<!tpu.dma_semaphore, #tpu.memory_space<semaphore_mem>>)
      %dma_wait3A_132 = arith.constant 0 : i32
      %dma_wait3A_133 = tpu.memref_slice %arg13[%add3A_39, %dma_wait3A_132] : memref<10240x128xf32, #tpu.memory_space<vmem_shared>> -> memref<128x128xf32, #tpu.memory_space<vmem_shared>>
      %dma_wait3A_134 = arith.constant 0 : i32
      %dma_wait3A_135 = tpu.memref_slice %arg13[%add3A_39, %dma_wait3A_134] : memref<10240x128xf32, #tpu.memory_space<vmem_shared>> -> memref<128x128xf32, #tpu.memory_space<vmem_shared>>
      tpu.wait_dma2 semaphore(%run_scoped3A : memref<!tpu.dma_semaphore, #tpu.memory_space<semaphore_mem>>) src(%arg11 : memref<128x128xf32, #tpu.memory_space<vmem>>) dst(%dma_wait3A_135 : memref<128x128xf32, #tpu.memory_space<vmem_shared>>)
      tpu.yield
    }) : () -> ()
    %barrier3A = arith.constant 0 : index
    tpu.barrier barrier_id(%barrier3A)
    %add3A_40 = arith.constant 0 : i32
    %add3A_41 = arith.addi %select_n3A_8, %add3A_40 : i32
    %mul3A_42 = arith.constant 128 : i32
    %mul3A_43 = arith.muli %add3A_41, %mul3A_42 : i32
    %dma_start3A = tpu.memref_slice %arg3[%mul3A_43] : memref<327680xi32, #tpu.memory_space<hbm>> -> memref<128xi32, #tpu.memory_space<hbm>>
    %dma_start3A_44 = tpu.memref_slice %arg3[%mul3A_43] : memref<327680xi32, #tpu.memory_space<hbm>> -> memref<128xi32, #tpu.memory_space<hbm>>
    tpu.enqueue_dma source(%dma_start3A_44 : memref<128xi32, #tpu.memory_space<hbm>>) target(%arg7 : memref<128xi32, #tpu.memory_space<vmem>>) target_semaphore(%arg14 : memref<!tpu.dma_semaphore, #tpu.memory_space<semaphore_mem>>)
    %add3A_45 = arith.constant 0 : i32
    %add3A_46 = arith.addi %select_n3A_8, %add3A_45 : i32
    %mul3A_47 = arith.constant 128 : i32
    %mul3A_48 = arith.muli %add3A_46, %mul3A_47 : i32
    %dma_start3A_49 = tpu.memref_slice %arg4[%mul3A_48] : memref<327680xi32, #tpu.memory_space<hbm>> -> memref<128xi32, #tpu.memory_space<hbm>>
    %dma_start3A_50 = tpu.memref_slice %arg4[%mul3A_48] : memref<327680xi32, #tpu.memory_space<hbm>> -> memref<128xi32, #tpu.memory_space<hbm>>
    tpu.enqueue_dma source(%dma_start3A_50 : memref<128xi32, #tpu.memory_space<hbm>>) target(%arg9 : memref<128xi32, #tpu.memory_space<vmem>>) target_semaphore(%arg16 : memref<!tpu.dma_semaphore, #tpu.memory_space<semaphore_mem>>)
    %add3A_51 = arith.constant 1 : i32
    %add3A_52 = arith.addi %select_n3A_8, %add3A_51 : i32
    %mul3A_53 = arith.constant 128 : i32
    %mul3A_54 = arith.muli %add3A_52, %mul3A_53 : i32
    %dma_start3A_55 = tpu.memref_slice %arg3[%mul3A_54] : memref<327680xi32, #tpu.memory_space<hbm>> -> memref<128xi32, #tpu.memory_space<hbm>>
    %dma_start3A_56 = tpu.memref_slice %arg3[%mul3A_54] : memref<327680xi32, #tpu.memory_space<hbm>> -> memref<128xi32, #tpu.memory_space<hbm>>
    tpu.enqueue_dma source(%dma_start3A_56 : memref<128xi32, #tpu.memory_space<hbm>>) target(%arg8 : memref<128xi32, #tpu.memory_space<vmem>>) target_semaphore(%arg15 : memref<!tpu.dma_semaphore, #tpu.memory_space<semaphore_mem>>)
    %add3A_57 = arith.constant 1 : i32
    %add3A_58 = arith.addi %select_n3A_8, %add3A_57 : i32
    %mul3A_59 = arith.constant 128 : i32
    %mul3A_60 = arith.muli %add3A_58, %mul3A_59 : i32
    %dma_start3A_61 = tpu.memref_slice %arg4[%mul3A_60] : memref<327680xi32, #tpu.memory_space<hbm>> -> memref<128xi32, #tpu.memory_space<hbm>>
    %dma_start3A_62 = tpu.memref_slice %arg4[%mul3A_60] : memref<327680xi32, #tpu.memory_space<hbm>> -> memref<128xi32, #tpu.memory_space<hbm>>
    tpu.enqueue_dma source(%dma_start3A_62 : memref<128xi32, #tpu.memory_space<hbm>>) target(%arg10 : memref<128xi32, #tpu.memory_space<vmem>>) target_semaphore(%arg17 : memref<!tpu.dma_semaphore, #tpu.memory_space<semaphore_mem>>)
    %dma_wait3A = arith.constant 0 : i32
    %dma_wait3A_63 = tpu.memref_slice %arg3[%dma_wait3A] : memref<327680xi32, #tpu.memory_space<hbm>> -> memref<128xi32, #tpu.memory_space<hbm>>
    %dma_wait3A_64 = tpu.memref_slice %arg3[%dma_wait3A] : memref<327680xi32, #tpu.memory_space<hbm>> -> memref<128xi32, #tpu.memory_space<hbm>>
    tpu.wait_dma2 semaphore(%arg14 : memref<!tpu.dma_semaphore, #tpu.memory_space<semaphore_mem>>) src(%dma_wait3A_64 : memref<128xi32, #tpu.memory_space<hbm>>) dst(%arg7 : memref<128xi32, #tpu.memory_space<vmem>>)
    %dma_wait3A_65 = arith.constant 0 : i32
    %dma_wait3A_66 = tpu.memref_slice %arg4[%dma_wait3A_65] : memref<327680xi32, #tpu.memory_space<hbm>> -> memref<128xi32, #tpu.memory_space<hbm>>
    %dma_wait3A_67 = tpu.memref_slice %arg4[%dma_wait3A_65] : memref<327680xi32, #tpu.memory_space<hbm>> -> memref<128xi32, #tpu.memory_space<hbm>>
    tpu.wait_dma2 semaphore(%arg16 : memref<!tpu.dma_semaphore, #tpu.memory_space<semaphore_mem>>) src(%dma_wait3A_67 : memref<128xi32, #tpu.memory_space<hbm>>) dst(%arg9 : memref<128xi32, #tpu.memory_space<vmem>>)
    %dma_start3A_68 = arith.constant 0 : i32
    %dma_start3A_69 = arith.constant 0 : i32
    %dma_start3A_70 = tpu.memref_slice %arg2[%dma_start3A_68, %dma_start3A_69] : memref<10000x128xf32, #tpu.memory_space<hbm>> -> memref<10000x128xf32, #tpu.memory_space<hbm>>
    tpu.enqueue_indirect_dma source(%dma_start3A_70 : memref<10000x128xf32, #tpu.memory_space<hbm>>) target(%arg11 : memref<128x128xf32, #tpu.memory_space<vmem>>) offsets(%arg7 : memref<128xi32, #tpu.memory_space<vmem>>) semaphore(%arg18 : memref<!tpu.dma_semaphore, #tpu.memory_space<semaphore_mem>>)
    %sub3A = arith.constant 2 : i32
    %sub3A_71 = arith.subi %select_n3A, %sub3A : i32
    %jit3A_72 = arith.constant 2 : i64
    %convert_element_type3A = arith.trunci %jit3A_72 : i64 to i32
    %div3A = arith.divsi %sub3A_71, %convert_element_type3A : i32
    %sign3A = arith.constant 0 : i32
    %sign3A_73 = arith.cmpi sgt, %sub3A_71, %sign3A : i32
    %sign3A_74 = arith.extui %sign3A_73 : i1 to i32
    %sign3A_75 = arith.constant 0 : i32
    %sign3A_76 = arith.cmpi slt, %sub3A_71, %sign3A_75 : i32
    %sign3A_77 = arith.extui %sign3A_76 : i1 to i32
    %sign3A_78 = arith.subi %sign3A_74, %sign3A_77 : i32
    %sign3A_79 = arith.constant 0 : i32
    %sign3A_80 = arith.cmpi sgt, %convert_element_type3A, %sign3A_79 : i32
    %sign3A_81 = arith.extui %sign3A_80 : i1 to i32
    %sign3A_82 = arith.constant 0 : i32
    %sign3A_83 = arith.cmpi slt, %convert_element_type3A, %sign3A_82 : i32
    %sign3A_84 = arith.extui %sign3A_83 : i1 to i32
    %sign3A_85 = arith.subi %sign3A_81, %sign3A_84 : i32
    %ne3A = arith.cmpi ne, %sign3A_78, %sign3A_85 : i32
    %rem3A = arith.remsi %sub3A_71, %convert_element_type3A : i32
    %ne3A_86 = arith.constant 0 : i32
    %ne3A_87 = arith.cmpi ne, %rem3A, %ne3A_86 : i32
    %and3A = arith.andi %ne3A, %ne3A_87 : i1
    %sub3A_88 = arith.constant 1 : i32
    %sub3A_89 = arith.subi %div3A, %sub3A_88 : i32
    %select_n3A_90 = arith.select %and3A, %sub3A_89, %div3A : i32
    %while3A_91 = arith.constant 0 : i32
    %while3A_92 = arith.constant 0 : i32
    %while3A_93 = arith.subi %select_n3A_90, %while3A_92 : i32
    %while3A_94 = arith.addi %while3A_92, %while3A_93 : i32
    %while3A_95 = arith.constant 1 : i32
    %while3A_96 = arith.divsi %while3A_93, %while3A_95 : i32
    %while3A_97 = arith.muli %while3A_96, %while3A_95 : i32
    %while3A_98 = arith.addi %while3A_92, %while3A_97 : i32
    %while3A_99 = arith.constant 1 : i32
    scf.for %while3A_128 = %while3A_92 to %while3A_98 step %while3A_99  : i32 {
      %mul3A_129 = arith.constant 2 : i32
      %mul3A_130 = arith.muli %while3A_128, %mul3A_129 : i32
      %dma_wait3A_131 = arith.constant 0 : i32
      %dma_wait3A_132 = tpu.memref_slice %arg3[%dma_wait3A_131] : memref<327680xi32, #tpu.memory_space<hbm>> -> memref<128xi32, #tpu.memory_space<hbm>>
      %dma_wait3A_133 = tpu.memref_slice %arg3[%dma_wait3A_131] : memref<327680xi32, #tpu.memory_space<hbm>> -> memref<128xi32, #tpu.memory_space<hbm>>
      tpu.wait_dma2 semaphore(%arg15 : memref<!tpu.dma_semaphore, #tpu.memory_space<semaphore_mem>>) src(%dma_wait3A_133 : memref<128xi32, #tpu.memory_space<hbm>>) dst(%arg8 : memref<128xi32, #tpu.memory_space<vmem>>)
      %dma_wait3A_134 = arith.constant 0 : i32
      %dma_wait3A_135 = tpu.memref_slice %arg4[%dma_wait3A_134] : memref<327680xi32, #tpu.memory_space<hbm>> -> memref<128xi32, #tpu.memory_space<hbm>>
      %dma_wait3A_136 = tpu.memref_slice %arg4[%dma_wait3A_134] : memref<327680xi32, #tpu.memory_space<hbm>> -> memref<128xi32, #tpu.memory_space<hbm>>
      tpu.wait_dma2 semaphore(%arg17 : memref<!tpu.dma_semaphore, #tpu.memory_space<semaphore_mem>>) src(%dma_wait3A_136 : memref<128xi32, #tpu.memory_space<hbm>>) dst(%arg10 : memref<128xi32, #tpu.memory_space<vmem>>)
      %add3A_137 = arith.constant 1 : i32
      %add3A_138 = arith.addi %mul3A_130, %add3A_137 : i32
      %dma_start3A_139 = arith.constant 0 : i32
      %dma_start3A_140 = arith.constant 0 : i32
      %dma_start3A_141 = tpu.memref_slice %arg2[%dma_start3A_139, %dma_start3A_140] : memref<10000x128xf32, #tpu.memory_space<hbm>> -> memref<10000x128xf32, #tpu.memory_space<hbm>>
      tpu.enqueue_indirect_dma source(%dma_start3A_141 : memref<10000x128xf32, #tpu.memory_space<hbm>>) target(%arg12 : memref<128x128xf32, #tpu.memory_space<vmem>>) offsets(%arg8 : memref<128xi32, #tpu.memory_space<vmem>>) semaphore(%arg19 : memref<!tpu.dma_semaphore, #tpu.memory_space<semaphore_mem>>)
      %dma_wait3A_142 = arith.constant 0 : i32
      %dma_wait3A_143 = arith.constant 0 : i32
      %dma_wait3A_144 = tpu.memref_slice %arg2[%dma_wait3A_142, %dma_wait3A_143] : memref<10000x128xf32, #tpu.memory_space<hbm>> -> memref<10000x128xf32, #tpu.memory_space<hbm>>
      tpu.wait_indirect_dma semaphore(%arg18 : memref<!tpu.dma_semaphore, #tpu.memory_space<semaphore_mem>>) src(%dma_wait3A_144 : memref<10000x128xf32, #tpu.memory_space<hbm>>) dst(%arg11 : memref<128x128xf32, #tpu.memory_space<vmem>>)
      "tpu.region"() ({
        %run_scoped3A = tpu.sem_alloc : memref<!tpu.dma_semaphore, #tpu.memory_space<semaphore_mem>>
        %dma_start3A_183 = arith.constant 0 : i32
        %dma_start3A_184 = arith.constant 0 : i32
        %dma_start3A_185 = tpu.memref_slice %arg13[%dma_start3A_183, %dma_start3A_184] : memref<10240x128xf32, #tpu.memory_space<vmem_shared>> -> memref<10240x128xf32, #tpu.memory_space<vmem_shared>>
        tpu.enqueue_indirect_dma source(%arg11 : memref<128x128xf32, #tpu.memory_space<vmem>>) target(%dma_start3A_185 : memref<10240x128xf32, #tpu.memory_space<vmem_shared>>) offsets(%arg9 : memref<128xi32, #tpu.memory_space<vmem>>) semaphore(%run_scoped3A : memref<!tpu.dma_semaphore, #tpu.memory_space<semaphore_mem>>) {add = true}
        %dma_wait3A_186 = arith.constant 0 : i32
        %dma_wait3A_187 = arith.constant 0 : i32
        %dma_wait3A_188 = tpu.memref_slice %arg13[%dma_wait3A_186, %dma_wait3A_187] : memref<10240x128xf32, #tpu.memory_space<vmem_shared>> -> memref<10240x128xf32, #tpu.memory_space<vmem_shared>>
        tpu.wait_indirect_dma semaphore(%run_scoped3A : memref<!tpu.dma_semaphore, #tpu.memory_space<semaphore_mem>>) src(%arg11 : memref<128x128xf32, #tpu.memory_space<vmem>>) dst(%dma_wait3A_188 : memref<10240x128xf32, #tpu.memory_space<vmem_shared>>)
        tpu.yield
      }) : () -> ()
      %add3A_145 = arith.constant 2 : i32
      %add3A_146 = arith.addi %mul3A_130, %add3A_145 : i32
      %add3A_147 = arith.addi %select_n3A_8, %add3A_146 : i32
      %mul3A_148 = arith.constant 128 : i32
      %mul3A_149 = arith.muli %add3A_147, %mul3A_148 : i32
      %dma_start3A_150 = tpu.memref_slice %arg3[%mul3A_149] : memref<327680xi32, #tpu.memory_space<hbm>> -> memref<128xi32, #tpu.memory_space<hbm>>
      %dma_start3A_151 = tpu.memref_slice %arg3[%mul3A_149] : memref<327680xi32, #tpu.memory_space<hbm>> -> memref<128xi32, #tpu.memory_space<hbm>>
      tpu.enqueue_dma source(%dma_start3A_151 : memref<128xi32, #tpu.memory_space<hbm>>) target(%arg7 : memref<128xi32, #tpu.memory_space<vmem>>) target_semaphore(%arg14 : memref<!tpu.dma_semaphore, #tpu.memory_space<semaphore_mem>>)
      %add3A_152 = arith.addi %select_n3A_8, %add3A_146 : i32
      %mul3A_153 = arith.constant 128 : i32
      %mul3A_154 = arith.muli %add3A_152, %mul3A_153 : i32
      %dma_start3A_155 = tpu.memref_slice %arg4[%mul3A_154] : memref<327680xi32, #tpu.memory_space<hbm>> -> memref<128xi32, #tpu.memory_space<hbm>>
      %dma_start3A_156 = tpu.memref_slice %arg4[%mul3A_154] : memref<327680xi32, #tpu.memory_space<hbm>> -> memref<128xi32, #tpu.memory_space<hbm>>
      tpu.enqueue_dma source(%dma_start3A_156 : memref<128xi32, #tpu.memory_space<hbm>>) target(%arg9 : memref<128xi32, #tpu.memory_space<vmem>>) target_semaphore(%arg16 : memref<!tpu.dma_semaphore, #tpu.memory_space<semaphore_mem>>)
      %dma_wait3A_157 = arith.constant 0 : i32
      %dma_wait3A_158 = tpu.memref_slice %arg3[%dma_wait3A_157] : memref<327680xi32, #tpu.memory_space<hbm>> -> memref<128xi32, #tpu.memory_space<hbm>>
      %dma_wait3A_159 = tpu.memref_slice %arg3[%dma_wait3A_157] : memref<327680xi32, #tpu.memory_space<hbm>> -> memref<128xi32, #tpu.memory_space<hbm>>
      tpu.wait_dma2 semaphore(%arg14 : memref<!tpu.dma_semaphore, #tpu.memory_space<semaphore_mem>>) src(%dma_wait3A_159 : memref<128xi32, #tpu.memory_space<hbm>>) dst(%arg7 : memref<128xi32, #tpu.memory_space<vmem>>)
      %dma_wait3A_160 = arith.constant 0 : i32
      %dma_wait3A_161 = tpu.memref_slice %arg4[%dma_wait3A_160] : memref<327680xi32, #tpu.memory_space<hbm>> -> memref<128xi32, #tpu.memory_space<hbm>>
      %dma_wait3A_162 = tpu.memref_slice %arg4[%dma_wait3A_160] : memref<327680xi32, #tpu.memory_space<hbm>> -> memref<128xi32, #tpu.memory_space<hbm>>
      tpu.wait_dma2 semaphore(%arg16 : memref<!tpu.dma_semaphore, #tpu.memory_space<semaphore_mem>>) src(%dma_wait3A_162 : memref<128xi32, #tpu.memory_space<hbm>>) dst(%arg9 : memref<128xi32, #tpu.memory_space<vmem>>)
      %add3A_163 = arith.constant 2 : i32
      %add3A_164 = arith.addi %mul3A_130, %add3A_163 : i32
      %dma_start3A_165 = arith.constant 0 : i32
      %dma_start3A_166 = arith.constant 0 : i32
      %dma_start3A_167 = tpu.memref_slice %arg2[%dma_start3A_165, %dma_start3A_166] : memref<10000x128xf32, #tpu.memory_space<hbm>> -> memref<10000x128xf32, #tpu.memory_space<hbm>>
      tpu.enqueue_indirect_dma source(%dma_start3A_167 : memref<10000x128xf32, #tpu.memory_space<hbm>>) target(%arg11 : memref<128x128xf32, #tpu.memory_space<vmem>>) offsets(%arg7 : memref<128xi32, #tpu.memory_space<vmem>>) semaphore(%arg18 : memref<!tpu.dma_semaphore, #tpu.memory_space<semaphore_mem>>)
      %dma_wait3A_168 = arith.constant 0 : i32
      %dma_wait3A_169 = arith.constant 0 : i32
      %dma_wait3A_170 = tpu.memref_slice %arg2[%dma_wait3A_168, %dma_wait3A_169] : memref<10000x128xf32, #tpu.memory_space<hbm>> -> memref<10000x128xf32, #tpu.memory_space<hbm>>
      tpu.wait_indirect_dma semaphore(%arg19 : memref<!tpu.dma_semaphore, #tpu.memory_space<semaphore_mem>>) src(%dma_wait3A_170 : memref<10000x128xf32, #tpu.memory_space<hbm>>) dst(%arg12 : memref<128x128xf32, #tpu.memory_space<vmem>>)
      "tpu.region"() ({
        %run_scoped3A = tpu.sem_alloc : memref<!tpu.dma_semaphore, #tpu.memory_space<semaphore_mem>>
        %dma_start3A_183 = arith.constant 0 : i32
        %dma_start3A_184 = arith.constant 0 : i32
        %dma_start3A_185 = tpu.memref_slice %arg13[%dma_start3A_183, %dma_start3A_184] : memref<10240x128xf32, #tpu.memory_space<vmem_shared>> -> memref<10240x128xf32, #tpu.memory_space<vmem_shared>>
        tpu.enqueue_indirect_dma source(%arg12 : memref<128x128xf32, #tpu.memory_space<vmem>>) target(%dma_start3A_185 : memref<10240x128xf32, #tpu.memory_space<vmem_shared>>) offsets(%arg10 : memref<128xi32, #tpu.memory_space<vmem>>) semaphore(%run_scoped3A : memref<!tpu.dma_semaphore, #tpu.memory_space<semaphore_mem>>) {add = true}
        %dma_wait3A_186 = arith.constant 0 : i32
        %dma_wait3A_187 = arith.constant 0 : i32
        %dma_wait3A_188 = tpu.memref_slice %arg13[%dma_wait3A_186, %dma_wait3A_187] : memref<10240x128xf32, #tpu.memory_space<vmem_shared>> -> memref<10240x128xf32, #tpu.memory_space<vmem_shared>>
        tpu.wait_indirect_dma semaphore(%run_scoped3A : memref<!tpu.dma_semaphore, #tpu.memory_space<semaphore_mem>>) src(%arg12 : memref<128x128xf32, #tpu.memory_space<vmem>>) dst(%dma_wait3A_188 : memref<10240x128xf32, #tpu.memory_space<vmem_shared>>)
        tpu.yield
      }) : () -> ()
      %add3A_171 = arith.constant 3 : i32
      %add3A_172 = arith.addi %mul3A_130, %add3A_171 : i32
      %add3A_173 = arith.addi %select_n3A_8, %add3A_172 : i32
      %mul3A_174 = arith.constant 128 : i32
      %mul3A_175 = arith.muli %add3A_173, %mul3A_174 : i32
      %dma_start3A_176 = tpu.memref_slice %arg3[%mul3A_175] : memref<327680xi32, #tpu.memory_space<hbm>> -> memref<128xi32, #tpu.memory_space<hbm>>
      %dma_start3A_177 = tpu.memref_slice %arg3[%mul3A_175] : memref<327680xi32, #tpu.memory_space<hbm>> -> memref<128xi32, #tpu.memory_space<hbm>>
      tpu.enqueue_dma source(%dma_start3A_177 : memref<128xi32, #tpu.memory_space<hbm>>) target(%arg8 : memref<128xi32, #tpu.memory_space<vmem>>) target_semaphore(%arg15 : memref<!tpu.dma_semaphore, #tpu.memory_space<semaphore_mem>>)
      %add3A_178 = arith.addi %select_n3A_8, %add3A_172 : i32
      %mul3A_179 = arith.constant 128 : i32
      %mul3A_180 = arith.muli %add3A_178, %mul3A_179 : i32
      %dma_start3A_181 = tpu.memref_slice %arg4[%mul3A_180] : memref<327680xi32, #tpu.memory_space<hbm>> -> memref<128xi32, #tpu.memory_space<hbm>>
      %dma_start3A_182 = tpu.memref_slice %arg4[%mul3A_180] : memref<327680xi32, #tpu.memory_space<hbm>> -> memref<128xi32, #tpu.memory_space<hbm>>
      tpu.enqueue_dma source(%dma_start3A_182 : memref<128xi32, #tpu.memory_space<hbm>>) target(%arg10 : memref<128xi32, #tpu.memory_space<vmem>>) target_semaphore(%arg17 : memref<!tpu.dma_semaphore, #tpu.memory_space<semaphore_mem>>)
    }
    %while3A_100 = arith.constant 1 : i32
    scf.for %while3A_128 = %while3A_98 to %while3A_94 step %while3A_100  : i32 {
      %mul3A_129 = arith.constant 2 : i32
      %mul3A_130 = arith.muli %while3A_128, %mul3A_129 : i32
      %dma_wait3A_131 = arith.constant 0 : i32
      %dma_wait3A_132 = tpu.memref_slice %arg3[%dma_wait3A_131] : memref<327680xi32, #tpu.memory_space<hbm>> -> memref<128xi32, #tpu.memory_space<hbm>>
      %dma_wait3A_133 = tpu.memref_slice %arg3[%dma_wait3A_131] : memref<327680xi32, #tpu.memory_space<hbm>> -> memref<128xi32, #tpu.memory_space<hbm>>
      tpu.wait_dma2 semaphore(%arg15 : memref<!tpu.dma_semaphore, #tpu.memory_space<semaphore_mem>>) src(%dma_wait3A_133 : memref<128xi32, #tpu.memory_space<hbm>>) dst(%arg8 : memref<128xi32, #tpu.memory_space<vmem>>)
      %dma_wait3A_134 = arith.constant 0 : i32
      %dma_wait3A_135 = tpu.memref_slice %arg4[%dma_wait3A_134] : memref<327680xi32, #tpu.memory_space<hbm>> -> memref<128xi32, #tpu.memory_space<hbm>>
      %dma_wait3A_136 = tpu.memref_slice %arg4[%dma_wait3A_134] : memref<327680xi32, #tpu.memory_space<hbm>> -> memref<128xi32, #tpu.memory_space<hbm>>
      tpu.wait_dma2 semaphore(%arg17 : memref<!tpu.dma_semaphore, #tpu.memory_space<semaphore_mem>>) src(%dma_wait3A_136 : memref<128xi32, #tpu.memory_space<hbm>>) dst(%arg10 : memref<128xi32, #tpu.memory_space<vmem>>)
      %add3A_137 = arith.constant 1 : i32
      %add3A_138 = arith.addi %mul3A_130, %add3A_137 : i32
      %dma_start3A_139 = arith.constant 0 : i32
      %dma_start3A_140 = arith.constant 0 : i32
      %dma_start3A_141 = tpu.memref_slice %arg2[%dma_start3A_139, %dma_start3A_140] : memref<10000x128xf32, #tpu.memory_space<hbm>> -> memref<10000x128xf32, #tpu.memory_space<hbm>>
      tpu.enqueue_indirect_dma source(%dma_start3A_141 : memref<10000x128xf32, #tpu.memory_space<hbm>>) target(%arg12 : memref<128x128xf32, #tpu.memory_space<vmem>>) offsets(%arg8 : memref<128xi32, #tpu.memory_space<vmem>>) semaphore(%arg19 : memref<!tpu.dma_semaphore, #tpu.memory_space<semaphore_mem>>)
      %dma_wait3A_142 = arith.constant 0 : i32
      %dma_wait3A_143 = arith.constant 0 : i32
      %dma_wait3A_144 = tpu.memref_slice %arg2[%dma_wait3A_142, %dma_wait3A_143] : memref<10000x128xf32, #tpu.memory_space<hbm>> -> memref<10000x128xf32, #tpu.memory_space<hbm>>
      tpu.wait_indirect_dma semaphore(%arg18 : memref<!tpu.dma_semaphore, #tpu.memory_space<semaphore_mem>>) src(%dma_wait3A_144 : memref<10000x128xf32, #tpu.memory_space<hbm>>) dst(%arg11 : memref<128x128xf32, #tpu.memory_space<vmem>>)
      "tpu.region"() ({
        %run_scoped3A = tpu.sem_alloc : memref<!tpu.dma_semaphore, #tpu.memory_space<semaphore_mem>>
        %dma_start3A_183 = arith.constant 0 : i32
        %dma_start3A_184 = arith.constant 0 : i32
        %dma_start3A_185 = tpu.memref_slice %arg13[%dma_start3A_183, %dma_start3A_184] : memref<10240x128xf32, #tpu.memory_space<vmem_shared>> -> memref<10240x128xf32, #tpu.memory_space<vmem_shared>>
        tpu.enqueue_indirect_dma source(%arg11 : memref<128x128xf32, #tpu.memory_space<vmem>>) target(%dma_start3A_185 : memref<10240x128xf32, #tpu.memory_space<vmem_shared>>) offsets(%arg9 : memref<128xi32, #tpu.memory_space<vmem>>) semaphore(%run_scoped3A : memref<!tpu.dma_semaphore, #tpu.memory_space<semaphore_mem>>) {add = true}
        %dma_wait3A_186 = arith.constant 0 : i32
        %dma_wait3A_187 = arith.constant 0 : i32
        %dma_wait3A_188 = tpu.memref_slice %arg13[%dma_wait3A_186, %dma_wait3A_187] : memref<10240x128xf32, #tpu.memory_space<vmem_shared>> -> memref<10240x128xf32, #tpu.memory_space<vmem_shared>>
        tpu.wait_indirect_dma semaphore(%run_scoped3A : memref<!tpu.dma_semaphore, #tpu.memory_space<semaphore_mem>>) src(%arg11 : memref<128x128xf32, #tpu.memory_space<vmem>>) dst(%dma_wait3A_188 : memref<10240x128xf32, #tpu.memory_space<vmem_shared>>)
        tpu.yield
      }) : () -> ()
      %add3A_145 = arith.constant 2 : i32
      %add3A_146 = arith.addi %mul3A_130, %add3A_145 : i32
      %add3A_147 = arith.addi %select_n3A_8, %add3A_146 : i32
      %mul3A_148 = arith.constant 128 : i32
      %mul3A_149 = arith.muli %add3A_147, %mul3A_148 : i32
      %dma_start3A_150 = tpu.memref_slice %arg3[%mul3A_149] : memref<327680xi32, #tpu.memory_space<hbm>> -> memref<128xi32, #tpu.memory_space<hbm>>
      %dma_start3A_151 = tpu.memref_slice %arg3[%mul3A_149] : memref<327680xi32, #tpu.memory_space<hbm>> -> memref<128xi32, #tpu.memory_space<hbm>>
      tpu.enqueue_dma source(%dma_start3A_151 : memref<128xi32, #tpu.memory_space<hbm>>) target(%arg7 : memref<128xi32, #tpu.memory_space<vmem>>) target_semaphore(%arg14 : memref<!tpu.dma_semaphore, #tpu.memory_space<semaphore_mem>>)
      %add3A_152 = arith.addi %select_n3A_8, %add3A_146 : i32
      %mul3A_153 = arith.constant 128 : i32
      %mul3A_154 = arith.muli %add3A_152, %mul3A_153 : i32
      %dma_start3A_155 = tpu.memref_slice %arg4[%mul3A_154] : memref<327680xi32, #tpu.memory_space<hbm>> -> memref<128xi32, #tpu.memory_space<hbm>>
      %dma_start3A_156 = tpu.memref_slice %arg4[%mul3A_154] : memref<327680xi32, #tpu.memory_space<hbm>> -> memref<128xi32, #tpu.memory_space<hbm>>
      tpu.enqueue_dma source(%dma_start3A_156 : memref<128xi32, #tpu.memory_space<hbm>>) target(%arg9 : memref<128xi32, #tpu.memory_space<vmem>>) target_semaphore(%arg16 : memref<!tpu.dma_semaphore, #tpu.memory_space<semaphore_mem>>)
      %dma_wait3A_157 = arith.constant 0 : i32
      %dma_wait3A_158 = tpu.memref_slice %arg3[%dma_wait3A_157] : memref<327680xi32, #tpu.memory_space<hbm>> -> memref<128xi32, #tpu.memory_space<hbm>>
      %dma_wait3A_159 = tpu.memref_slice %arg3[%dma_wait3A_157] : memref<327680xi32, #tpu.memory_space<hbm>> -> memref<128xi32, #tpu.memory_space<hbm>>
      tpu.wait_dma2 semaphore(%arg14 : memref<!tpu.dma_semaphore, #tpu.memory_space<semaphore_mem>>) src(%dma_wait3A_159 : memref<128xi32, #tpu.memory_space<hbm>>) dst(%arg7 : memref<128xi32, #tpu.memory_space<vmem>>)
      %dma_wait3A_160 = arith.constant 0 : i32
      %dma_wait3A_161 = tpu.memref_slice %arg4[%dma_wait3A_160] : memref<327680xi32, #tpu.memory_space<hbm>> -> memref<128xi32, #tpu.memory_space<hbm>>
      %dma_wait3A_162 = tpu.memref_slice %arg4[%dma_wait3A_160] : memref<327680xi32, #tpu.memory_space<hbm>> -> memref<128xi32, #tpu.memory_space<hbm>>
      tpu.wait_dma2 semaphore(%arg16 : memref<!tpu.dma_semaphore, #tpu.memory_space<semaphore_mem>>) src(%dma_wait3A_162 : memref<128xi32, #tpu.memory_space<hbm>>) dst(%arg9 : memref<128xi32, #tpu.memory_space<vmem>>)
      %add3A_163 = arith.constant 2 : i32
      %add3A_164 = arith.addi %mul3A_130, %add3A_163 : i32
      %dma_start3A_165 = arith.constant 0 : i32
      %dma_start3A_166 = arith.constant 0 : i32
      %dma_start3A_167 = tpu.memref_slice %arg2[%dma_start3A_165, %dma_start3A_166] : memref<10000x128xf32, #tpu.memory_space<hbm>> -> memref<10000x128xf32, #tpu.memory_space<hbm>>
      tpu.enqueue_indirect_dma source(%dma_start3A_167 : memref<10000x128xf32, #tpu.memory_space<hbm>>) target(%arg11 : memref<128x128xf32, #tpu.memory_space<vmem>>) offsets(%arg7 : memref<128xi32, #tpu.memory_space<vmem>>) semaphore(%arg18 : memref<!tpu.dma_semaphore, #tpu.memory_space<semaphore_mem>>)
      %dma_wait3A_168 = arith.constant 0 : i32
      %dma_wait3A_169 = arith.constant 0 : i32
      %dma_wait3A_170 = tpu.memref_slice %arg2[%dma_wait3A_168, %dma_wait3A_169] : memref<10000x128xf32, #tpu.memory_space<hbm>> -> memref<10000x128xf32, #tpu.memory_space<hbm>>
      tpu.wait_indirect_dma semaphore(%arg19 : memref<!tpu.dma_semaphore, #tpu.memory_space<semaphore_mem>>) src(%dma_wait3A_170 : memref<10000x128xf32, #tpu.memory_space<hbm>>) dst(%arg12 : memref<128x128xf32, #tpu.memory_space<vmem>>)
      "tpu.region"() ({
        %run_scoped3A = tpu.sem_alloc : memref<!tpu.dma_semaphore, #tpu.memory_space<semaphore_mem>>
        %dma_start3A_183 = arith.constant 0 : i32
        %dma_start3A_184 = arith.constant 0 : i32
        %dma_start3A_185 = tpu.memref_slice %arg13[%dma_start3A_183, %dma_start3A_184] : memref<10240x128xf32, #tpu.memory_space<vmem_shared>> -> memref<10240x128xf32, #tpu.memory_space<vmem_shared>>
        tpu.enqueue_indirect_dma source(%arg12 : memref<128x128xf32, #tpu.memory_space<vmem>>) target(%dma_start3A_185 : memref<10240x128xf32, #tpu.memory_space<vmem_shared>>) offsets(%arg10 : memref<128xi32, #tpu.memory_space<vmem>>) semaphore(%run_scoped3A : memref<!tpu.dma_semaphore, #tpu.memory_space<semaphore_mem>>) {add = true}
        %dma_wait3A_186 = arith.constant 0 : i32
        %dma_wait3A_187 = arith.constant 0 : i32
        %dma_wait3A_188 = tpu.memref_slice %arg13[%dma_wait3A_186, %dma_wait3A_187] : memref<10240x128xf32, #tpu.memory_space<vmem_shared>> -> memref<10240x128xf32, #tpu.memory_space<vmem_shared>>
        tpu.wait_indirect_dma semaphore(%run_scoped3A : memref<!tpu.dma_semaphore, #tpu.memory_space<semaphore_mem>>) src(%arg12 : memref<128x128xf32, #tpu.memory_space<vmem>>) dst(%dma_wait3A_188 : memref<10240x128xf32, #tpu.memory_space<vmem_shared>>)
        tpu.yield
      }) : () -> ()
      %add3A_171 = arith.constant 3 : i32
      %add3A_172 = arith.addi %mul3A_130, %add3A_171 : i32
      %add3A_173 = arith.addi %select_n3A_8, %add3A_172 : i32
      %mul3A_174 = arith.constant 128 : i32
      %mul3A_175 = arith.muli %add3A_173, %mul3A_174 : i32
      %dma_start3A_176 = tpu.memref_slice %arg3[%mul3A_175] : memref<327680xi32, #tpu.memory_space<hbm>> -> memref<128xi32, #tpu.memory_space<hbm>>
      %dma_start3A_177 = tpu.memref_slice %arg3[%mul3A_175] : memref<327680xi32, #tpu.memory_space<hbm>> -> memref<128xi32, #tpu.memory_space<hbm>>
      tpu.enqueue_dma source(%dma_start3A_177 : memref<128xi32, #tpu.memory_space<hbm>>) target(%arg8 : memref<128xi32, #tpu.memory_space<vmem>>) target_semaphore(%arg15 : memref<!tpu.dma_semaphore, #tpu.memory_space<semaphore_mem>>)
      %add3A_178 = arith.addi %select_n3A_8, %add3A_172 : i32
      %mul3A_179 = arith.constant 128 : i32
      %mul3A_180 = arith.muli %add3A_178, %mul3A_179 : i32
      %dma_start3A_181 = tpu.memref_slice %arg4[%mul3A_180] : memref<327680xi32, #tpu.memory_space<hbm>> -> memref<128xi32, #tpu.memory_space<hbm>>
      %dma_start3A_182 = tpu.memref_slice %arg4[%mul3A_180] : memref<327680xi32, #tpu.memory_space<hbm>> -> memref<128xi32, #tpu.memory_space<hbm>>
      tpu.enqueue_dma source(%dma_start3A_182 : memref<128xi32, #tpu.memory_space<hbm>>) target(%arg10 : memref<128xi32, #tpu.memory_space<vmem>>) target_semaphore(%arg17 : memref<!tpu.dma_semaphore, #tpu.memory_space<semaphore_mem>>)
    }
    %dma_wait3A_101 = arith.constant 0 : i32
    %dma_wait3A_102 = tpu.memref_slice %arg3[%dma_wait3A_101] : memref<327680xi32, #tpu.memory_space<hbm>> -> memref<128xi32, #tpu.memory_space<hbm>>
    %dma_wait3A_103 = tpu.memref_slice %arg3[%dma_wait3A_101] : memref<327680xi32, #tpu.memory_space<hbm>> -> memref<128xi32, #tpu.memory_space<hbm>>
    tpu.wait_dma2 semaphore(%arg15 : memref<!tpu.dma_semaphore, #tpu.memory_space<semaphore_mem>>) src(%dma_wait3A_103 : memref<128xi32, #tpu.memory_space<hbm>>) dst(%arg8 : memref<128xi32, #tpu.memory_space<vmem>>)
    %dma_wait3A_104 = arith.constant 0 : i32
    %dma_wait3A_105 = tpu.memref_slice %arg4[%dma_wait3A_104] : memref<327680xi32, #tpu.memory_space<hbm>> -> memref<128xi32, #tpu.memory_space<hbm>>
    %dma_wait3A_106 = tpu.memref_slice %arg4[%dma_wait3A_104] : memref<327680xi32, #tpu.memory_space<hbm>> -> memref<128xi32, #tpu.memory_space<hbm>>
    tpu.wait_dma2 semaphore(%arg17 : memref<!tpu.dma_semaphore, #tpu.memory_space<semaphore_mem>>) src(%dma_wait3A_106 : memref<128xi32, #tpu.memory_space<hbm>>) dst(%arg10 : memref<128xi32, #tpu.memory_space<vmem>>)
    %sub3A_107 = arith.constant 1 : i32
    %sub3A_108 = arith.subi %select_n3A, %sub3A_107 : i32
    %dma_start3A_109 = arith.constant 0 : i32
    %dma_start3A_110 = arith.constant 0 : i32
    %dma_start3A_111 = tpu.memref_slice %arg2[%dma_start3A_109, %dma_start3A_110] : memref<10000x128xf32, #tpu.memory_space<hbm>> -> memref<10000x128xf32, #tpu.memory_space<hbm>>
    tpu.enqueue_indirect_dma source(%dma_start3A_111 : memref<10000x128xf32, #tpu.memory_space<hbm>>) target(%arg12 : memref<128x128xf32, #tpu.memory_space<vmem>>) offsets(%arg8 : memref<128xi32, #tpu.memory_space<vmem>>) semaphore(%arg19 : memref<!tpu.dma_semaphore, #tpu.memory_space<semaphore_mem>>)
    %dma_wait3A_112 = arith.constant 0 : i32
    %dma_wait3A_113 = arith.constant 0 : i32
    %dma_wait3A_114 = tpu.memref_slice %arg2[%dma_wait3A_112, %dma_wait3A_113] : memref<10000x128xf32, #tpu.memory_space<hbm>> -> memref<10000x128xf32, #tpu.memory_space<hbm>>
    tpu.wait_indirect_dma semaphore(%arg18 : memref<!tpu.dma_semaphore, #tpu.memory_space<semaphore_mem>>) src(%dma_wait3A_114 : memref<10000x128xf32, #tpu.memory_space<hbm>>) dst(%arg11 : memref<128x128xf32, #tpu.memory_space<vmem>>)
    "tpu.region"() ({
      %run_scoped3A = tpu.sem_alloc : memref<!tpu.dma_semaphore, #tpu.memory_space<semaphore_mem>>
      %dma_start3A_128 = arith.constant 0 : i32
      %dma_start3A_129 = arith.constant 0 : i32
      %dma_start3A_130 = tpu.memref_slice %arg13[%dma_start3A_128, %dma_start3A_129] : memref<10240x128xf32, #tpu.memory_space<vmem_shared>> -> memref<10240x128xf32, #tpu.memory_space<vmem_shared>>
      tpu.enqueue_indirect_dma source(%arg11 : memref<128x128xf32, #tpu.memory_space<vmem>>) target(%dma_start3A_130 : memref<10240x128xf32, #tpu.memory_space<vmem_shared>>) offsets(%arg9 : memref<128xi32, #tpu.memory_space<vmem>>) semaphore(%run_scoped3A : memref<!tpu.dma_semaphore, #tpu.memory_space<semaphore_mem>>) {add = true}
      %dma_wait3A_131 = arith.constant 0 : i32
      %dma_wait3A_132 = arith.constant 0 : i32
      %dma_wait3A_133 = tpu.memref_slice %arg13[%dma_wait3A_131, %dma_wait3A_132] : memref<10240x128xf32, #tpu.memory_space<vmem_shared>> -> memref<10240x128xf32, #tpu.memory_space<vmem_shared>>
      tpu.wait_indirect_dma semaphore(%run_scoped3A : memref<!tpu.dma_semaphore, #tpu.memory_space<semaphore_mem>>) src(%arg11 : memref<128x128xf32, #tpu.memory_space<vmem>>) dst(%dma_wait3A_133 : memref<10240x128xf32, #tpu.memory_space<vmem_shared>>)
      tpu.yield
    }) : () -> ()
    %dma_wait3A_115 = arith.constant 0 : i32
    %dma_wait3A_116 = arith.constant 0 : i32
    %dma_wait3A_117 = tpu.memref_slice %arg2[%dma_wait3A_115, %dma_wait3A_116] : memref<10000x128xf32, #tpu.memory_space<hbm>> -> memref<10000x128xf32, #tpu.memory_space<hbm>>
    tpu.wait_indirect_dma semaphore(%arg19 : memref<!tpu.dma_semaphore, #tpu.memory_space<semaphore_mem>>) src(%dma_wait3A_117 : memref<10000x128xf32, #tpu.memory_space<hbm>>) dst(%arg12 : memref<128x128xf32, #tpu.memory_space<vmem>>)
    "tpu.region"() ({
      %run_scoped3A = tpu.sem_alloc : memref<!tpu.dma_semaphore, #tpu.memory_space<semaphore_mem>>
      %dma_start3A_128 = arith.constant 0 : i32
      %dma_start3A_129 = arith.constant 0 : i32
      %dma_start3A_130 = tpu.memref_slice %arg13[%dma_start3A_128, %dma_start3A_129] : memref<10240x128xf32, #tpu.memory_space<vmem_shared>> -> memref<10240x128xf32, #tpu.memory_space<vmem_shared>>
      tpu.enqueue_indirect_dma source(%arg12 : memref<128x128xf32, #tpu.memory_space<vmem>>) target(%dma_start3A_130 : memref<10240x128xf32, #tpu.memory_space<vmem_shared>>) offsets(%arg10 : memref<128xi32, #tpu.memory_space<vmem>>) semaphore(%run_scoped3A : memref<!tpu.dma_semaphore, #tpu.memory_space<semaphore_mem>>) {add = true}
      %dma_wait3A_131 = arith.constant 0 : i32
      %dma_wait3A_132 = arith.constant 0 : i32
      %dma_wait3A_133 = tpu.memref_slice %arg13[%dma_wait3A_131, %dma_wait3A_132] : memref<10240x128xf32, #tpu.memory_space<vmem_shared>> -> memref<10240x128xf32, #tpu.memory_space<vmem_shared>>
      tpu.wait_indirect_dma semaphore(%run_scoped3A : memref<!tpu.dma_semaphore, #tpu.memory_space<semaphore_mem>>) src(%arg12 : memref<128x128xf32, #tpu.memory_space<vmem>>) dst(%dma_wait3A_133 : memref<10240x128xf32, #tpu.memory_space<vmem_shared>>)
      tpu.yield
    }) : () -> ()
    %barrier3A_118 = arith.constant 0 : index
    tpu.barrier barrier_id(%barrier3A_118)
    %eq3A_119 = arith.constant 0 : i32
    %eq3A_120 = arith.cmpi eq, %arg0, %eq3A_119 : i32
    %convert_element_type3A_121 = arith.extui %eq3A_120 : i1 to i32
    %cond3A = arith.constant 0 : i32
    %cond3A_122 = arith.cmpi ne, %convert_element_type3A_121, %cond3A : i32
    scf.if %cond3A_122 {
      %mul3A_128 = arith.constant 640 : i32
      %mul3A_129 = arith.muli %arg1, %mul3A_128 : i32
      %add3A_130 = arith.constant 0 : i32
      %add3A_131 = arith.addi %mul3A_129, %add3A_130 : i32
      %mul3A_132 = arith.constant 640 : i32
      %mul3A_133 = arith.muli %arg1, %mul3A_132 : i32
      %add3A_134 = arith.constant 0 : i32
      %add3A_135 = arith.addi %mul3A_133, %add3A_134 : i32
      %dma_start3A_136 = arith.constant 0 : i32
      %dma_start3A_137 = tpu.memref_slice %arg5[%add3A_135, %dma_start3A_136] : memref<10240x128xf32, #tpu.memory_space<hbm>> -> memref<160x128xf32, #tpu.memory_space<hbm>>
      %dma_start3A_138 = arith.constant 0 : i32
      %dma_start3A_139 = tpu.memref_slice %arg13[%add3A_131, %dma_start3A_138] : memref<10240x128xf32, #tpu.memory_space<vmem_shared>> -> memref<160x128xf32, #tpu.memory_space<vmem_shared>>
      tpu.enqueue_dma source(%dma_start3A_139 : memref<160x128xf32, #tpu.memory_space<vmem_shared>>) target(%dma_start3A_137 : memref<160x128xf32, #tpu.memory_space<hbm>>) target_semaphore(%arg14 : memref<!tpu.dma_semaphore, #tpu.memory_space<semaphore_mem>>)
      %mul3A_140 = arith.constant 640 : i32
      %mul3A_141 = arith.muli %arg1, %mul3A_140 : i32
      %add3A_142 = arith.constant 160 : i32
      %add3A_143 = arith.addi %mul3A_141, %add3A_142 : i32
      %mul3A_144 = arith.constant 640 : i32
      %mul3A_145 = arith.muli %arg1, %mul3A_144 : i32
      %add3A_146 = arith.constant 160 : i32
      %add3A_147 = arith.addi %mul3A_145, %add3A_146 : i32
      %dma_start3A_148 = arith.constant 0 : i32
      %dma_start3A_149 = tpu.memref_slice %arg5[%add3A_147, %dma_start3A_148] : memref<10240x128xf32, #tpu.memory_space<hbm>> -> memref<160x128xf32, #tpu.memory_space<hbm>>
      %dma_start3A_150 = arith.constant 0 : i32
      %dma_start3A_151 = tpu.memref_slice %arg13[%add3A_143, %dma_start3A_150] : memref<10240x128xf32, #tpu.memory_space<vmem_shared>> -> memref<160x128xf32, #tpu.memory_space<vmem_shared>>
      tpu.enqueue_dma source(%dma_start3A_151 : memref<160x128xf32, #tpu.memory_space<vmem_shared>>) target(%dma_start3A_149 : memref<160x128xf32, #tpu.memory_space<hbm>>) target_semaphore(%arg15 : memref<!tpu.dma_semaphore, #tpu.memory_space<semaphore_mem>>)
      %mul3A_152 = arith.constant 640 : i32
      %mul3A_153 = arith.muli %arg1, %mul3A_152 : i32
      %add3A_154 = arith.constant 320 : i32
      %add3A_155 = arith.addi %mul3A_153, %add3A_154 : i32
      %mul3A_156 = arith.constant 640 : i32
      %mul3A_157 = arith.muli %arg1, %mul3A_156 : i32
      %add3A_158 = arith.constant 320 : i32
      %add3A_159 = arith.addi %mul3A_157, %add3A_158 : i32
      %dma_start3A_160 = arith.constant 0 : i32
      %dma_start3A_161 = tpu.memref_slice %arg5[%add3A_159, %dma_start3A_160] : memref<10240x128xf32, #tpu.memory_space<hbm>> -> memref<160x128xf32, #tpu.memory_space<hbm>>
      %dma_start3A_162 = arith.constant 0 : i32
      %dma_start3A_163 = tpu.memref_slice %arg13[%add3A_155, %dma_start3A_162] : memref<10240x128xf32, #tpu.memory_space<vmem_shared>> -> memref<160x128xf32, #tpu.memory_space<vmem_shared>>
      tpu.enqueue_dma source(%dma_start3A_163 : memref<160x128xf32, #tpu.memory_space<vmem_shared>>) target(%dma_start3A_161 : memref<160x128xf32, #tpu.memory_space<hbm>>) target_semaphore(%arg16 : memref<!tpu.dma_semaphore, #tpu.memory_space<semaphore_mem>>)
      %mul3A_164 = arith.constant 640 : i32
      %mul3A_165 = arith.muli %arg1, %mul3A_164 : i32
      %add3A_166 = arith.constant 480 : i32
      %add3A_167 = arith.addi %mul3A_165, %add3A_166 : i32
      %mul3A_168 = arith.constant 640 : i32
      %mul3A_169 = arith.muli %arg1, %mul3A_168 : i32
      %add3A_170 = arith.constant 480 : i32
      %add3A_171 = arith.addi %mul3A_169, %add3A_170 : i32
      %dma_start3A_172 = arith.constant 0 : i32
      %dma_start3A_173 = tpu.memref_slice %arg5[%add3A_171, %dma_start3A_172] : memref<10240x128xf32, #tpu.memory_space<hbm>> -> memref<160x128xf32, #tpu.memory_space<hbm>>
      %dma_start3A_174 = arith.constant 0 : i32
      %dma_start3A_175 = tpu.memref_slice %arg13[%add3A_167, %dma_start3A_174] : memref<10240x128xf32, #tpu.memory_space<vmem_shared>> -> memref<160x128xf32, #tpu.memory_space<vmem_shared>>
      tpu.enqueue_dma source(%dma_start3A_175 : memref<160x128xf32, #tpu.memory_space<vmem_shared>>) target(%dma_start3A_173 : memref<160x128xf32, #tpu.memory_space<hbm>>) target_semaphore(%arg17 : memref<!tpu.dma_semaphore, #tpu.memory_space<semaphore_mem>>)
      %mul3A_176 = arith.constant 640 : i32
      %mul3A_177 = arith.muli %arg1, %mul3A_176 : i32
      %add3A_178 = arith.constant 0 : i32
      %add3A_179 = arith.addi %mul3A_177, %add3A_178 : i32
      %mul3A_180 = arith.constant 640 : i32
      %mul3A_181 = arith.muli %arg1, %mul3A_180 : i32
      %add3A_182 = arith.constant 0 : i32
      %add3A_183 = arith.addi %mul3A_181, %add3A_182 : i32
      %dma_wait3A_184 = arith.constant 0 : i32
      %dma_wait3A_185 = tpu.memref_slice %arg5[%add3A_183, %dma_wait3A_184] : memref<10240x128xf32, #tpu.memory_space<hbm>> -> memref<160x128xf32, #tpu.memory_space<hbm>>
      %dma_wait3A_186 = arith.constant 0 : i32
      %dma_wait3A_187 = tpu.memref_slice %arg13[%add3A_179, %dma_wait3A_186] : memref<10240x128xf32, #tpu.memory_space<vmem_shared>> -> memref<160x128xf32, #tpu.memory_space<vmem_shared>>
      tpu.wait_dma2 semaphore(%arg14 : memref<!tpu.dma_semaphore, #tpu.memory_space<semaphore_mem>>) src(%dma_wait3A_187 : memref<160x128xf32, #tpu.memory_space<vmem_shared>>) dst(%dma_wait3A_185 : memref<160x128xf32, #tpu.memory_space<hbm>>)
      %mul3A_188 = arith.constant 640 : i32
      %mul3A_189 = arith.muli %arg1, %mul3A_188 : i32
      %add3A_190 = arith.constant 160 : i32
      %add3A_191 = arith.addi %mul3A_189, %add3A_190 : i32
      %mul3A_192 = arith.constant 640 : i32
      %mul3A_193 = arith.muli %arg1, %mul3A_192 : i32
      %add3A_194 = arith.constant 160 : i32
      %add3A_195 = arith.addi %mul3A_193, %add3A_194 : i32
      %dma_wait3A_196 = arith.constant 0 : i32
      %dma_wait3A_197 = tpu.memref_slice %arg5[%add3A_195, %dma_wait3A_196] : memref<10240x128xf32, #tpu.memory_space<hbm>> -> memref<160x128xf32, #tpu.memory_space<hbm>>
      %dma_wait3A_198 = arith.constant 0 : i32
      %dma_wait3A_199 = tpu.memref_slice %arg13[%add3A_191, %dma_wait3A_198] : memref<10240x128xf32, #tpu.memory_space<vmem_shared>> -> memref<160x128xf32, #tpu.memory_space<vmem_shared>>
      tpu.wait_dma2 semaphore(%arg15 : memref<!tpu.dma_semaphore, #tpu.memory_space<semaphore_mem>>) src(%dma_wait3A_199 : memref<160x128xf32, #tpu.memory_space<vmem_shared>>) dst(%dma_wait3A_197 : memref<160x128xf32, #tpu.memory_space<hbm>>)
      %mul3A_200 = arith.constant 640 : i32
      %mul3A_201 = arith.muli %arg1, %mul3A_200 : i32
      %add3A_202 = arith.constant 320 : i32
      %add3A_203 = arith.addi %mul3A_201, %add3A_202 : i32
      %mul3A_204 = arith.constant 640 : i32
      %mul3A_205 = arith.muli %arg1, %mul3A_204 : i32
      %add3A_206 = arith.constant 320 : i32
      %add3A_207 = arith.addi %mul3A_205, %add3A_206 : i32
      %dma_wait3A_208 = arith.constant 0 : i32
      %dma_wait3A_209 = tpu.memref_slice %arg5[%add3A_207, %dma_wait3A_208] : memref<10240x128xf32, #tpu.memory_space<hbm>> -> memref<160x128xf32, #tpu.memory_space<hbm>>
      %dma_wait3A_210 = arith.constant 0 : i32
      %dma_wait3A_211 = tpu.memref_slice %arg13[%add3A_203, %dma_wait3A_210] : memref<10240x128xf32, #tpu.memory_space<vmem_shared>> -> memref<160x128xf32, #tpu.memory_space<vmem_shared>>
      tpu.wait_dma2 semaphore(%arg16 : memref<!tpu.dma_semaphore, #tpu.memory_space<semaphore_mem>>) src(%dma_wait3A_211 : memref<160x128xf32, #tpu.memory_space<vmem_shared>>) dst(%dma_wait3A_209 : memref<160x128xf32, #tpu.memory_space<hbm>>)
      %mul3A_212 = arith.constant 640 : i32
      %mul3A_213 = arith.muli %arg1, %mul3A_212 : i32
      %add3A_214 = arith.constant 480 : i32
      %add3A_215 = arith.addi %mul3A_213, %add3A_214 : i32
      %mul3A_216 = arith.constant 640 : i32
      %mul3A_217 = arith.muli %arg1, %mul3A_216 : i32
      %add3A_218 = arith.constant 480 : i32
      %add3A_219 = arith.addi %mul3A_217, %add3A_218 : i32
      %dma_wait3A_220 = arith.constant 0 : i32
      %dma_wait3A_221 = tpu.memref_slice %arg5[%add3A_219, %dma_wait3A_220] : memref<10240x128xf32, #tpu.memory_space<hbm>> -> memref<160x128xf32, #tpu.memory_space<hbm>>
      %dma_wait3A_222 = arith.constant 0 : i32
      %dma_wait3A_223 = tpu.memref_slice %arg13[%add3A_215, %dma_wait3A_222] : memref<10240x128xf32, #tpu.memory_space<vmem_shared>> -> memref<160x128xf32, #tpu.memory_space<vmem_shared>>
      tpu.wait_dma2 semaphore(%arg17 : memref<!tpu.dma_semaphore, #tpu.memory_space<semaphore_mem>>) src(%dma_wait3A_223 : memref<160x128xf32, #tpu.memory_space<vmem_shared>>) dst(%dma_wait3A_221 : memref<160x128xf32, #tpu.memory_space<hbm>>)
    } else {
    }
    %eq3A_123 = arith.constant 1 : i32
    %eq3A_124 = arith.cmpi eq, %arg0, %eq3A_123 : i32
    %convert_element_type3A_125 = arith.extui %eq3A_124 : i1 to i32
    %cond3A_126 = arith.constant 0 : i32
    %cond3A_127 = arith.cmpi ne, %convert_element_type3A_125, %cond3A_126 : i32
    scf.if %cond3A_127 {
      %mul3A_128 = arith.constant 640 : i32
      %mul3A_129 = arith.muli %arg1, %mul3A_128 : i32
      %add3A_130 = arith.constant 0 : i32
      %add3A_131 = arith.addi %mul3A_129, %add3A_130 : i32
      %mul3A_132 = arith.constant 640 : i32
      %mul3A_133 = arith.muli %arg1, %mul3A_132 : i32
      %add3A_134 = arith.constant 0 : i32
      %add3A_135 = arith.addi %mul3A_133, %add3A_134 : i32
      %dma_start3A_136 = arith.constant 0 : i32
      %dma_start3A_137 = tpu.memref_slice %arg6[%add3A_135, %dma_start3A_136] : memref<10240x128xf32, #tpu.memory_space<hbm>> -> memref<160x128xf32, #tpu.memory_space<hbm>>
      %dma_start3A_138 = arith.constant 0 : i32
      %dma_start3A_139 = tpu.memref_slice %arg13[%add3A_131, %dma_start3A_138] : memref<10240x128xf32, #tpu.memory_space<vmem_shared>> -> memref<160x128xf32, #tpu.memory_space<vmem_shared>>
      tpu.enqueue_dma source(%dma_start3A_139 : memref<160x128xf32, #tpu.memory_space<vmem_shared>>) target(%dma_start3A_137 : memref<160x128xf32, #tpu.memory_space<hbm>>) target_semaphore(%arg14 : memref<!tpu.dma_semaphore, #tpu.memory_space<semaphore_mem>>)
      %mul3A_140 = arith.constant 640 : i32
      %mul3A_141 = arith.muli %arg1, %mul3A_140 : i32
      %add3A_142 = arith.constant 160 : i32
      %add3A_143 = arith.addi %mul3A_141, %add3A_142 : i32
      %mul3A_144 = arith.constant 640 : i32
      %mul3A_145 = arith.muli %arg1, %mul3A_144 : i32
      %add3A_146 = arith.constant 160 : i32
      %add3A_147 = arith.addi %mul3A_145, %add3A_146 : i32
      %dma_start3A_148 = arith.constant 0 : i32
      %dma_start3A_149 = tpu.memref_slice %arg6[%add3A_147, %dma_start3A_148] : memref<10240x128xf32, #tpu.memory_space<hbm>> -> memref<160x128xf32, #tpu.memory_space<hbm>>
      %dma_start3A_150 = arith.constant 0 : i32
      %dma_start3A_151 = tpu.memref_slice %arg13[%add3A_143, %dma_start3A_150] : memref<10240x128xf32, #tpu.memory_space<vmem_shared>> -> memref<160x128xf32, #tpu.memory_space<vmem_shared>>
      tpu.enqueue_dma source(%dma_start3A_151 : memref<160x128xf32, #tpu.memory_space<vmem_shared>>) target(%dma_start3A_149 : memref<160x128xf32, #tpu.memory_space<hbm>>) target_semaphore(%arg15 : memref<!tpu.dma_semaphore, #tpu.memory_space<semaphore_mem>>)
      %mul3A_152 = arith.constant 640 : i32
      %mul3A_153 = arith.muli %arg1, %mul3A_152 : i32
      %add3A_154 = arith.constant 320 : i32
      %add3A_155 = arith.addi %mul3A_153, %add3A_154 : i32
      %mul3A_156 = arith.constant 640 : i32
      %mul3A_157 = arith.muli %arg1, %mul3A_156 : i32
      %add3A_158 = arith.constant 320 : i32
      %add3A_159 = arith.addi %mul3A_157, %add3A_158 : i32
      %dma_start3A_160 = arith.constant 0 : i32
      %dma_start3A_161 = tpu.memref_slice %arg6[%add3A_159, %dma_start3A_160] : memref<10240x128xf32, #tpu.memory_space<hbm>> -> memref<160x128xf32, #tpu.memory_space<hbm>>
      %dma_start3A_162 = arith.constant 0 : i32
      %dma_start3A_163 = tpu.memref_slice %arg13[%add3A_155, %dma_start3A_162] : memref<10240x128xf32, #tpu.memory_space<vmem_shared>> -> memref<160x128xf32, #tpu.memory_space<vmem_shared>>
      tpu.enqueue_dma source(%dma_start3A_163 : memref<160x128xf32, #tpu.memory_space<vmem_shared>>) target(%dma_start3A_161 : memref<160x128xf32, #tpu.memory_space<hbm>>) target_semaphore(%arg16 : memref<!tpu.dma_semaphore, #tpu.memory_space<semaphore_mem>>)
      %mul3A_164 = arith.constant 640 : i32
      %mul3A_165 = arith.muli %arg1, %mul3A_164 : i32
      %add3A_166 = arith.constant 480 : i32
      %add3A_167 = arith.addi %mul3A_165, %add3A_166 : i32
      %mul3A_168 = arith.constant 640 : i32
      %mul3A_169 = arith.muli %arg1, %mul3A_168 : i32
      %add3A_170 = arith.constant 480 : i32
      %add3A_171 = arith.addi %mul3A_169, %add3A_170 : i32
      %dma_start3A_172 = arith.constant 0 : i32
      %dma_start3A_173 = tpu.memref_slice %arg6[%add3A_171, %dma_start3A_172] : memref<10240x128xf32, #tpu.memory_space<hbm>> -> memref<160x128xf32, #tpu.memory_space<hbm>>
      %dma_start3A_174 = arith.constant 0 : i32
      %dma_start3A_175 = tpu.memref_slice %arg13[%add3A_167, %dma_start3A_174] : memref<10240x128xf32, #tpu.memory_space<vmem_shared>> -> memref<160x128xf32, #tpu.memory_space<vmem_shared>>
      tpu.enqueue_dma source(%dma_start3A_175 : memref<160x128xf32, #tpu.memory_space<vmem_shared>>) target(%dma_start3A_173 : memref<160x128xf32, #tpu.memory_space<hbm>>) target_semaphore(%arg17 : memref<!tpu.dma_semaphore, #tpu.memory_space<semaphore_mem>>)
      %mul3A_176 = arith.constant 640 : i32
      %mul3A_177 = arith.muli %arg1, %mul3A_176 : i32
      %add3A_178 = arith.constant 0 : i32
      %add3A_179 = arith.addi %mul3A_177, %add3A_178 : i32
      %mul3A_180 = arith.constant 640 : i32
      %mul3A_181 = arith.muli %arg1, %mul3A_180 : i32
      %add3A_182 = arith.constant 0 : i32
      %add3A_183 = arith.addi %mul3A_181, %add3A_182 : i32
      %dma_wait3A_184 = arith.constant 0 : i32
      %dma_wait3A_185 = tpu.memref_slice %arg6[%add3A_183, %dma_wait3A_184] : memref<10240x128xf32, #tpu.memory_space<hbm>> -> memref<160x128xf32, #tpu.memory_space<hbm>>
      %dma_wait3A_186 = arith.constant 0 : i32
      %dma_wait3A_187 = tpu.memref_slice %arg13[%add3A_179, %dma_wait3A_186] : memref<10240x128xf32, #tpu.memory_space<vmem_shared>> -> memref<160x128xf32, #tpu.memory_space<vmem_shared>>
      tpu.wait_dma2 semaphore(%arg14 : memref<!tpu.dma_semaphore, #tpu.memory_space<semaphore_mem>>) src(%dma_wait3A_187 : memref<160x128xf32, #tpu.memory_space<vmem_shared>>) dst(%dma_wait3A_185 : memref<160x128xf32, #tpu.memory_space<hbm>>)
      %mul3A_188 = arith.constant 640 : i32
      %mul3A_189 = arith.muli %arg1, %mul3A_188 : i32
      %add3A_190 = arith.constant 160 : i32
      %add3A_191 = arith.addi %mul3A_189, %add3A_190 : i32
      %mul3A_192 = arith.constant 640 : i32
      %mul3A_193 = arith.muli %arg1, %mul3A_192 : i32
      %add3A_194 = arith.constant 160 : i32
      %add3A_195 = arith.addi %mul3A_193, %add3A_194 : i32
      %dma_wait3A_196 = arith.constant 0 : i32
      %dma_wait3A_197 = tpu.memref_slice %arg6[%add3A_195, %dma_wait3A_196] : memref<10240x128xf32, #tpu.memory_space<hbm>> -> memref<160x128xf32, #tpu.memory_space<hbm>>
      %dma_wait3A_198 = arith.constant 0 : i32
      %dma_wait3A_199 = tpu.memref_slice %arg13[%add3A_191, %dma_wait3A_198] : memref<10240x128xf32, #tpu.memory_space<vmem_shared>> -> memref<160x128xf32, #tpu.memory_space<vmem_shared>>
      tpu.wait_dma2 semaphore(%arg15 : memref<!tpu.dma_semaphore, #tpu.memory_space<semaphore_mem>>) src(%dma_wait3A_199 : memref<160x128xf32, #tpu.memory_space<vmem_shared>>) dst(%dma_wait3A_197 : memref<160x128xf32, #tpu.memory_space<hbm>>)
      %mul3A_200 = arith.constant 640 : i32
      %mul3A_201 = arith.muli %arg1, %mul3A_200 : i32
      %add3A_202 = arith.constant 320 : i32
      %add3A_203 = arith.addi %mul3A_201, %add3A_202 : i32
      %mul3A_204 = arith.constant 640 : i32
      %mul3A_205 = arith.muli %arg1, %mul3A_204 : i32
      %add3A_206 = arith.constant 320 : i32
      %add3A_207 = arith.addi %mul3A_205, %add3A_206 : i32
      %dma_wait3A_208 = arith.constant 0 : i32
      %dma_wait3A_209 = tpu.memref_slice %arg6[%add3A_207, %dma_wait3A_208] : memref<10240x128xf32, #tpu.memory_space<hbm>> -> memref<160x128xf32, #tpu.memory_space<hbm>>
      %dma_wait3A_210 = arith.constant 0 : i32
      %dma_wait3A_211 = tpu.memref_slice %arg13[%add3A_203, %dma_wait3A_210] : memref<10240x128xf32, #tpu.memory_space<vmem_shared>> -> memref<160x128xf32, #tpu.memory_space<vmem_shared>>
      tpu.wait_dma2 semaphore(%arg16 : memref<!tpu.dma_semaphore, #tpu.memory_space<semaphore_mem>>) src(%dma_wait3A_211 : memref<160x128xf32, #tpu.memory_space<vmem_shared>>) dst(%dma_wait3A_209 : memref<160x128xf32, #tpu.memory_space<hbm>>)
      %mul3A_212 = arith.constant 640 : i32
      %mul3A_213 = arith.muli %arg1, %mul3A_212 : i32
      %add3A_214 = arith.constant 480 : i32
      %add3A_215 = arith.addi %mul3A_213, %add3A_214 : i32
      %mul3A_216 = arith.constant 640 : i32
      %mul3A_217 = arith.muli %arg1, %mul3A_216 : i32
      %add3A_218 = arith.constant 480 : i32
      %add3A_219 = arith.addi %mul3A_217, %add3A_218 : i32
      %dma_wait3A_220 = arith.constant 0 : i32
      %dma_wait3A_221 = tpu.memref_slice %arg6[%add3A_219, %dma_wait3A_220] : memref<10240x128xf32, #tpu.memory_space<hbm>> -> memref<160x128xf32, #tpu.memory_space<hbm>>
      %dma_wait3A_222 = arith.constant 0 : i32
      %dma_wait3A_223 = tpu.memref_slice %arg13[%add3A_215, %dma_wait3A_222] : memref<10240x128xf32, #tpu.memory_space<vmem_shared>> -> memref<160x128xf32, #tpu.memory_space<vmem_shared>>
      tpu.wait_dma2 semaphore(%arg17 : memref<!tpu.dma_semaphore, #tpu.memory_space<semaphore_mem>>) src(%dma_wait3A_223 : memref<160x128xf32, #tpu.memory_space<vmem_shared>>) dst(%dma_wait3A_221 : memref<160x128xf32, #tpu.memory_space<hbm>>)
    } else {
    }
    return
  }
}

#map = affine_map<(d0, d1) -> (0, 0)>
#map1 = affine_map<(d0, d1) -> (0)>
module attributes {stable_mosaic.version = 14 : i64} {
  func.func @_sc_scatter_body(%arg0: i32, %arg1: i32, %arg2: memref<10000x128xf32, #tpu.memory_space<hbm>>, %arg3: memref<327680xi32, #tpu.memory_space<hbm>>, %arg4: memref<327680xi32, #tpu.memory_space<hbm>>, %arg5: memref<10240x128xf32, #tpu.memory_space<hbm>>, %arg6: memref<10240x128xf32, #tpu.memory_space<hbm>>, %arg7: memref<128xi32, #tpu.memory_space<vmem>>, %arg8: memref<128xi32, #tpu.memory_space<vmem>>, %arg9: memref<128xi32, #tpu.memory_space<vmem>>, %arg10: memref<128xi32, #tpu.memory_space<vmem>>, %arg11: memref<128x128xf32, #tpu.memory_space<vmem>>, %arg12: memref<128x128xf32, #tpu.memory_space<vmem>>, %arg13: memref<10240x128xf32, #tpu.memory_space<vmem_shared>>, %arg14: memref<!tpu.dma_semaphore, #tpu.memory_space<semaphore_mem>>, %arg15: memref<!tpu.dma_semaphore, #tpu.memory_space<semaphore_mem>>, %arg16: memref<!tpu.dma_semaphore, #tpu.memory_space<semaphore_mem>>, %arg17: memref<!tpu.dma_semaphore, #tpu.memory_space<semaphore_mem>>, %arg18: memref<!tpu.dma_semaphore, #tpu.memory_space<semaphore_mem>>, %arg19: memref<!tpu.dma_semaphore, #tpu.memory_space<semaphore_mem>>) attributes {dimension_semantics = [#tpu.dimension_semantics<core_parallel>, #tpu.dimension_semantics<subcore_parallel>], iteration_bounds = array<i64: 2, 16>, scalar_prefetch = 0 : i64, scratch_operands = 13 : i64, tpu.core_type = #tpu.core_type<sc_vector_subcore>, window_params = [{transform_indices = #map}, {transform_indices = #map1}, {transform_indices = #map1}, {transform_indices = #map}, {transform_indices = #map}]} {
    %eq3A = arith.constant 0 : i32
    %eq3A_0 = arith.cmpi eq, %arg0, %eq3A : i32
    %jit3A = arith.constant 152 : i32
    %jit3A_1 = arith.constant 8 : i32
    %select_n3A = arith.select %eq3A_0, %jit3A, %jit3A_1 : i32
    %eq3A_2 = arith.constant 0 : i32
    %eq3A_3 = arith.cmpi eq, %arg0, %eq3A_2 : i32
    %mul3A = arith.constant 152 : i32
    %mul3A_4 = arith.muli %arg1, %mul3A : i32
    %mul3A_5 = arith.constant 8 : i32
    %mul3A_6 = arith.muli %arg1, %mul3A_5 : i32
    %add3A = arith.constant 2432 : i32
    %add3A_7 = arith.addi %add3A, %mul3A_6 : i32
    %select_n3A_8 = arith.select %eq3A_3, %mul3A_4, %add3A_7 : i32
    %broadcast_in_dim3A = arith.constant 0.000000e+00 : f32
    %broadcast_in_dim3A_9 = vector.broadcast %broadcast_in_dim3A : f32 to vector<16xf32>
    %while3A = arith.constant 0 : i32
    %while3A_10 = arith.constant 0 : i32
    %while3A_11 = arith.constant 128 : i32
    %while3A_12 = arith.subi %while3A_11, %while3A_10 : i32
    %while3A_13 = arith.addi %while3A_10, %while3A_12 : i32
    %while3A_14 = arith.constant 1 : i32
    %while3A_15 = arith.divsi %while3A_12, %while3A_14 : i32
    %while3A_16 = arith.muli %while3A_15, %while3A_14 : i32
    %while3A_17 = arith.addi %while3A_10, %while3A_16 : i32
    %while3A_18 = arith.constant 1 : i32
    scf.for %while3A_128 = %while3A_10 to %while3A_17 step %while3A_18  : i32 {
      %swap3A = arith.constant 0 : i32
      %swap3A_129 = arith.index_cast %while3A_128 : i32 to index
      %swap3A_130 = arith.index_cast %swap3A : i32 to index
      %swap3A_131 = tpu.vector_load %arg11[%swap3A_129, %swap3A_130] {strides = array<i32>} : memref<128x128xf32, #tpu.memory_space<vmem>>, vector<1x16xf32>,
      %swap3A_132 = vector.shape_cast %swap3A_131 : vector<1x16xf32> to vector<16xf32>
      %swap3A_133 = vector.shape_cast %broadcast_in_dim3A_9 : vector<16xf32> to vector<1x16xf32>
      tpu.vector_store %arg11[%swap3A_129, %swap3A_130], %swap3A_133 {strides = array<i32>} : memref<128x128xf32, #tpu.memory_space<vmem>>, vector<1x16xf32>,
      %swap3A_134 = arith.constant 16 : i32
      %swap3A_135 = arith.index_cast %while3A_128 : i32 to index
      %swap3A_136 = arith.index_cast %swap3A_134 : i32 to index
      %swap3A_137 = tpu.vector_load %arg11[%swap3A_135, %swap3A_136] {strides = array<i32>} : memref<128x128xf32, #tpu.memory_space<vmem>>, vector<1x16xf32>,
      %swap3A_138 = vector.shape_cast %swap3A_137 : vector<1x16xf32> to vector<16xf32>
      %swap3A_139 = vector.shape_cast %broadcast_in_dim3A_9 : vector<16xf32> to vector<1x16xf32>
      tpu.vector_store %arg11[%swap3A_135, %swap3A_136], %swap3A_139 {strides = array<i32>} : memref<128x128xf32, #tpu.memory_space<vmem>>, vector<1x16xf32>,
      %swap3A_140 = arith.constant 32 : i32
      %swap3A_141 = arith.index_cast %while3A_128 : i32 to index
      %swap3A_142 = arith.index_cast %swap3A_140 : i32 to index
      %swap3A_143 = tpu.vector_load %arg11[%swap3A_141, %swap3A_142] {strides = array<i32>} : memref<128x128xf32, #tpu.memory_space<vmem>>, vector<1x16xf32>,
      %swap3A_144 = vector.shape_cast %swap3A_143 : vector<1x16xf32> to vector<16xf32>
      %swap3A_145 = vector.shape_cast %broadcast_in_dim3A_9 : vector<16xf32> to vector<1x16xf32>
      tpu.vector_store %arg11[%swap3A_141, %swap3A_142], %swap3A_145 {strides = array<i32>} : memref<128x128xf32, #tpu.memory_space<vmem>>, vector<1x16xf32>,
      %swap3A_146 = arith.constant 48 : i32
      %swap3A_147 = arith.index_cast %while3A_128 : i32 to index
      %swap3A_148 = arith.index_cast %swap3A_146 : i32 to index
      %swap3A_149 = tpu.vector_load %arg11[%swap3A_147, %swap3A_148] {strides = array<i32>} : memref<128x128xf32, #tpu.memory_space<vmem>>, vector<1x16xf32>,
      %swap3A_150 = vector.shape_cast %swap3A_149 : vector<1x16xf32> to vector<16xf32>
      %swap3A_151 = vector.shape_cast %broadcast_in_dim3A_9 : vector<16xf32> to vector<1x16xf32>
      tpu.vector_store %arg11[%swap3A_147, %swap3A_148], %swap3A_151 {strides = array<i32>} : memref<128x128xf32, #tpu.memory_space<vmem>>, vector<1x16xf32>,
      %swap3A_152 = arith.constant 64 : i32
      %swap3A_153 = arith.index_cast %while3A_128 : i32 to index
      %swap3A_154 = arith.index_cast %swap3A_152 : i32 to index
      %swap3A_155 = tpu.vector_load %arg11[%swap3A_153, %swap3A_154] {strides = array<i32>} : memref<128x128xf32, #tpu.memory_space<vmem>>, vector<1x16xf32>,
      %swap3A_156 = vector.shape_cast %swap3A_155 : vector<1x16xf32> to vector<16xf32>
      %swap3A_157 = vector.shape_cast %broadcast_in_dim3A_9 : vector<16xf32> to vector<1x16xf32>
      tpu.vector_store %arg11[%swap3A_153, %swap3A_154], %swap3A_157 {strides = array<i32>} : memref<128x128xf32, #tpu.memory_space<vmem>>, vector<1x16xf32>,
      %swap3A_158 = arith.constant 80 : i32
      %swap3A_159 = arith.index_cast %while3A_128 : i32 to index
      %swap3A_160 = arith.index_cast %swap3A_158 : i32 to index
      %swap3A_161 = tpu.vector_load %arg11[%swap3A_159, %swap3A_160] {strides = array<i32>} : memref<128x128xf32, #tpu.memory_space<vmem>>, vector<1x16xf32>,
      %swap3A_162 = vector.shape_cast %swap3A_161 : vector<1x16xf32> to vector<16xf32>
      %swap3A_163 = vector.shape_cast %broadcast_in_dim3A_9 : vector<16xf32> to vector<1x16xf32>
      tpu.vector_store %arg11[%swap3A_159, %swap3A_160], %swap3A_163 {strides = array<i32>} : memref<128x128xf32, #tpu.memory_space<vmem>>, vector<1x16xf32>,
      %swap3A_164 = arith.constant 96 : i32
      %swap3A_165 = arith.index_cast %while3A_128 : i32 to index
      %swap3A_166 = arith.index_cast %swap3A_164 : i32 to index
      %swap3A_167 = tpu.vector_load %arg11[%swap3A_165, %swap3A_166] {strides = array<i32>} : memref<128x128xf32, #tpu.memory_space<vmem>>, vector<1x16xf32>,
      %swap3A_168 = vector.shape_cast %swap3A_167 : vector<1x16xf32> to vector<16xf32>
      %swap3A_169 = vector.shape_cast %broadcast_in_dim3A_9 : vector<16xf32> to vector<1x16xf32>
      tpu.vector_store %arg11[%swap3A_165, %swap3A_166], %swap3A_169 {strides = array<i32>} : memref<128x128xf32, #tpu.memory_space<vmem>>, vector<1x16xf32>,
      %swap3A_170 = arith.constant 112 : i32
      %swap3A_171 = arith.index_cast %while3A_128 : i32 to index
      %swap3A_172 = arith.index_cast %swap3A_170 : i32 to index
      %swap3A_173 = tpu.vector_load %arg11[%swap3A_171, %swap3A_172] {strides = array<i32>} : memref<128x128xf32, #tpu.memory_space<vmem>>, vector<1x16xf32>,
      %swap3A_174 = vector.shape_cast %swap3A_173 : vector<1x16xf32> to vector<16xf32>
      %swap3A_175 = vector.shape_cast %broadcast_in_dim3A_9 : vector<16xf32> to vector<1x16xf32>
      tpu.vector_store %arg11[%swap3A_171, %swap3A_172], %swap3A_175 {strides = array<i32>} : memref<128x128xf32, #tpu.memory_space<vmem>>, vector<1x16xf32>,
    }
    %while3A_19 = arith.constant 1 : i32
    scf.for %while3A_128 = %while3A_17 to %while3A_13 step %while3A_19  : i32 {
      %swap3A = arith.constant 0 : i32
      %swap3A_129 = arith.index_cast %while3A_128 : i32 to index
      %swap3A_130 = arith.index_cast %swap3A : i32 to index
      %swap3A_131 = tpu.vector_load %arg11[%swap3A_129, %swap3A_130] {strides = array<i32>} : memref<128x128xf32, #tpu.memory_space<vmem>>, vector<1x16xf32>,
      %swap3A_132 = vector.shape_cast %swap3A_131 : vector<1x16xf32> to vector<16xf32>
      %swap3A_133 = vector.shape_cast %broadcast_in_dim3A_9 : vector<16xf32> to vector<1x16xf32>
      tpu.vector_store %arg11[%swap3A_129, %swap3A_130], %swap3A_133 {strides = array<i32>} : memref<128x128xf32, #tpu.memory_space<vmem>>, vector<1x16xf32>,
      %swap3A_134 = arith.constant 16 : i32
      %swap3A_135 = arith.index_cast %while3A_128 : i32 to index
      %swap3A_136 = arith.index_cast %swap3A_134 : i32 to index
      %swap3A_137 = tpu.vector_load %arg11[%swap3A_135, %swap3A_136] {strides = array<i32>} : memref<128x128xf32, #tpu.memory_space<vmem>>, vector<1x16xf32>,
      %swap3A_138 = vector.shape_cast %swap3A_137 : vector<1x16xf32> to vector<16xf32>
      %swap3A_139 = vector.shape_cast %broadcast_in_dim3A_9 : vector<16xf32> to vector<1x16xf32>
      tpu.vector_store %arg11[%swap3A_135, %swap3A_136], %swap3A_139 {strides = array<i32>} : memref<128x128xf32, #tpu.memory_space<vmem>>, vector<1x16xf32>,
      %swap3A_140 = arith.constant 32 : i32
      %swap3A_141 = arith.index_cast %while3A_128 : i32 to index
      %swap3A_142 = arith.index_cast %swap3A_140 : i32 to index
      %swap3A_143 = tpu.vector_load %arg11[%swap3A_141, %swap3A_142] {strides = array<i32>} : memref<128x128xf32, #tpu.memory_space<vmem>>, vector<1x16xf32>,
      %swap3A_144 = vector.shape_cast %swap3A_143 : vector<1x16xf32> to vector<16xf32>
      %swap3A_145 = vector.shape_cast %broadcast_in_dim3A_9 : vector<16xf32> to vector<1x16xf32>
      tpu.vector_store %arg11[%swap3A_141, %swap3A_142], %swap3A_145 {strides = array<i32>} : memref<128x128xf32, #tpu.memory_space<vmem>>, vector<1x16xf32>,
      %swap3A_146 = arith.constant 48 : i32
      %swap3A_147 = arith.index_cast %while3A_128 : i32 to index
      %swap3A_148 = arith.index_cast %swap3A_146 : i32 to index
      %swap3A_149 = tpu.vector_load %arg11[%swap3A_147, %swap3A_148] {strides = array<i32>} : memref<128x128xf32, #tpu.memory_space<vmem>>, vector<1x16xf32>,
      %swap3A_150 = vector.shape_cast %swap3A_149 : vector<1x16xf32> to vector<16xf32>
      %swap3A_151 = vector.shape_cast %broadcast_in_dim3A_9 : vector<16xf32> to vector<1x16xf32>
      tpu.vector_store %arg11[%swap3A_147, %swap3A_148], %swap3A_151 {strides = array<i32>} : memref<128x128xf32, #tpu.memory_space<vmem>>, vector<1x16xf32>,
      %swap3A_152 = arith.constant 64 : i32
      %swap3A_153 = arith.index_cast %while3A_128 : i32 to index
      %swap3A_154 = arith.index_cast %swap3A_152 : i32 to index
      %swap3A_155 = tpu.vector_load %arg11[%swap3A_153, %swap3A_154] {strides = array<i32>} : memref<128x128xf32, #tpu.memory_space<vmem>>, vector<1x16xf32>,
      %swap3A_156 = vector.shape_cast %swap3A_155 : vector<1x16xf32> to vector<16xf32>
      %swap3A_157 = vector.shape_cast %broadcast_in_dim3A_9 : vector<16xf32> to vector<1x16xf32>
      tpu.vector_store %arg11[%swap3A_153, %swap3A_154], %swap3A_157 {strides = array<i32>} : memref<128x128xf32, #tpu.memory_space<vmem>>, vector<1x16xf32>,
      %swap3A_158 = arith.constant 80 : i32
      %swap3A_159 = arith.index_cast %while3A_128 : i32 to index
      %swap3A_160 = arith.index_cast %swap3A_158 : i32 to index
      %swap3A_161 = tpu.vector_load %arg11[%swap3A_159, %swap3A_160] {strides = array<i32>} : memref<128x128xf32, #tpu.memory_space<vmem>>, vector<1x16xf32>,
      %swap3A_162 = vector.shape_cast %swap3A_161 : vector<1x16xf32> to vector<16xf32>
      %swap3A_163 = vector.shape_cast %broadcast_in_dim3A_9 : vector<16xf32> to vector<1x16xf32>
      tpu.vector_store %arg11[%swap3A_159, %swap3A_160], %swap3A_163 {strides = array<i32>} : memref<128x128xf32, #tpu.memory_space<vmem>>, vector<1x16xf32>,
      %swap3A_164 = arith.constant 96 : i32
      %swap3A_165 = arith.index_cast %while3A_128 : i32 to index
      %swap3A_166 = arith.index_cast %swap3A_164 : i32 to index
      %swap3A_167 = tpu.vector_load %arg11[%swap3A_165, %swap3A_166] {strides = array<i32>} : memref<128x128xf32, #tpu.memory_space<vmem>>, vector<1x16xf32>,
      %swap3A_168 = vector.shape_cast %swap3A_167 : vector<1x16xf32> to vector<16xf32>
      %swap3A_169 = vector.shape_cast %broadcast_in_dim3A_9 : vector<16xf32> to vector<1x16xf32>
      tpu.vector_store %arg11[%swap3A_165, %swap3A_166], %swap3A_169 {strides = array<i32>} : memref<128x128xf32, #tpu.memory_space<vmem>>, vector<1x16xf32>,
      %swap3A_170 = arith.constant 112 : i32
      %swap3A_171 = arith.index_cast %while3A_128 : i32 to index
      %swap3A_172 = arith.index_cast %swap3A_170 : i32 to index
      %swap3A_173 = tpu.vector_load %arg11[%swap3A_171, %swap3A_172] {strides = array<i32>} : memref<128x128xf32, #tpu.memory_space<vmem>>, vector<1x16xf32>,
      %swap3A_174 = vector.shape_cast %swap3A_173 : vector<1x16xf32> to vector<16xf32>
      %swap3A_175 = vector.shape_cast %broadcast_in_dim3A_9 : vector<16xf32> to vector<1x16xf32>
      tpu.vector_store %arg11[%swap3A_171, %swap3A_172], %swap3A_175 {strides = array<i32>} : memref<128x128xf32, #tpu.memory_space<vmem>>, vector<1x16xf32>,
    }
    %mul3A_20 = arith.constant 640 : i32
    %mul3A_21 = arith.muli %arg1, %mul3A_20 : i32
    %add3A_22 = arith.constant 0 : i32
    %add3A_23 = arith.addi %mul3A_21, %add3A_22 : i32
    "tpu.region"() ({
      %run_scoped3A = tpu.sem_alloc : memref<!tpu.dma_semaphore, #tpu.memory_space<semaphore_mem>>
      %dma_start3A_128 = arith.constant 0 : i32
      %dma_start3A_129 = tpu.memref_slice %arg13[%add3A_23, %dma_start3A_128] : memref<10240x128xf32, #tpu.memory_space<vmem_shared>> -> memref<128x128xf32, #tpu.memory_space<vmem_shared>>
      %dma_start3A_130 = arith.constant 0 : i32
      %dma_start3A_131 = tpu.memref_slice %arg13[%add3A_23, %dma_start3A_130] : memref<10240x128xf32, #tpu.memory_space<vmem_shared>> -> memref<128x128xf32, #tpu.memory_space<vmem_shared>>
      tpu.enqueue_dma source(%arg11 : memref<128x128xf32, #tpu.memory_space<vmem>>) target(%dma_start3A_131 : memref<128x128xf32, #tpu.memory_space<vmem_shared>>) target_semaphore(%run_scoped3A : memref<!tpu.dma_semaphore, #tpu.memory_space<semaphore_mem>>)
      %dma_wait3A_132 = arith.constant 0 : i32
      %dma_wait3A_133 = tpu.memref_slice %arg13[%add3A_23, %dma_wait3A_132] : memref<10240x128xf32, #tpu.memory_space<vmem_shared>> -> memref<128x128xf32, #tpu.memory_space<vmem_shared>>
      %dma_wait3A_134 = arith.constant 0 : i32
      %dma_wait3A_135 = tpu.memref_slice %arg13[%add3A_23, %dma_wait3A_134] : memref<10240x128xf32, #tpu.memory_space<vmem_shared>> -> memref<128x128xf32, #tpu.memory_space<vmem_shared>>
      tpu.wait_dma2 semaphore(%run_scoped3A : memref<!tpu.dma_semaphore, #tpu.memory_space<semaphore_mem>>) src(%arg11 : memref<128x128xf32, #tpu.memory_space<vmem>>) dst(%dma_wait3A_135 : memref<128x128xf32, #tpu.memory_space<vmem_shared>>)
      tpu.yield
    }) : () -> ()
    %mul3A_24 = arith.constant 640 : i32
    %mul3A_25 = arith.muli %arg1, %mul3A_24 : i32
    %add3A_26 = arith.constant 128 : i32
    %add3A_27 = arith.addi %mul3A_25, %add3A_26 : i32
    "tpu.region"() ({
      %run_scoped3A = tpu.sem_alloc : memref<!tpu.dma_semaphore, #tpu.memory_space<semaphore_mem>>
      %dma_start3A_128 = arith.constant 0 : i32
      %dma_start3A_129 = tpu.memref_slice %arg13[%add3A_27, %dma_start3A_128] : memref<10240x128xf32, #tpu.memory_space<vmem_shared>> -> memref<128x128xf32, #tpu.memory_space<vmem_shared>>
      %dma_start3A_130 = arith.constant 0 : i32
      %dma_start3A_131 = tpu.memref_slice %arg13[%add3A_27, %dma_start3A_130] : memref<10240x128xf32, #tpu.memory_space<vmem_shared>> -> memref<128x128xf32, #tpu.memory_space<vmem_shared>>
      tpu.enqueue_dma source(%arg11 : memref<128x128xf32, #tpu.memory_space<vmem>>) target(%dma_start3A_131 : memref<128x128xf32, #tpu.memory_space<vmem_shared>>) target_semaphore(%run_scoped3A : memref<!tpu.dma_semaphore, #tpu.memory_space<semaphore_mem>>)
      %dma_wait3A_132 = arith.constant 0 : i32
      %dma_wait3A_133 = tpu.memref_slice %arg13[%add3A_27, %dma_wait3A_132] : memref<10240x128xf32, #tpu.memory_space<vmem_shared>> -> memref<128x128xf32, #tpu.memory_space<vmem_shared>>
      %dma_wait3A_134 = arith.constant 0 : i32
      %dma_wait3A_135 = tpu.memref_slice %arg13[%add3A_27, %dma_wait3A_134] : memref<10240x128xf32, #tpu.memory_space<vmem_shared>> -> memref<128x128xf32, #tpu.memory_space<vmem_shared>>
      tpu.wait_dma2 semaphore(%run_scoped3A : memref<!tpu.dma_semaphore, #tpu.memory_space<semaphore_mem>>) src(%arg11 : memref<128x128xf32, #tpu.memory_space<vmem>>) dst(%dma_wait3A_135 : memref<128x128xf32, #tpu.memory_space<vmem_shared>>)
      tpu.yield
    }) : () -> ()
    %mul3A_28 = arith.constant 640 : i32
    %mul3A_29 = arith.muli %arg1, %mul3A_28 : i32
    %add3A_30 = arith.constant 256 : i32
    %add3A_31 = arith.addi %mul3A_29, %add3A_30 : i32
    "tpu.region"() ({
      %run_scoped3A = tpu.sem_alloc : memref<!tpu.dma_semaphore, #tpu.memory_space<semaphore_mem>>
      %dma_start3A_128 = arith.constant 0 : i32
      %dma_start3A_129 = tpu.memref_slice %arg13[%add3A_31, %dma_start3A_128] : memref<10240x128xf32, #tpu.memory_space<vmem_shared>> -> memref<128x128xf32, #tpu.memory_space<vmem_shared>>
      %dma_start3A_130 = arith.constant 0 : i32
      %dma_start3A_131 = tpu.memref_slice %arg13[%add3A_31, %dma_start3A_130] : memref<10240x128xf32, #tpu.memory_space<vmem_shared>> -> memref<128x128xf32, #tpu.memory_space<vmem_shared>>
      tpu.enqueue_dma source(%arg11 : memref<128x128xf32, #tpu.memory_space<vmem>>) target(%dma_start3A_131 : memref<128x128xf32, #tpu.memory_space<vmem_shared>>) target_semaphore(%run_scoped3A : memref<!tpu.dma_semaphore, #tpu.memory_space<semaphore_mem>>)
      %dma_wait3A_132 = arith.constant 0 : i32
      %dma_wait3A_133 = tpu.memref_slice %arg13[%add3A_31, %dma_wait3A_132] : memref<10240x128xf32, #tpu.memory_space<vmem_shared>> -> memref<128x128xf32, #tpu.memory_space<vmem_shared>>
      %dma_wait3A_134 = arith.constant 0 : i32
      %dma_wait3A_135 = tpu.memref_slice %arg13[%add3A_31, %dma_wait3A_134] : memref<10240x128xf32, #tpu.memory_space<vmem_shared>> -> memref<128x128xf32, #tpu.memory_space<vmem_shared>>
      tpu.wait_dma2 semaphore(%run_scoped3A : memref<!tpu.dma_semaphore, #tpu.memory_space<semaphore_mem>>) src(%arg11 : memref<128x128xf32, #tpu.memory_space<vmem>>) dst(%dma_wait3A_135 : memref<128x128xf32, #tpu.memory_space<vmem_shared>>)
      tpu.yield
    }) : () -> ()
    %mul3A_32 = arith.constant 640 : i32
    %mul3A_33 = arith.muli %arg1, %mul3A_32 : i32
    %add3A_34 = arith.constant 384 : i32
    %add3A_35 = arith.addi %mul3A_33, %add3A_34 : i32
    "tpu.region"() ({
      %run_scoped3A = tpu.sem_alloc : memref<!tpu.dma_semaphore, #tpu.memory_space<semaphore_mem>>
      %dma_start3A_128 = arith.constant 0 : i32
      %dma_start3A_129 = tpu.memref_slice %arg13[%add3A_35, %dma_start3A_128] : memref<10240x128xf32, #tpu.memory_space<vmem_shared>> -> memref<128x128xf32, #tpu.memory_space<vmem_shared>>
      %dma_start3A_130 = arith.constant 0 : i32
      %dma_start3A_131 = tpu.memref_slice %arg13[%add3A_35, %dma_start3A_130] : memref<10240x128xf32, #tpu.memory_space<vmem_shared>> -> memref<128x128xf32, #tpu.memory_space<vmem_shared>>
      tpu.enqueue_dma source(%arg11 : memref<128x128xf32, #tpu.memory_space<vmem>>) target(%dma_start3A_131 : memref<128x128xf32, #tpu.memory_space<vmem_shared>>) target_semaphore(%run_scoped3A : memref<!tpu.dma_semaphore, #tpu.memory_space<semaphore_mem>>)
      %dma_wait3A_132 = arith.constant 0 : i32
      %dma_wait3A_133 = tpu.memref_slice %arg13[%add3A_35, %dma_wait3A_132] : memref<10240x128xf32, #tpu.memory_space<vmem_shared>> -> memref<128x128xf32, #tpu.memory_space<vmem_shared>>
      %dma_wait3A_134 = arith.constant 0 : i32
      %dma_wait3A_135 = tpu.memref_slice %arg13[%add3A_35, %dma_wait3A_134] : memref<10240x128xf32, #tpu.memory_space<vmem_shared>> -> memref<128x128xf32, #tpu.memory_space<vmem_shared>>
      tpu.wait_dma2 semaphore(%run_scoped3A : memref<!tpu.dma_semaphore, #tpu.memory_space<semaphore_mem>>) src(%arg11 : memref<128x128xf32, #tpu.memory_space<vmem>>) dst(%dma_wait3A_135 : memref<128x128xf32, #tpu.memory_space<vmem_shared>>)
      tpu.yield
    }) : () -> ()
    %mul3A_36 = arith.constant 640 : i32
    %mul3A_37 = arith.muli %arg1, %mul3A_36 : i32
    %add3A_38 = arith.constant 512 : i32
    %add3A_39 = arith.addi %mul3A_37, %add3A_38 : i32
    "tpu.region"() ({
      %run_scoped3A = tpu.sem_alloc : memref<!tpu.dma_semaphore, #tpu.memory_space<semaphore_mem>>
      %dma_start3A_128 = arith.constant 0 : i32
      %dma_start3A_129 = tpu.memref_slice %arg13[%add3A_39, %dma_start3A_128] : memref<10240x128xf32, #tpu.memory_space<vmem_shared>> -> memref<128x128xf32, #tpu.memory_space<vmem_shared>>
      %dma_start3A_130 = arith.constant 0 : i32
      %dma_start3A_131 = tpu.memref_slice %arg13[%add3A_39, %dma_start3A_130] : memref<10240x128xf32, #tpu.memory_space<vmem_shared>> -> memref<128x128xf32, #tpu.memory_space<vmem_shared>>
      tpu.enqueue_dma source(%arg11 : memref<128x128xf32, #tpu.memory_space<vmem>>) target(%dma_start3A_131 : memref<128x128xf32, #tpu.memory_space<vmem_shared>>) target_semaphore(%run_scoped3A : memref<!tpu.dma_semaphore, #tpu.memory_space<semaphore_mem>>)
      %dma_wait3A_132 = arith.constant 0 : i32
      %dma_wait3A_133 = tpu.memref_slice %arg13[%add3A_39, %dma_wait3A_132] : memref<10240x128xf32, #tpu.memory_space<vmem_shared>> -> memref<128x128xf32, #tpu.memory_space<vmem_shared>>
      %dma_wait3A_134 = arith.constant 0 : i32
      %dma_wait3A_135 = tpu.memref_slice %arg13[%add3A_39, %dma_wait3A_134] : memref<10240x128xf32, #tpu.memory_space<vmem_shared>> -> memref<128x128xf32, #tpu.memory_space<vmem_shared>>
      tpu.wait_dma2 semaphore(%run_scoped3A : memref<!tpu.dma_semaphore, #tpu.memory_space<semaphore_mem>>) src(%arg11 : memref<128x128xf32, #tpu.memory_space<vmem>>) dst(%dma_wait3A_135 : memref<128x128xf32, #tpu.memory_space<vmem_shared>>)
      tpu.yield
    }) : () -> ()
    %barrier3A = arith.constant 0 : index
    tpu.barrier barrier_id(%barrier3A)
    %add3A_40 = arith.constant 0 : i32
    %add3A_41 = arith.addi %select_n3A_8, %add3A_40 : i32
    %mul3A_42 = arith.constant 128 : i32
    %mul3A_43 = arith.muli %add3A_41, %mul3A_42 : i32
    %dma_start3A = tpu.memref_slice %arg3[%mul3A_43] : memref<327680xi32, #tpu.memory_space<hbm>> -> memref<128xi32, #tpu.memory_space<hbm>>
    %dma_start3A_44 = tpu.memref_slice %arg3[%mul3A_43] : memref<327680xi32, #tpu.memory_space<hbm>> -> memref<128xi32, #tpu.memory_space<hbm>>
    tpu.enqueue_dma source(%dma_start3A_44 : memref<128xi32, #tpu.memory_space<hbm>>) target(%arg7 : memref<128xi32, #tpu.memory_space<vmem>>) target_semaphore(%arg14 : memref<!tpu.dma_semaphore, #tpu.memory_space<semaphore_mem>>)
    %add3A_45 = arith.constant 0 : i32
    %add3A_46 = arith.addi %select_n3A_8, %add3A_45 : i32
    %mul3A_47 = arith.constant 128 : i32
    %mul3A_48 = arith.muli %add3A_46, %mul3A_47 : i32
    %dma_start3A_49 = tpu.memref_slice %arg4[%mul3A_48] : memref<327680xi32, #tpu.memory_space<hbm>> -> memref<128xi32, #tpu.memory_space<hbm>>
    %dma_start3A_50 = tpu.memref_slice %arg4[%mul3A_48] : memref<327680xi32, #tpu.memory_space<hbm>> -> memref<128xi32, #tpu.memory_space<hbm>>
    tpu.enqueue_dma source(%dma_start3A_50 : memref<128xi32, #tpu.memory_space<hbm>>) target(%arg9 : memref<128xi32, #tpu.memory_space<vmem>>) target_semaphore(%arg16 : memref<!tpu.dma_semaphore, #tpu.memory_space<semaphore_mem>>)
    %add3A_51 = arith.constant 1 : i32
    %add3A_52 = arith.addi %select_n3A_8, %add3A_51 : i32
    %mul3A_53 = arith.constant 128 : i32
    %mul3A_54 = arith.muli %add3A_52, %mul3A_53 : i32
    %dma_start3A_55 = tpu.memref_slice %arg3[%mul3A_54] : memref<327680xi32, #tpu.memory_space<hbm>> -> memref<128xi32, #tpu.memory_space<hbm>>
    %dma_start3A_56 = tpu.memref_slice %arg3[%mul3A_54] : memref<327680xi32, #tpu.memory_space<hbm>> -> memref<128xi32, #tpu.memory_space<hbm>>
    tpu.enqueue_dma source(%dma_start3A_56 : memref<128xi32, #tpu.memory_space<hbm>>) target(%arg8 : memref<128xi32, #tpu.memory_space<vmem>>) target_semaphore(%arg15 : memref<!tpu.dma_semaphore, #tpu.memory_space<semaphore_mem>>)
    %add3A_57 = arith.constant 1 : i32
    %add3A_58 = arith.addi %select_n3A_8, %add3A_57 : i32
    %mul3A_59 = arith.constant 128 : i32
    %mul3A_60 = arith.muli %add3A_58, %mul3A_59 : i32
    %dma_start3A_61 = tpu.memref_slice %arg4[%mul3A_60] : memref<327680xi32, #tpu.memory_space<hbm>> -> memref<128xi32, #tpu.memory_space<hbm>>
    %dma_start3A_62 = tpu.memref_slice %arg4[%mul3A_60] : memref<327680xi32, #tpu.memory_space<hbm>> -> memref<128xi32, #tpu.memory_space<hbm>>
    tpu.enqueue_dma source(%dma_start3A_62 : memref<128xi32, #tpu.memory_space<hbm>>) target(%arg10 : memref<128xi32, #tpu.memory_space<vmem>>) target_semaphore(%arg17 : memref<!tpu.dma_semaphore, #tpu.memory_space<semaphore_mem>>)
    %dma_wait3A = arith.constant 0 : i32
    %dma_wait3A_63 = tpu.memref_slice %arg3[%dma_wait3A] : memref<327680xi32, #tpu.memory_space<hbm>> -> memref<128xi32, #tpu.memory_space<hbm>>
    %dma_wait3A_64 = tpu.memref_slice %arg3[%dma_wait3A] : memref<327680xi32, #tpu.memory_space<hbm>> -> memref<128xi32, #tpu.memory_space<hbm>>
    tpu.wait_dma2 semaphore(%arg14 : memref<!tpu.dma_semaphore, #tpu.memory_space<semaphore_mem>>) src(%dma_wait3A_64 : memref<128xi32, #tpu.memory_space<hbm>>) dst(%arg7 : memref<128xi32, #tpu.memory_space<vmem>>)
    %dma_wait3A_65 = arith.constant 0 : i32
    %dma_wait3A_66 = tpu.memref_slice %arg4[%dma_wait3A_65] : memref<327680xi32, #tpu.memory_space<hbm>> -> memref<128xi32, #tpu.memory_space<hbm>>
    %dma_wait3A_67 = tpu.memref_slice %arg4[%dma_wait3A_65] : memref<327680xi32, #tpu.memory_space<hbm>> -> memref<128xi32, #tpu.memory_space<hbm>>
    tpu.wait_dma2 semaphore(%arg16 : memref<!tpu.dma_semaphore, #tpu.memory_space<semaphore_mem>>) src(%dma_wait3A_67 : memref<128xi32, #tpu.memory_space<hbm>>) dst(%arg9 : memref<128xi32, #tpu.memory_space<vmem>>)
    %dma_start3A_68 = arith.constant 0 : i32
    %dma_start3A_69 = arith.constant 0 : i32
    %dma_start3A_70 = tpu.memref_slice %arg2[%dma_start3A_68, %dma_start3A_69] : memref<10000x128xf32, #tpu.memory_space<hbm>> -> memref<10000x128xf32, #tpu.memory_space<hbm>>
    tpu.enqueue_indirect_dma source(%dma_start3A_70 : memref<10000x128xf32, #tpu.memory_space<hbm>>) target(%arg11 : memref<128x128xf32, #tpu.memory_space<vmem>>) offsets(%arg7 : memref<128xi32, #tpu.memory_space<vmem>>) semaphore(%arg18 : memref<!tpu.dma_semaphore, #tpu.memory_space<semaphore_mem>>)
    %sub3A = arith.constant 2 : i32
    %sub3A_71 = arith.subi %select_n3A, %sub3A : i32
    %jit3A_72 = arith.constant 2 : i64
    %convert_element_type3A = arith.trunci %jit3A_72 : i64 to i32
    %div3A = arith.divsi %sub3A_71, %convert_element_type3A : i32
    %sign3A = arith.constant 0 : i32
    %sign3A_73 = arith.cmpi sgt, %sub3A_71, %sign3A : i32
    %sign3A_74 = arith.extui %sign3A_73 : i1 to i32
    %sign3A_75 = arith.constant 0 : i32
    %sign3A_76 = arith.cmpi slt, %sub3A_71, %sign3A_75 : i32
    %sign3A_77 = arith.extui %sign3A_76 : i1 to i32
    %sign3A_78 = arith.subi %sign3A_74, %sign3A_77 : i32
    %sign3A_79 = arith.constant 0 : i32
    %sign3A_80 = arith.cmpi sgt, %convert_element_type3A, %sign3A_79 : i32
    %sign3A_81 = arith.extui %sign3A_80 : i1 to i32
    %sign3A_82 = arith.constant 0 : i32
    %sign3A_83 = arith.cmpi slt, %convert_element_type3A, %sign3A_82 : i32
    %sign3A_84 = arith.extui %sign3A_83 : i1 to i32
    %sign3A_85 = arith.subi %sign3A_81, %sign3A_84 : i32
    %ne3A = arith.cmpi ne, %sign3A_78, %sign3A_85 : i32
    %rem3A = arith.remsi %sub3A_71, %convert_element_type3A : i32
    %ne3A_86 = arith.constant 0 : i32
    %ne3A_87 = arith.cmpi ne, %rem3A, %ne3A_86 : i32
    %and3A = arith.andi %ne3A, %ne3A_87 : i1
    %sub3A_88 = arith.constant 1 : i32
    %sub3A_89 = arith.subi %div3A, %sub3A_88 : i32
    %select_n3A_90 = arith.select %and3A, %sub3A_89, %div3A : i32
    %while3A_91 = arith.constant 0 : i32
    %while3A_92 = arith.constant 0 : i32
    %while3A_93 = arith.subi %select_n3A_90, %while3A_92 : i32
    %while3A_94 = arith.addi %while3A_92, %while3A_93 : i32
    %while3A_95 = arith.constant 1 : i32
    %while3A_96 = arith.divsi %while3A_93, %while3A_95 : i32
    %while3A_97 = arith.muli %while3A_96, %while3A_95 : i32
    %while3A_98 = arith.addi %while3A_92, %while3A_97 : i32
    %while3A_99 = arith.constant 1 : i32
    scf.for %while3A_128 = %while3A_92 to %while3A_98 step %while3A_99  : i32 {
      %mul3A_129 = arith.constant 2 : i32
      %mul3A_130 = arith.muli %while3A_128, %mul3A_129 : i32
      %dma_wait3A_131 = arith.constant 0 : i32
      %dma_wait3A_132 = tpu.memref_slice %arg3[%dma_wait3A_131] : memref<327680xi32, #tpu.memory_space<hbm>> -> memref<128xi32, #tpu.memory_space<hbm>>
      %dma_wait3A_133 = tpu.memref_slice %arg3[%dma_wait3A_131] : memref<327680xi32, #tpu.memory_space<hbm>> -> memref<128xi32, #tpu.memory_space<hbm>>
      tpu.wait_dma2 semaphore(%arg15 : memref<!tpu.dma_semaphore, #tpu.memory_space<semaphore_mem>>) src(%dma_wait3A_133 : memref<128xi32, #tpu.memory_space<hbm>>) dst(%arg8 : memref<128xi32, #tpu.memory_space<vmem>>)
      %dma_wait3A_134 = arith.constant 0 : i32
      %dma_wait3A_135 = tpu.memref_slice %arg4[%dma_wait3A_134] : memref<327680xi32, #tpu.memory_space<hbm>> -> memref<128xi32, #tpu.memory_space<hbm>>
      %dma_wait3A_136 = tpu.memref_slice %arg4[%dma_wait3A_134] : memref<327680xi32, #tpu.memory_space<hbm>> -> memref<128xi32, #tpu.memory_space<hbm>>
      tpu.wait_dma2 semaphore(%arg17 : memref<!tpu.dma_semaphore, #tpu.memory_space<semaphore_mem>>) src(%dma_wait3A_136 : memref<128xi32, #tpu.memory_space<hbm>>) dst(%arg10 : memref<128xi32, #tpu.memory_space<vmem>>)
      %add3A_137 = arith.constant 1 : i32
      %add3A_138 = arith.addi %mul3A_130, %add3A_137 : i32
      %dma_start3A_139 = arith.constant 0 : i32
      %dma_start3A_140 = arith.constant 0 : i32
      %dma_start3A_141 = tpu.memref_slice %arg2[%dma_start3A_139, %dma_start3A_140] : memref<10000x128xf32, #tpu.memory_space<hbm>> -> memref<10000x128xf32, #tpu.memory_space<hbm>>
      tpu.enqueue_indirect_dma source(%dma_start3A_141 : memref<10000x128xf32, #tpu.memory_space<hbm>>) target(%arg12 : memref<128x128xf32, #tpu.memory_space<vmem>>) offsets(%arg8 : memref<128xi32, #tpu.memory_space<vmem>>) semaphore(%arg19 : memref<!tpu.dma_semaphore, #tpu.memory_space<semaphore_mem>>)
      %dma_wait3A_142 = arith.constant 0 : i32
      %dma_wait3A_143 = arith.constant 0 : i32
      %dma_wait3A_144 = tpu.memref_slice %arg2[%dma_wait3A_142, %dma_wait3A_143] : memref<10000x128xf32, #tpu.memory_space<hbm>> -> memref<10000x128xf32, #tpu.memory_space<hbm>>
      tpu.wait_indirect_dma semaphore(%arg18 : memref<!tpu.dma_semaphore, #tpu.memory_space<semaphore_mem>>) src(%dma_wait3A_144 : memref<10000x128xf32, #tpu.memory_space<hbm>>) dst(%arg11 : memref<128x128xf32, #tpu.memory_space<vmem>>)
      "tpu.region"() ({
        %run_scoped3A = tpu.sem_alloc : memref<!tpu.dma_semaphore, #tpu.memory_space<semaphore_mem>>
        %dma_start3A_183 = arith.constant 0 : i32
        %dma_start3A_184 = arith.constant 0 : i32
        %dma_start3A_185 = tpu.memref_slice %arg13[%dma_start3A_183, %dma_start3A_184] : memref<10240x128xf32, #tpu.memory_space<vmem_shared>> -> memref<10240x128xf32, #tpu.memory_space<vmem_shared>>
        tpu.enqueue_indirect_dma source(%arg11 : memref<128x128xf32, #tpu.memory_space<vmem>>) target(%dma_start3A_185 : memref<10240x128xf32, #tpu.memory_space<vmem_shared>>) offsets(%arg9 : memref<128xi32, #tpu.memory_space<vmem>>) semaphore(%run_scoped3A : memref<!tpu.dma_semaphore, #tpu.memory_space<semaphore_mem>>) {add = true}
        %dma_wait3A_186 = arith.constant 0 : i32
        %dma_wait3A_187 = arith.constant 0 : i32
        %dma_wait3A_188 = tpu.memref_slice %arg13[%dma_wait3A_186, %dma_wait3A_187] : memref<10240x128xf32, #tpu.memory_space<vmem_shared>> -> memref<10240x128xf32, #tpu.memory_space<vmem_shared>>
        tpu.wait_indirect_dma semaphore(%run_scoped3A : memref<!tpu.dma_semaphore, #tpu.memory_space<semaphore_mem>>) src(%arg11 : memref<128x128xf32, #tpu.memory_space<vmem>>) dst(%dma_wait3A_188 : memref<10240x128xf32, #tpu.memory_space<vmem_shared>>)
        tpu.yield
      }) : () -> ()
      %add3A_145 = arith.constant 2 : i32
      %add3A_146 = arith.addi %mul3A_130, %add3A_145 : i32
      %add3A_147 = arith.addi %select_n3A_8, %add3A_146 : i32
      %mul3A_148 = arith.constant 128 : i32
      %mul3A_149 = arith.muli %add3A_147, %mul3A_148 : i32
      %dma_start3A_150 = tpu.memref_slice %arg3[%mul3A_149] : memref<327680xi32, #tpu.memory_space<hbm>> -> memref<128xi32, #tpu.memory_space<hbm>>
      %dma_start3A_151 = tpu.memref_slice %arg3[%mul3A_149] : memref<327680xi32, #tpu.memory_space<hbm>> -> memref<128xi32, #tpu.memory_space<hbm>>
      tpu.enqueue_dma source(%dma_start3A_151 : memref<128xi32, #tpu.memory_space<hbm>>) target(%arg7 : memref<128xi32, #tpu.memory_space<vmem>>) target_semaphore(%arg14 : memref<!tpu.dma_semaphore, #tpu.memory_space<semaphore_mem>>)
      %add3A_152 = arith.addi %select_n3A_8, %add3A_146 : i32
      %mul3A_153 = arith.constant 128 : i32
      %mul3A_154 = arith.muli %add3A_152, %mul3A_153 : i32
      %dma_start3A_155 = tpu.memref_slice %arg4[%mul3A_154] : memref<327680xi32, #tpu.memory_space<hbm>> -> memref<128xi32, #tpu.memory_space<hbm>>
      %dma_start3A_156 = tpu.memref_slice %arg4[%mul3A_154] : memref<327680xi32, #tpu.memory_space<hbm>> -> memref<128xi32, #tpu.memory_space<hbm>>
      tpu.enqueue_dma source(%dma_start3A_156 : memref<128xi32, #tpu.memory_space<hbm>>) target(%arg9 : memref<128xi32, #tpu.memory_space<vmem>>) target_semaphore(%arg16 : memref<!tpu.dma_semaphore, #tpu.memory_space<semaphore_mem>>)
      %dma_wait3A_157 = arith.constant 0 : i32
      %dma_wait3A_158 = tpu.memref_slice %arg3[%dma_wait3A_157] : memref<327680xi32, #tpu.memory_space<hbm>> -> memref<128xi32, #tpu.memory_space<hbm>>
      %dma_wait3A_159 = tpu.memref_slice %arg3[%dma_wait3A_157] : memref<327680xi32, #tpu.memory_space<hbm>> -> memref<128xi32, #tpu.memory_space<hbm>>
      tpu.wait_dma2 semaphore(%arg14 : memref<!tpu.dma_semaphore, #tpu.memory_space<semaphore_mem>>) src(%dma_wait3A_159 : memref<128xi32, #tpu.memory_space<hbm>>) dst(%arg7 : memref<128xi32, #tpu.memory_space<vmem>>)
      %dma_wait3A_160 = arith.constant 0 : i32
      %dma_wait3A_161 = tpu.memref_slice %arg4[%dma_wait3A_160] : memref<327680xi32, #tpu.memory_space<hbm>> -> memref<128xi32, #tpu.memory_space<hbm>>
      %dma_wait3A_162 = tpu.memref_slice %arg4[%dma_wait3A_160] : memref<327680xi32, #tpu.memory_space<hbm>> -> memref<128xi32, #tpu.memory_space<hbm>>
      tpu.wait_dma2 semaphore(%arg16 : memref<!tpu.dma_semaphore, #tpu.memory_space<semaphore_mem>>) src(%dma_wait3A_162 : memref<128xi32, #tpu.memory_space<hbm>>) dst(%arg9 : memref<128xi32, #tpu.memory_space<vmem>>)
      %add3A_163 = arith.constant 2 : i32
      %add3A_164 = arith.addi %mul3A_130, %add3A_163 : i32
      %dma_start3A_165 = arith.constant 0 : i32
      %dma_start3A_166 = arith.constant 0 : i32
      %dma_start3A_167 = tpu.memref_slice %arg2[%dma_start3A_165, %dma_start3A_166] : memref<10000x128xf32, #tpu.memory_space<hbm>> -> memref<10000x128xf32, #tpu.memory_space<hbm>>
      tpu.enqueue_indirect_dma source(%dma_start3A_167 : memref<10000x128xf32, #tpu.memory_space<hbm>>) target(%arg11 : memref<128x128xf32, #tpu.memory_space<vmem>>) offsets(%arg7 : memref<128xi32, #tpu.memory_space<vmem>>) semaphore(%arg18 : memref<!tpu.dma_semaphore, #tpu.memory_space<semaphore_mem>>)
      %dma_wait3A_168 = arith.constant 0 : i32
      %dma_wait3A_169 = arith.constant 0 : i32
      %dma_wait3A_170 = tpu.memref_slice %arg2[%dma_wait3A_168, %dma_wait3A_169] : memref<10000x128xf32, #tpu.memory_space<hbm>> -> memref<10000x128xf32, #tpu.memory_space<hbm>>
      tpu.wait_indirect_dma semaphore(%arg19 : memref<!tpu.dma_semaphore, #tpu.memory_space<semaphore_mem>>) src(%dma_wait3A_170 : memref<10000x128xf32, #tpu.memory_space<hbm>>) dst(%arg12 : memref<128x128xf32, #tpu.memory_space<vmem>>)
      "tpu.region"() ({
        %run_scoped3A = tpu.sem_alloc : memref<!tpu.dma_semaphore, #tpu.memory_space<semaphore_mem>>
        %dma_start3A_183 = arith.constant 0 : i32
        %dma_start3A_184 = arith.constant 0 : i32
        %dma_start3A_185 = tpu.memref_slice %arg13[%dma_start3A_183, %dma_start3A_184] : memref<10240x128xf32, #tpu.memory_space<vmem_shared>> -> memref<10240x128xf32, #tpu.memory_space<vmem_shared>>
        tpu.enqueue_indirect_dma source(%arg12 : memref<128x128xf32, #tpu.memory_space<vmem>>) target(%dma_start3A_185 : memref<10240x128xf32, #tpu.memory_space<vmem_shared>>) offsets(%arg10 : memref<128xi32, #tpu.memory_space<vmem>>) semaphore(%run_scoped3A : memref<!tpu.dma_semaphore, #tpu.memory_space<semaphore_mem>>) {add = true}
        %dma_wait3A_186 = arith.constant 0 : i32
        %dma_wait3A_187 = arith.constant 0 : i32
        %dma_wait3A_188 = tpu.memref_slice %arg13[%dma_wait3A_186, %dma_wait3A_187] : memref<10240x128xf32, #tpu.memory_space<vmem_shared>> -> memref<10240x128xf32, #tpu.memory_space<vmem_shared>>
        tpu.wait_indirect_dma semaphore(%run_scoped3A : memref<!tpu.dma_semaphore, #tpu.memory_space<semaphore_mem>>) src(%arg12 : memref<128x128xf32, #tpu.memory_space<vmem>>) dst(%dma_wait3A_188 : memref<10240x128xf32, #tpu.memory_space<vmem_shared>>)
        tpu.yield
      }) : () -> ()
      %add3A_171 = arith.constant 3 : i32
      %add3A_172 = arith.addi %mul3A_130, %add3A_171 : i32
      %add3A_173 = arith.addi %select_n3A_8, %add3A_172 : i32
      %mul3A_174 = arith.constant 128 : i32
      %mul3A_175 = arith.muli %add3A_173, %mul3A_174 : i32
      %dma_start3A_176 = tpu.memref_slice %arg3[%mul3A_175] : memref<327680xi32, #tpu.memory_space<hbm>> -> memref<128xi32, #tpu.memory_space<hbm>>
      %dma_start3A_177 = tpu.memref_slice %arg3[%mul3A_175] : memref<327680xi32, #tpu.memory_space<hbm>> -> memref<128xi32, #tpu.memory_space<hbm>>
      tpu.enqueue_dma source(%dma_start3A_177 : memref<128xi32, #tpu.memory_space<hbm>>) target(%arg8 : memref<128xi32, #tpu.memory_space<vmem>>) target_semaphore(%arg15 : memref<!tpu.dma_semaphore, #tpu.memory_space<semaphore_mem>>)
      %add3A_178 = arith.addi %select_n3A_8, %add3A_172 : i32
      %mul3A_179 = arith.constant 128 : i32
      %mul3A_180 = arith.muli %add3A_178, %mul3A_179 : i32
      %dma_start3A_181 = tpu.memref_slice %arg4[%mul3A_180] : memref<327680xi32, #tpu.memory_space<hbm>> -> memref<128xi32, #tpu.memory_space<hbm>>
      %dma_start3A_182 = tpu.memref_slice %arg4[%mul3A_180] : memref<327680xi32, #tpu.memory_space<hbm>> -> memref<128xi32, #tpu.memory_space<hbm>>
      tpu.enqueue_dma source(%dma_start3A_182 : memref<128xi32, #tpu.memory_space<hbm>>) target(%arg10 : memref<128xi32, #tpu.memory_space<vmem>>) target_semaphore(%arg17 : memref<!tpu.dma_semaphore, #tpu.memory_space<semaphore_mem>>)
    }
    %while3A_100 = arith.constant 1 : i32
    scf.for %while3A_128 = %while3A_98 to %while3A_94 step %while3A_100  : i32 {
      %mul3A_129 = arith.constant 2 : i32
      %mul3A_130 = arith.muli %while3A_128, %mul3A_129 : i32
      %dma_wait3A_131 = arith.constant 0 : i32
      %dma_wait3A_132 = tpu.memref_slice %arg3[%dma_wait3A_131] : memref<327680xi32, #tpu.memory_space<hbm>> -> memref<128xi32, #tpu.memory_space<hbm>>
      %dma_wait3A_133 = tpu.memref_slice %arg3[%dma_wait3A_131] : memref<327680xi32, #tpu.memory_space<hbm>> -> memref<128xi32, #tpu.memory_space<hbm>>
      tpu.wait_dma2 semaphore(%arg15 : memref<!tpu.dma_semaphore, #tpu.memory_space<semaphore_mem>>) src(%dma_wait3A_133 : memref<128xi32, #tpu.memory_space<hbm>>) dst(%arg8 : memref<128xi32, #tpu.memory_space<vmem>>)
      %dma_wait3A_134 = arith.constant 0 : i32
      %dma_wait3A_135 = tpu.memref_slice %arg4[%dma_wait3A_134] : memref<327680xi32, #tpu.memory_space<hbm>> -> memref<128xi32, #tpu.memory_space<hbm>>
      %dma_wait3A_136 = tpu.memref_slice %arg4[%dma_wait3A_134] : memref<327680xi32, #tpu.memory_space<hbm>> -> memref<128xi32, #tpu.memory_space<hbm>>
      tpu.wait_dma2 semaphore(%arg17 : memref<!tpu.dma_semaphore, #tpu.memory_space<semaphore_mem>>) src(%dma_wait3A_136 : memref<128xi32, #tpu.memory_space<hbm>>) dst(%arg10 : memref<128xi32, #tpu.memory_space<vmem>>)
      %add3A_137 = arith.constant 1 : i32
      %add3A_138 = arith.addi %mul3A_130, %add3A_137 : i32
      %dma_start3A_139 = arith.constant 0 : i32
      %dma_start3A_140 = arith.constant 0 : i32
      %dma_start3A_141 = tpu.memref_slice %arg2[%dma_start3A_139, %dma_start3A_140] : memref<10000x128xf32, #tpu.memory_space<hbm>> -> memref<10000x128xf32, #tpu.memory_space<hbm>>
      tpu.enqueue_indirect_dma source(%dma_start3A_141 : memref<10000x128xf32, #tpu.memory_space<hbm>>) target(%arg12 : memref<128x128xf32, #tpu.memory_space<vmem>>) offsets(%arg8 : memref<128xi32, #tpu.memory_space<vmem>>) semaphore(%arg19 : memref<!tpu.dma_semaphore, #tpu.memory_space<semaphore_mem>>)
      %dma_wait3A_142 = arith.constant 0 : i32
      %dma_wait3A_143 = arith.constant 0 : i32
      %dma_wait3A_144 = tpu.memref_slice %arg2[%dma_wait3A_142, %dma_wait3A_143] : memref<10000x128xf32, #tpu.memory_space<hbm>> -> memref<10000x128xf32, #tpu.memory_space<hbm>>
      tpu.wait_indirect_dma semaphore(%arg18 : memref<!tpu.dma_semaphore, #tpu.memory_space<semaphore_mem>>) src(%dma_wait3A_144 : memref<10000x128xf32, #tpu.memory_space<hbm>>) dst(%arg11 : memref<128x128xf32, #tpu.memory_space<vmem>>)
      "tpu.region"() ({
        %run_scoped3A = tpu.sem_alloc : memref<!tpu.dma_semaphore, #tpu.memory_space<semaphore_mem>>
        %dma_start3A_183 = arith.constant 0 : i32
        %dma_start3A_184 = arith.constant 0 : i32
        %dma_start3A_185 = tpu.memref_slice %arg13[%dma_start3A_183, %dma_start3A_184] : memref<10240x128xf32, #tpu.memory_space<vmem_shared>> -> memref<10240x128xf32, #tpu.memory_space<vmem_shared>>
        tpu.enqueue_indirect_dma source(%arg11 : memref<128x128xf32, #tpu.memory_space<vmem>>) target(%dma_start3A_185 : memref<10240x128xf32, #tpu.memory_space<vmem_shared>>) offsets(%arg9 : memref<128xi32, #tpu.memory_space<vmem>>) semaphore(%run_scoped3A : memref<!tpu.dma_semaphore, #tpu.memory_space<semaphore_mem>>) {add = true}
        %dma_wait3A_186 = arith.constant 0 : i32
        %dma_wait3A_187 = arith.constant 0 : i32
        %dma_wait3A_188 = tpu.memref_slice %arg13[%dma_wait3A_186, %dma_wait3A_187] : memref<10240x128xf32, #tpu.memory_space<vmem_shared>> -> memref<10240x128xf32, #tpu.memory_space<vmem_shared>>
        tpu.wait_indirect_dma semaphore(%run_scoped3A : memref<!tpu.dma_semaphore, #tpu.memory_space<semaphore_mem>>) src(%arg11 : memref<128x128xf32, #tpu.memory_space<vmem>>) dst(%dma_wait3A_188 : memref<10240x128xf32, #tpu.memory_space<vmem_shared>>)
        tpu.yield
      }) : () -> ()
      %add3A_145 = arith.constant 2 : i32
      %add3A_146 = arith.addi %mul3A_130, %add3A_145 : i32
      %add3A_147 = arith.addi %select_n3A_8, %add3A_146 : i32
      %mul3A_148 = arith.constant 128 : i32
      %mul3A_149 = arith.muli %add3A_147, %mul3A_148 : i32
      %dma_start3A_150 = tpu.memref_slice %arg3[%mul3A_149] : memref<327680xi32, #tpu.memory_space<hbm>> -> memref<128xi32, #tpu.memory_space<hbm>>
      %dma_start3A_151 = tpu.memref_slice %arg3[%mul3A_149] : memref<327680xi32, #tpu.memory_space<hbm>> -> memref<128xi32, #tpu.memory_space<hbm>>
      tpu.enqueue_dma source(%dma_start3A_151 : memref<128xi32, #tpu.memory_space<hbm>>) target(%arg7 : memref<128xi32, #tpu.memory_space<vmem>>) target_semaphore(%arg14 : memref<!tpu.dma_semaphore, #tpu.memory_space<semaphore_mem>>)
      %add3A_152 = arith.addi %select_n3A_8, %add3A_146 : i32
      %mul3A_153 = arith.constant 128 : i32
      %mul3A_154 = arith.muli %add3A_152, %mul3A_153 : i32
      %dma_start3A_155 = tpu.memref_slice %arg4[%mul3A_154] : memref<327680xi32, #tpu.memory_space<hbm>> -> memref<128xi32, #tpu.memory_space<hbm>>
      %dma_start3A_156 = tpu.memref_slice %arg4[%mul3A_154] : memref<327680xi32, #tpu.memory_space<hbm>> -> memref<128xi32, #tpu.memory_space<hbm>>
      tpu.enqueue_dma source(%dma_start3A_156 : memref<128xi32, #tpu.memory_space<hbm>>) target(%arg9 : memref<128xi32, #tpu.memory_space<vmem>>) target_semaphore(%arg16 : memref<!tpu.dma_semaphore, #tpu.memory_space<semaphore_mem>>)
      %dma_wait3A_157 = arith.constant 0 : i32
      %dma_wait3A_158 = tpu.memref_slice %arg3[%dma_wait3A_157] : memref<327680xi32, #tpu.memory_space<hbm>> -> memref<128xi32, #tpu.memory_space<hbm>>
      %dma_wait3A_159 = tpu.memref_slice %arg3[%dma_wait3A_157] : memref<327680xi32, #tpu.memory_space<hbm>> -> memref<128xi32, #tpu.memory_space<hbm>>
      tpu.wait_dma2 semaphore(%arg14 : memref<!tpu.dma_semaphore, #tpu.memory_space<semaphore_mem>>) src(%dma_wait3A_159 : memref<128xi32, #tpu.memory_space<hbm>>) dst(%arg7 : memref<128xi32, #tpu.memory_space<vmem>>)
      %dma_wait3A_160 = arith.constant 0 : i32
      %dma_wait3A_161 = tpu.memref_slice %arg4[%dma_wait3A_160] : memref<327680xi32, #tpu.memory_space<hbm>> -> memref<128xi32, #tpu.memory_space<hbm>>
      %dma_wait3A_162 = tpu.memref_slice %arg4[%dma_wait3A_160] : memref<327680xi32, #tpu.memory_space<hbm>> -> memref<128xi32, #tpu.memory_space<hbm>>
      tpu.wait_dma2 semaphore(%arg16 : memref<!tpu.dma_semaphore, #tpu.memory_space<semaphore_mem>>) src(%dma_wait3A_162 : memref<128xi32, #tpu.memory_space<hbm>>) dst(%arg9 : memref<128xi32, #tpu.memory_space<vmem>>)
      %add3A_163 = arith.constant 2 : i32
      %add3A_164 = arith.addi %mul3A_130, %add3A_163 : i32
      %dma_start3A_165 = arith.constant 0 : i32
      %dma_start3A_166 = arith.constant 0 : i32
      %dma_start3A_167 = tpu.memref_slice %arg2[%dma_start3A_165, %dma_start3A_166] : memref<10000x128xf32, #tpu.memory_space<hbm>> -> memref<10000x128xf32, #tpu.memory_space<hbm>>
      tpu.enqueue_indirect_dma source(%dma_start3A_167 : memref<10000x128xf32, #tpu.memory_space<hbm>>) target(%arg11 : memref<128x128xf32, #tpu.memory_space<vmem>>) offsets(%arg7 : memref<128xi32, #tpu.memory_space<vmem>>) semaphore(%arg18 : memref<!tpu.dma_semaphore, #tpu.memory_space<semaphore_mem>>)
      %dma_wait3A_168 = arith.constant 0 : i32
      %dma_wait3A_169 = arith.constant 0 : i32
      %dma_wait3A_170 = tpu.memref_slice %arg2[%dma_wait3A_168, %dma_wait3A_169] : memref<10000x128xf32, #tpu.memory_space<hbm>> -> memref<10000x128xf32, #tpu.memory_space<hbm>>
      tpu.wait_indirect_dma semaphore(%arg19 : memref<!tpu.dma_semaphore, #tpu.memory_space<semaphore_mem>>) src(%dma_wait3A_170 : memref<10000x128xf32, #tpu.memory_space<hbm>>) dst(%arg12 : memref<128x128xf32, #tpu.memory_space<vmem>>)
      "tpu.region"() ({
        %run_scoped3A = tpu.sem_alloc : memref<!tpu.dma_semaphore, #tpu.memory_space<semaphore_mem>>
        %dma_start3A_183 = arith.constant 0 : i32
        %dma_start3A_184 = arith.constant 0 : i32
        %dma_start3A_185 = tpu.memref_slice %arg13[%dma_start3A_183, %dma_start3A_184] : memref<10240x128xf32, #tpu.memory_space<vmem_shared>> -> memref<10240x128xf32, #tpu.memory_space<vmem_shared>>
        tpu.enqueue_indirect_dma source(%arg12 : memref<128x128xf32, #tpu.memory_space<vmem>>) target(%dma_start3A_185 : memref<10240x128xf32, #tpu.memory_space<vmem_shared>>) offsets(%arg10 : memref<128xi32, #tpu.memory_space<vmem>>) semaphore(%run_scoped3A : memref<!tpu.dma_semaphore, #tpu.memory_space<semaphore_mem>>) {add = true}
        %dma_wait3A_186 = arith.constant 0 : i32
        %dma_wait3A_187 = arith.constant 0 : i32
        %dma_wait3A_188 = tpu.memref_slice %arg13[%dma_wait3A_186, %dma_wait3A_187] : memref<10240x128xf32, #tpu.memory_space<vmem_shared>> -> memref<10240x128xf32, #tpu.memory_space<vmem_shared>>
        tpu.wait_indirect_dma semaphore(%run_scoped3A : memref<!tpu.dma_semaphore, #tpu.memory_space<semaphore_mem>>) src(%arg12 : memref<128x128xf32, #tpu.memory_space<vmem>>) dst(%dma_wait3A_188 : memref<10240x128xf32, #tpu.memory_space<vmem_shared>>)
        tpu.yield
      }) : () -> ()
      %add3A_171 = arith.constant 3 : i32
      %add3A_172 = arith.addi %mul3A_130, %add3A_171 : i32
      %add3A_173 = arith.addi %select_n3A_8, %add3A_172 : i32
      %mul3A_174 = arith.constant 128 : i32
      %mul3A_175 = arith.muli %add3A_173, %mul3A_174 : i32
      %dma_start3A_176 = tpu.memref_slice %arg3[%mul3A_175] : memref<327680xi32, #tpu.memory_space<hbm>> -> memref<128xi32, #tpu.memory_space<hbm>>
      %dma_start3A_177 = tpu.memref_slice %arg3[%mul3A_175] : memref<327680xi32, #tpu.memory_space<hbm>> -> memref<128xi32, #tpu.memory_space<hbm>>
      tpu.enqueue_dma source(%dma_start3A_177 : memref<128xi32, #tpu.memory_space<hbm>>) target(%arg8 : memref<128xi32, #tpu.memory_space<vmem>>) target_semaphore(%arg15 : memref<!tpu.dma_semaphore, #tpu.memory_space<semaphore_mem>>)
      %add3A_178 = arith.addi %select_n3A_8, %add3A_172 : i32
      %mul3A_179 = arith.constant 128 : i32
      %mul3A_180 = arith.muli %add3A_178, %mul3A_179 : i32
      %dma_start3A_181 = tpu.memref_slice %arg4[%mul3A_180] : memref<327680xi32, #tpu.memory_space<hbm>> -> memref<128xi32, #tpu.memory_space<hbm>>
      %dma_start3A_182 = tpu.memref_slice %arg4[%mul3A_180] : memref<327680xi32, #tpu.memory_space<hbm>> -> memref<128xi32, #tpu.memory_space<hbm>>
      tpu.enqueue_dma source(%dma_start3A_182 : memref<128xi32, #tpu.memory_space<hbm>>) target(%arg10 : memref<128xi32, #tpu.memory_space<vmem>>) target_semaphore(%arg17 : memref<!tpu.dma_semaphore, #tpu.memory_space<semaphore_mem>>)
    }
    %dma_wait3A_101 = arith.constant 0 : i32
    %dma_wait3A_102 = tpu.memref_slice %arg3[%dma_wait3A_101] : memref<327680xi32, #tpu.memory_space<hbm>> -> memref<128xi32, #tpu.memory_space<hbm>>
    %dma_wait3A_103 = tpu.memref_slice %arg3[%dma_wait3A_101] : memref<327680xi32, #tpu.memory_space<hbm>> -> memref<128xi32, #tpu.memory_space<hbm>>
    tpu.wait_dma2 semaphore(%arg15 : memref<!tpu.dma_semaphore, #tpu.memory_space<semaphore_mem>>) src(%dma_wait3A_103 : memref<128xi32, #tpu.memory_space<hbm>>) dst(%arg8 : memref<128xi32, #tpu.memory_space<vmem>>)
    %dma_wait3A_104 = arith.constant 0 : i32
    %dma_wait3A_105 = tpu.memref_slice %arg4[%dma_wait3A_104] : memref<327680xi32, #tpu.memory_space<hbm>> -> memref<128xi32, #tpu.memory_space<hbm>>
    %dma_wait3A_106 = tpu.memref_slice %arg4[%dma_wait3A_104] : memref<327680xi32, #tpu.memory_space<hbm>> -> memref<128xi32, #tpu.memory_space<hbm>>
    tpu.wait_dma2 semaphore(%arg17 : memref<!tpu.dma_semaphore, #tpu.memory_space<semaphore_mem>>) src(%dma_wait3A_106 : memref<128xi32, #tpu.memory_space<hbm>>) dst(%arg10 : memref<128xi32, #tpu.memory_space<vmem>>)
    %sub3A_107 = arith.constant 1 : i32
    %sub3A_108 = arith.subi %select_n3A, %sub3A_107 : i32
    %dma_start3A_109 = arith.constant 0 : i32
    %dma_start3A_110 = arith.constant 0 : i32
    %dma_start3A_111 = tpu.memref_slice %arg2[%dma_start3A_109, %dma_start3A_110] : memref<10000x128xf32, #tpu.memory_space<hbm>> -> memref<10000x128xf32, #tpu.memory_space<hbm>>
    tpu.enqueue_indirect_dma source(%dma_start3A_111 : memref<10000x128xf32, #tpu.memory_space<hbm>>) target(%arg12 : memref<128x128xf32, #tpu.memory_space<vmem>>) offsets(%arg8 : memref<128xi32, #tpu.memory_space<vmem>>) semaphore(%arg19 : memref<!tpu.dma_semaphore, #tpu.memory_space<semaphore_mem>>)
    %dma_wait3A_112 = arith.constant 0 : i32
    %dma_wait3A_113 = arith.constant 0 : i32
    %dma_wait3A_114 = tpu.memref_slice %arg2[%dma_wait3A_112, %dma_wait3A_113] : memref<10000x128xf32, #tpu.memory_space<hbm>> -> memref<10000x128xf32, #tpu.memory_space<hbm>>
    tpu.wait_indirect_dma semaphore(%arg18 : memref<!tpu.dma_semaphore, #tpu.memory_space<semaphore_mem>>) src(%dma_wait3A_114 : memref<10000x128xf32, #tpu.memory_space<hbm>>) dst(%arg11 : memref<128x128xf32, #tpu.memory_space<vmem>>)
    "tpu.region"() ({
      %run_scoped3A = tpu.sem_alloc : memref<!tpu.dma_semaphore, #tpu.memory_space<semaphore_mem>>
      %dma_start3A_128 = arith.constant 0 : i32
      %dma_start3A_129 = arith.constant 0 : i32
      %dma_start3A_130 = tpu.memref_slice %arg13[%dma_start3A_128, %dma_start3A_129] : memref<10240x128xf32, #tpu.memory_space<vmem_shared>> -> memref<10240x128xf32, #tpu.memory_space<vmem_shared>>
      tpu.enqueue_indirect_dma source(%arg11 : memref<128x128xf32, #tpu.memory_space<vmem>>) target(%dma_start3A_130 : memref<10240x128xf32, #tpu.memory_space<vmem_shared>>) offsets(%arg9 : memref<128xi32, #tpu.memory_space<vmem>>) semaphore(%run_scoped3A : memref<!tpu.dma_semaphore, #tpu.memory_space<semaphore_mem>>) {add = true}
      %dma_wait3A_131 = arith.constant 0 : i32
      %dma_wait3A_132 = arith.constant 0 : i32
      %dma_wait3A_133 = tpu.memref_slice %arg13[%dma_wait3A_131, %dma_wait3A_132] : memref<10240x128xf32, #tpu.memory_space<vmem_shared>> -> memref<10240x128xf32, #tpu.memory_space<vmem_shared>>
      tpu.wait_indirect_dma semaphore(%run_scoped3A : memref<!tpu.dma_semaphore, #tpu.memory_space<semaphore_mem>>) src(%arg11 : memref<128x128xf32, #tpu.memory_space<vmem>>) dst(%dma_wait3A_133 : memref<10240x128xf32, #tpu.memory_space<vmem_shared>>)
      tpu.yield
    }) : () -> ()
    %dma_wait3A_115 = arith.constant 0 : i32
    %dma_wait3A_116 = arith.constant 0 : i32
    %dma_wait3A_117 = tpu.memref_slice %arg2[%dma_wait3A_115, %dma_wait3A_116] : memref<10000x128xf32, #tpu.memory_space<hbm>> -> memref<10000x128xf32, #tpu.memory_space<hbm>>
    tpu.wait_indirect_dma semaphore(%arg19 : memref<!tpu.dma_semaphore, #tpu.memory_space<semaphore_mem>>) src(%dma_wait3A_117 : memref<10000x128xf32, #tpu.memory_space<hbm>>) dst(%arg12 : memref<128x128xf32, #tpu.memory_space<vmem>>)
    "tpu.region"() ({
      %run_scoped3A = tpu.sem_alloc : memref<!tpu.dma_semaphore, #tpu.memory_space<semaphore_mem>>
      %dma_start3A_128 = arith.constant 0 : i32
      %dma_start3A_129 = arith.constant 0 : i32
      %dma_start3A_130 = tpu.memref_slice %arg13[%dma_start3A_128, %dma_start3A_129] : memref<10240x128xf32, #tpu.memory_space<vmem_shared>> -> memref<10240x128xf32, #tpu.memory_space<vmem_shared>>
      tpu.enqueue_indirect_dma source(%arg12 : memref<128x128xf32, #tpu.memory_space<vmem>>) target(%dma_start3A_130 : memref<10240x128xf32, #tpu.memory_space<vmem_shared>>) offsets(%arg10 : memref<128xi32, #tpu.memory_space<vmem>>) semaphore(%run_scoped3A : memref<!tpu.dma_semaphore, #tpu.memory_space<semaphore_mem>>) {add = true}
      %dma_wait3A_131 = arith.constant 0 : i32
      %dma_wait3A_132 = arith.constant 0 : i32
      %dma_wait3A_133 = tpu.memref_slice %arg13[%dma_wait3A_131, %dma_wait3A_132] : memref<10240x128xf32, #tpu.memory_space<vmem_shared>> -> memref<10240x128xf32, #tpu.memory_space<vmem_shared>>
      tpu.wait_indirect_dma semaphore(%run_scoped3A : memref<!tpu.dma_semaphore, #tpu.memory_space<semaphore_mem>>) src(%arg12 : memref<128x128xf32, #tpu.memory_space<vmem>>) dst(%dma_wait3A_133 : memref<10240x128xf32, #tpu.memory_space<vmem_shared>>)
      tpu.yield
    }) : () -> ()
    %barrier3A_118 = arith.constant 0 : index
    tpu.barrier barrier_id(%barrier3A_118)
    %eq3A_119 = arith.constant 0 : i32
    %eq3A_120 = arith.cmpi eq, %arg0, %eq3A_119 : i32
    %convert_element_type3A_121 = arith.extui %eq3A_120 : i1 to i32
    %cond3A = arith.constant 0 : i32
    %cond3A_122 = arith.cmpi ne, %convert_element_type3A_121, %cond3A : i32
    scf.if %cond3A_122 {
      %mul3A_128 = arith.constant 640 : i32
      %mul3A_129 = arith.muli %arg1, %mul3A_128 : i32
      %add3A_130 = arith.constant 0 : i32
      %add3A_131 = arith.addi %mul3A_129, %add3A_130 : i32
      %mul3A_132 = arith.constant 640 : i32
      %mul3A_133 = arith.muli %arg1, %mul3A_132 : i32
      %add3A_134 = arith.constant 0 : i32
      %add3A_135 = arith.addi %mul3A_133, %add3A_134 : i32
      %dma_start3A_136 = arith.constant 0 : i32
      %dma_start3A_137 = tpu.memref_slice %arg5[%add3A_135, %dma_start3A_136] : memref<10240x128xf32, #tpu.memory_space<hbm>> -> memref<160x128xf32, #tpu.memory_space<hbm>>
      %dma_start3A_138 = arith.constant 0 : i32
      %dma_start3A_139 = tpu.memref_slice %arg13[%add3A_131, %dma_start3A_138] : memref<10240x128xf32, #tpu.memory_space<vmem_shared>> -> memref<160x128xf32, #tpu.memory_space<vmem_shared>>
      tpu.enqueue_dma source(%dma_start3A_139 : memref<160x128xf32, #tpu.memory_space<vmem_shared>>) target(%dma_start3A_137 : memref<160x128xf32, #tpu.memory_space<hbm>>) target_semaphore(%arg14 : memref<!tpu.dma_semaphore, #tpu.memory_space<semaphore_mem>>)
      %mul3A_140 = arith.constant 640 : i32
      %mul3A_141 = arith.muli %arg1, %mul3A_140 : i32
      %add3A_142 = arith.constant 160 : i32
      %add3A_143 = arith.addi %mul3A_141, %add3A_142 : i32
      %mul3A_144 = arith.constant 640 : i32
      %mul3A_145 = arith.muli %arg1, %mul3A_144 : i32
      %add3A_146 = arith.constant 160 : i32
      %add3A_147 = arith.addi %mul3A_145, %add3A_146 : i32
      %dma_start3A_148 = arith.constant 0 : i32
      %dma_start3A_149 = tpu.memref_slice %arg5[%add3A_147, %dma_start3A_148] : memref<10240x128xf32, #tpu.memory_space<hbm>> -> memref<160x128xf32, #tpu.memory_space<hbm>>
      %dma_start3A_150 = arith.constant 0 : i32
      %dma_start3A_151 = tpu.memref_slice %arg13[%add3A_143, %dma_start3A_150] : memref<10240x128xf32, #tpu.memory_space<vmem_shared>> -> memref<160x128xf32, #tpu.memory_space<vmem_shared>>
      tpu.enqueue_dma source(%dma_start3A_151 : memref<160x128xf32, #tpu.memory_space<vmem_shared>>) target(%dma_start3A_149 : memref<160x128xf32, #tpu.memory_space<hbm>>) target_semaphore(%arg15 : memref<!tpu.dma_semaphore, #tpu.memory_space<semaphore_mem>>)
      %mul3A_152 = arith.constant 640 : i32
      %mul3A_153 = arith.muli %arg1, %mul3A_152 : i32
      %add3A_154 = arith.constant 320 : i32
      %add3A_155 = arith.addi %mul3A_153, %add3A_154 : i32
      %mul3A_156 = arith.constant 640 : i32
      %mul3A_157 = arith.muli %arg1, %mul3A_156 : i32
      %add3A_158 = arith.constant 320 : i32
      %add3A_159 = arith.addi %mul3A_157, %add3A_158 : i32
      %dma_start3A_160 = arith.constant 0 : i32
      %dma_start3A_161 = tpu.memref_slice %arg5[%add3A_159, %dma_start3A_160] : memref<10240x128xf32, #tpu.memory_space<hbm>> -> memref<160x128xf32, #tpu.memory_space<hbm>>
      %dma_start3A_162 = arith.constant 0 : i32
      %dma_start3A_163 = tpu.memref_slice %arg13[%add3A_155, %dma_start3A_162] : memref<10240x128xf32, #tpu.memory_space<vmem_shared>> -> memref<160x128xf32, #tpu.memory_space<vmem_shared>>
      tpu.enqueue_dma source(%dma_start3A_163 : memref<160x128xf32, #tpu.memory_space<vmem_shared>>) target(%dma_start3A_161 : memref<160x128xf32, #tpu.memory_space<hbm>>) target_semaphore(%arg16 : memref<!tpu.dma_semaphore, #tpu.memory_space<semaphore_mem>>)
      %mul3A_164 = arith.constant 640 : i32
      %mul3A_165 = arith.muli %arg1, %mul3A_164 : i32
      %add3A_166 = arith.constant 480 : i32
      %add3A_167 = arith.addi %mul3A_165, %add3A_166 : i32
      %mul3A_168 = arith.constant 640 : i32
      %mul3A_169 = arith.muli %arg1, %mul3A_168 : i32
      %add3A_170 = arith.constant 480 : i32
      %add3A_171 = arith.addi %mul3A_169, %add3A_170 : i32
      %dma_start3A_172 = arith.constant 0 : i32
      %dma_start3A_173 = tpu.memref_slice %arg5[%add3A_171, %dma_start3A_172] : memref<10240x128xf32, #tpu.memory_space<hbm>> -> memref<160x128xf32, #tpu.memory_space<hbm>>
      %dma_start3A_174 = arith.constant 0 : i32
      %dma_start3A_175 = tpu.memref_slice %arg13[%add3A_167, %dma_start3A_174] : memref<10240x128xf32, #tpu.memory_space<vmem_shared>> -> memref<160x128xf32, #tpu.memory_space<vmem_shared>>
      tpu.enqueue_dma source(%dma_start3A_175 : memref<160x128xf32, #tpu.memory_space<vmem_shared>>) target(%dma_start3A_173 : memref<160x128xf32, #tpu.memory_space<hbm>>) target_semaphore(%arg17 : memref<!tpu.dma_semaphore, #tpu.memory_space<semaphore_mem>>)
      %mul3A_176 = arith.constant 640 : i32
      %mul3A_177 = arith.muli %arg1, %mul3A_176 : i32
      %add3A_178 = arith.constant 0 : i32
      %add3A_179 = arith.addi %mul3A_177, %add3A_178 : i32
      %mul3A_180 = arith.constant 640 : i32
      %mul3A_181 = arith.muli %arg1, %mul3A_180 : i32
      %add3A_182 = arith.constant 0 : i32
      %add3A_183 = arith.addi %mul3A_181, %add3A_182 : i32
      %dma_wait3A_184 = arith.constant 0 : i32
      %dma_wait3A_185 = tpu.memref_slice %arg5[%add3A_183, %dma_wait3A_184] : memref<10240x128xf32, #tpu.memory_space<hbm>> -> memref<160x128xf32, #tpu.memory_space<hbm>>
      %dma_wait3A_186 = arith.constant 0 : i32
      %dma_wait3A_187 = tpu.memref_slice %arg13[%add3A_179, %dma_wait3A_186] : memref<10240x128xf32, #tpu.memory_space<vmem_shared>> -> memref<160x128xf32, #tpu.memory_space<vmem_shared>>
      tpu.wait_dma2 semaphore(%arg14 : memref<!tpu.dma_semaphore, #tpu.memory_space<semaphore_mem>>) src(%dma_wait3A_187 : memref<160x128xf32, #tpu.memory_space<vmem_shared>>) dst(%dma_wait3A_185 : memref<160x128xf32, #tpu.memory_space<hbm>>)
      %mul3A_188 = arith.constant 640 : i32
      %mul3A_189 = arith.muli %arg1, %mul3A_188 : i32
      %add3A_190 = arith.constant 160 : i32
      %add3A_191 = arith.addi %mul3A_189, %add3A_190 : i32
      %mul3A_192 = arith.constant 640 : i32
      %mul3A_193 = arith.muli %arg1, %mul3A_192 : i32
      %add3A_194 = arith.constant 160 : i32
      %add3A_195 = arith.addi %mul3A_193, %add3A_194 : i32
      %dma_wait3A_196 = arith.constant 0 : i32
      %dma_wait3A_197 = tpu.memref_slice %arg5[%add3A_195, %dma_wait3A_196] : memref<10240x128xf32, #tpu.memory_space<hbm>> -> memref<160x128xf32, #tpu.memory_space<hbm>>
      %dma_wait3A_198 = arith.constant 0 : i32
      %dma_wait3A_199 = tpu.memref_slice %arg13[%add3A_191, %dma_wait3A_198] : memref<10240x128xf32, #tpu.memory_space<vmem_shared>> -> memref<160x128xf32, #tpu.memory_space<vmem_shared>>
      tpu.wait_dma2 semaphore(%arg15 : memref<!tpu.dma_semaphore, #tpu.memory_space<semaphore_mem>>) src(%dma_wait3A_199 : memref<160x128xf32, #tpu.memory_space<vmem_shared>>) dst(%dma_wait3A_197 : memref<160x128xf32, #tpu.memory_space<hbm>>)
      %mul3A_200 = arith.constant 640 : i32
      %mul3A_201 = arith.muli %arg1, %mul3A_200 : i32
      %add3A_202 = arith.constant 320 : i32
      %add3A_203 = arith.addi %mul3A_201, %add3A_202 : i32
      %mul3A_204 = arith.constant 640 : i32
      %mul3A_205 = arith.muli %arg1, %mul3A_204 : i32
      %add3A_206 = arith.constant 320 : i32
      %add3A_207 = arith.addi %mul3A_205, %add3A_206 : i32
      %dma_wait3A_208 = arith.constant 0 : i32
      %dma_wait3A_209 = tpu.memref_slice %arg5[%add3A_207, %dma_wait3A_208] : memref<10240x128xf32, #tpu.memory_space<hbm>> -> memref<160x128xf32, #tpu.memory_space<hbm>>
      %dma_wait3A_210 = arith.constant 0 : i32
      %dma_wait3A_211 = tpu.memref_slice %arg13[%add3A_203, %dma_wait3A_210] : memref<10240x128xf32, #tpu.memory_space<vmem_shared>> -> memref<160x128xf32, #tpu.memory_space<vmem_shared>>
      tpu.wait_dma2 semaphore(%arg16 : memref<!tpu.dma_semaphore, #tpu.memory_space<semaphore_mem>>) src(%dma_wait3A_211 : memref<160x128xf32, #tpu.memory_space<vmem_shared>>) dst(%dma_wait3A_209 : memref<160x128xf32, #tpu.memory_space<hbm>>)
      %mul3A_212 = arith.constant 640 : i32
      %mul3A_213 = arith.muli %arg1, %mul3A_212 : i32
      %add3A_214 = arith.constant 480 : i32
      %add3A_215 = arith.addi %mul3A_213, %add3A_214 : i32
      %mul3A_216 = arith.constant 640 : i32
      %mul3A_217 = arith.muli %arg1, %mul3A_216 : i32
      %add3A_218 = arith.constant 480 : i32
      %add3A_219 = arith.addi %mul3A_217, %add3A_218 : i32
      %dma_wait3A_220 = arith.constant 0 : i32
      %dma_wait3A_221 = tpu.memref_slice %arg5[%add3A_219, %dma_wait3A_220] : memref<10240x128xf32, #tpu.memory_space<hbm>> -> memref<160x128xf32, #tpu.memory_space<hbm>>
      %dma_wait3A_222 = arith.constant 0 : i32
      %dma_wait3A_223 = tpu.memref_slice %arg13[%add3A_215, %dma_wait3A_222] : memref<10240x128xf32, #tpu.memory_space<vmem_shared>> -> memref<160x128xf32, #tpu.memory_space<vmem_shared>>
      tpu.wait_dma2 semaphore(%arg17 : memref<!tpu.dma_semaphore, #tpu.memory_space<semaphore_mem>>) src(%dma_wait3A_223 : memref<160x128xf32, #tpu.memory_space<vmem_shared>>) dst(%dma_wait3A_221 : memref<160x128xf32, #tpu.memory_space<hbm>>)
    } else {
    }
    %eq3A_123 = arith.constant 1 : i32
    %eq3A_124 = arith.cmpi eq, %arg0, %eq3A_123 : i32
    %convert_element_type3A_125 = arith.extui %eq3A_124 : i1 to i32
    %cond3A_126 = arith.constant 0 : i32
    %cond3A_127 = arith.cmpi ne, %convert_element_type3A_125, %cond3A_126 : i32
    scf.if %cond3A_127 {
      %mul3A_128 = arith.constant 640 : i32
      %mul3A_129 = arith.muli %arg1, %mul3A_128 : i32
      %add3A_130 = arith.constant 0 : i32
      %add3A_131 = arith.addi %mul3A_129, %add3A_130 : i32
      %mul3A_132 = arith.constant 640 : i32
      %mul3A_133 = arith.muli %arg1, %mul3A_132 : i32
      %add3A_134 = arith.constant 0 : i32
      %add3A_135 = arith.addi %mul3A_133, %add3A_134 : i32
      %dma_start3A_136 = arith.constant 0 : i32
      %dma_start3A_137 = tpu.memref_slice %arg6[%add3A_135, %dma_start3A_136] : memref<10240x128xf32, #tpu.memory_space<hbm>> -> memref<160x128xf32, #tpu.memory_space<hbm>>
      %dma_start3A_138 = arith.constant 0 : i32
      %dma_start3A_139 = tpu.memref_slice %arg13[%add3A_131, %dma_start3A_138] : memref<10240x128xf32, #tpu.memory_space<vmem_shared>> -> memref<160x128xf32, #tpu.memory_space<vmem_shared>>
      tpu.enqueue_dma source(%dma_start3A_139 : memref<160x128xf32, #tpu.memory_space<vmem_shared>>) target(%dma_start3A_137 : memref<160x128xf32, #tpu.memory_space<hbm>>) target_semaphore(%arg14 : memref<!tpu.dma_semaphore, #tpu.memory_space<semaphore_mem>>)
      %mul3A_140 = arith.constant 640 : i32
      %mul3A_141 = arith.muli %arg1, %mul3A_140 : i32
      %add3A_142 = arith.constant 160 : i32
      %add3A_143 = arith.addi %mul3A_141, %add3A_142 : i32
      %mul3A_144 = arith.constant 640 : i32
      %mul3A_145 = arith.muli %arg1, %mul3A_144 : i32
      %add3A_146 = arith.constant 160 : i32
      %add3A_147 = arith.addi %mul3A_145, %add3A_146 : i32
      %dma_start3A_148 = arith.constant 0 : i32
      %dma_start3A_149 = tpu.memref_slice %arg6[%add3A_147, %dma_start3A_148] : memref<10240x128xf32, #tpu.memory_space<hbm>> -> memref<160x128xf32, #tpu.memory_space<hbm>>
      %dma_start3A_150 = arith.constant 0 : i32
      %dma_start3A_151 = tpu.memref_slice %arg13[%add3A_143, %dma_start3A_150] : memref<10240x128xf32, #tpu.memory_space<vmem_shared>> -> memref<160x128xf32, #tpu.memory_space<vmem_shared>>
      tpu.enqueue_dma source(%dma_start3A_151 : memref<160x128xf32, #tpu.memory_space<vmem_shared>>) target(%dma_start3A_149 : memref<160x128xf32, #tpu.memory_space<hbm>>) target_semaphore(%arg15 : memref<!tpu.dma_semaphore, #tpu.memory_space<semaphore_mem>>)
      %mul3A_152 = arith.constant 640 : i32
      %mul3A_153 = arith.muli %arg1, %mul3A_152 : i32
      %add3A_154 = arith.constant 320 : i32
      %add3A_155 = arith.addi %mul3A_153, %add3A_154 : i32
      %mul3A_156 = arith.constant 640 : i32
      %mul3A_157 = arith.muli %arg1, %mul3A_156 : i32
      %add3A_158 = arith.constant 320 : i32
      %add3A_159 = arith.addi %mul3A_157, %add3A_158 : i32
      %dma_start3A_160 = arith.constant 0 : i32
      %dma_start3A_161 = tpu.memref_slice %arg6[%add3A_159, %dma_start3A_160] : memref<10240x128xf32, #tpu.memory_space<hbm>> -> memref<160x128xf32, #tpu.memory_space<hbm>>
      %dma_start3A_162 = arith.constant 0 : i32
      %dma_start3A_163 = tpu.memref_slice %arg13[%add3A_155, %dma_start3A_162] : memref<10240x128xf32, #tpu.memory_space<vmem_shared>> -> memref<160x128xf32, #tpu.memory_space<vmem_shared>>
      tpu.enqueue_dma source(%dma_start3A_163 : memref<160x128xf32, #tpu.memory_space<vmem_shared>>) target(%dma_start3A_161 : memref<160x128xf32, #tpu.memory_space<hbm>>) target_semaphore(%arg16 : memref<!tpu.dma_semaphore, #tpu.memory_space<semaphore_mem>>)
      %mul3A_164 = arith.constant 640 : i32
      %mul3A_165 = arith.muli %arg1, %mul3A_164 : i32
      %add3A_166 = arith.constant 480 : i32
      %add3A_167 = arith.addi %mul3A_165, %add3A_166 : i32
      %mul3A_168 = arith.constant 640 : i32
      %mul3A_169 = arith.muli %arg1, %mul3A_168 : i32
      %add3A_170 = arith.constant 480 : i32
      %add3A_171 = arith.addi %mul3A_169, %add3A_170 : i32
      %dma_start3A_172 = arith.constant 0 : i32
      %dma_start3A_173 = tpu.memref_slice %arg6[%add3A_171, %dma_start3A_172] : memref<10240x128xf32, #tpu.memory_space<hbm>> -> memref<160x128xf32, #tpu.memory_space<hbm>>
      %dma_start3A_174 = arith.constant 0 : i32
      %dma_start3A_175 = tpu.memref_slice %arg13[%add3A_167, %dma_start3A_174] : memref<10240x128xf32, #tpu.memory_space<vmem_shared>> -> memref<160x128xf32, #tpu.memory_space<vmem_shared>>
      tpu.enqueue_dma source(%dma_start3A_175 : memref<160x128xf32, #tpu.memory_space<vmem_shared>>) target(%dma_start3A_173 : memref<160x128xf32, #tpu.memory_space<hbm>>) target_semaphore(%arg17 : memref<!tpu.dma_semaphore, #tpu.memory_space<semaphore_mem>>)
      %mul3A_176 = arith.constant 640 : i32
      %mul3A_177 = arith.muli %arg1, %mul3A_176 : i32
      %add3A_178 = arith.constant 0 : i32
      %add3A_179 = arith.addi %mul3A_177, %add3A_178 : i32
      %mul3A_180 = arith.constant 640 : i32
      %mul3A_181 = arith.muli %arg1, %mul3A_180 : i32
      %add3A_182 = arith.constant 0 : i32
      %add3A_183 = arith.addi %mul3A_181, %add3A_182 : i32
      %dma_wait3A_184 = arith.constant 0 : i32
      %dma_wait3A_185 = tpu.memref_slice %arg6[%add3A_183, %dma_wait3A_184] : memref<10240x128xf32, #tpu.memory_space<hbm>> -> memref<160x128xf32, #tpu.memory_space<hbm>>
      %dma_wait3A_186 = arith.constant 0 : i32
      %dma_wait3A_187 = tpu.memref_slice %arg13[%add3A_179, %dma_wait3A_186] : memref<10240x128xf32, #tpu.memory_space<vmem_shared>> -> memref<160x128xf32, #tpu.memory_space<vmem_shared>>
      tpu.wait_dma2 semaphore(%arg14 : memref<!tpu.dma_semaphore, #tpu.memory_space<semaphore_mem>>) src(%dma_wait3A_187 : memref<160x128xf32, #tpu.memory_space<vmem_shared>>) dst(%dma_wait3A_185 : memref<160x128xf32, #tpu.memory_space<hbm>>)
      %mul3A_188 = arith.constant 640 : i32
      %mul3A_189 = arith.muli %arg1, %mul3A_188 : i32
      %add3A_190 = arith.constant 160 : i32
      %add3A_191 = arith.addi %mul3A_189, %add3A_190 : i32
      %mul3A_192 = arith.constant 640 : i32
      %mul3A_193 = arith.muli %arg1, %mul3A_192 : i32
      %add3A_194 = arith.constant 160 : i32
      %add3A_195 = arith.addi %mul3A_193, %add3A_194 : i32
      %dma_wait3A_196 = arith.constant 0 : i32
      %dma_wait3A_197 = tpu.memref_slice %arg6[%add3A_195, %dma_wait3A_196] : memref<10240x128xf32, #tpu.memory_space<hbm>> -> memref<160x128xf32, #tpu.memory_space<hbm>>
      %dma_wait3A_198 = arith.constant 0 : i32
      %dma_wait3A_199 = tpu.memref_slice %arg13[%add3A_191, %dma_wait3A_198] : memref<10240x128xf32, #tpu.memory_space<vmem_shared>> -> memref<160x128xf32, #tpu.memory_space<vmem_shared>>
      tpu.wait_dma2 semaphore(%arg15 : memref<!tpu.dma_semaphore, #tpu.memory_space<semaphore_mem>>) src(%dma_wait3A_199 : memref<160x128xf32, #tpu.memory_space<vmem_shared>>) dst(%dma_wait3A_197 : memref<160x128xf32, #tpu.memory_space<hbm>>)
      %mul3A_200 = arith.constant 640 : i32
      %mul3A_201 = arith.muli %arg1, %mul3A_200 : i32
      %add3A_202 = arith.constant 320 : i32
      %add3A_203 = arith.addi %mul3A_201, %add3A_202 : i32
      %mul3A_204 = arith.constant 640 : i32
      %mul3A_205 = arith.muli %arg1, %mul3A_204 : i32
      %add3A_206 = arith.constant 320 : i32
      %add3A_207 = arith.addi %mul3A_205, %add3A_206 : i32
      %dma_wait3A_208 = arith.constant 0 : i32
      %dma_wait3A_209 = tpu.memref_slice %arg6[%add3A_207, %dma_wait3A_208] : memref<10240x128xf32, #tpu.memory_space<hbm>> -> memref<160x128xf32, #tpu.memory_space<hbm>>
      %dma_wait3A_210 = arith.constant 0 : i32
      %dma_wait3A_211 = tpu.memref_slice %arg13[%add3A_203, %dma_wait3A_210] : memref<10240x128xf32, #tpu.memory_space<vmem_shared>> -> memref<160x128xf32, #tpu.memory_space<vmem_shared>>
      tpu.wait_dma2 semaphore(%arg16 : memref<!tpu.dma_semaphore, #tpu.memory_space<semaphore_mem>>) src(%dma_wait3A_211 : memref<160x128xf32, #tpu.memory_space<vmem_shared>>) dst(%dma_wait3A_209 : memref<160x128xf32, #tpu.memory_space<hbm>>)
      %mul3A_212 = arith.constant 640 : i32
      %mul3A_213 = arith.muli %arg1, %mul3A_212 : i32
      %add3A_214 = arith.constant 480 : i32
      %add3A_215 = arith.addi %mul3A_213, %add3A_214 : i32
      %mul3A_216 = arith.constant 640 : i32
      %mul3A_217 = arith.muli %arg1, %mul3A_216 : i32
      %add3A_218 = arith.constant 480 : i32
      %add3A_219 = arith.addi %mul3A_217, %add3A_218 : i32
      %dma_wait3A_220 = arith.constant 0 : i32
      %dma_wait3A_221 = tpu.memref_slice %arg6[%add3A_219, %dma_wait3A_220] : memref<10240x128xf32, #tpu.memory_space<hbm>> -> memref<160x128xf32, #tpu.memory_space<hbm>>
      %dma_wait3A_222 = arith.constant 0 : i32
      %dma_wait3A_223 = tpu.memref_slice %arg13[%add3A_215, %dma_wait3A_222] : memref<10240x128xf32, #tpu.memory_space<vmem_shared>> -> memref<160x128xf32, #tpu.memory_space<vmem_shared>>
      tpu.wait_dma2 semaphore(%arg17 : memref<!tpu.dma_semaphore, #tpu.memory_space<semaphore_mem>>) src(%dma_wait3A_223 : memref<160x128xf32, #tpu.memory_space<vmem_shared>>) dst(%dma_wait3A_221 : memref<160x128xf32, #tpu.memory_space<hbm>>)
    } else {
    }
    return
  }
}

module attributes {stable_mosaic.version = 14 : i64} {
  func.func @_conv_body(%arg0: i32, %arg1: memref<1000x128xf32, #tpu.memory_space<vmem>>, %arg2: memref<1000x128xf32, #tpu.memory_space<vmem>>, %arg3: memref<1000x128xf32, #tpu.memory_space<vmem>>, %arg4: memref<128x128xf32, #tpu.memory_space<vmem>>, %arg5: memref<128x128xf32, #tpu.memory_space<vmem>>, %arg6: memref<1x128xf32, #tpu.memory_space<vmem>>, %arg7: memref<1000x128xf32, #tpu.memory_space<vmem>>) attributes {dimension_semantics = [#tpu.dimension_semantics<arbitrary>], iteration_bounds = array<i64: 10>, scalar_prefetch = 0 : i64, scratch_operands = 0 : i64, tpu.core_type = #tpu.core_type<tc>, window_params = [{transform_indices = @transform_0, window_bounds = array<i64: 1000, 128>}, {transform_indices = @transform_1, window_bounds = array<i64: 1000, 128>}, {transform_indices = @transform_2, window_bounds = array<i64: 1000, 128>}, {pipeline_mode = #tpu.pipeline_mode<synchronous>, transform_indices = @transform_3, window_bounds = array<i64: 128, 128>}, {pipeline_mode = #tpu.pipeline_mode<synchronous>, transform_indices = @transform_4, window_bounds = array<i64: 128, 128>}, {pipeline_mode = #tpu.pipeline_mode<synchronous>, transform_indices = @transform_5, window_bounds = array<i64: 1, 128>}, {transform_indices = @transform_6, window_bounds = array<i64: 1000, 128>}]} {
    %get3A = arith.constant 0 : index
    %get3A_0 = arith.constant 0 : index
    %get3A_1 = vector.load %arg1[%get3A, %get3A_0] : memref<1000x128xf32, #tpu.memory_space<vmem>>, vector<1000x128xf32>
    %get3A_2 = arith.constant 0 : index
    %get3A_3 = arith.constant 0 : index
    %get3A_4 = vector.load %arg2[%get3A_2, %get3A_3] : memref<1000x128xf32, #tpu.memory_space<vmem>>, vector<1000x128xf32>
    %add3A = arith.addf %get3A_1, %get3A_4 : vector<1000x128xf32>
    %get3A_5 = arith.constant 0 : index
    %get3A_6 = arith.constant 0 : index
    %get3A_7 = vector.load %arg4[%get3A_5, %get3A_6] : memref<128x128xf32, #tpu.memory_space<vmem>>, vector<128x128xf32>
    %dot_general3A = arith.constant dense<0.000000e+00> : vector<1000x128xf32>
    %dot_general3A_8 = tpu.matmul %add3A, %get3A_7, %dot_general3A {dimension_numbers = #tpu.dot_dimension_numbers<[1], [0], [0], [1], [0, 0, 1, 1], [], []>, precision = #tpu.contract_precision<fp32>, transpose_lhs_hint = false} : vector<1000x128xf32>, vector<128x128xf32>, vector<1000x128xf32> -> vector<1000x128xf32>
    %get3A_9 = arith.constant 0 : index
    %get3A_10 = arith.constant 0 : index
    %get3A_11 = vector.load %arg6[%get3A_9, %get3A_10] : memref<1x128xf32, #tpu.memory_space<vmem>>, vector<1x128xf32>
    %add3A_12 = vector.broadcast %get3A_11 : vector<1x128xf32> to vector<1000x128xf32>
    %add3A_13 = arith.addf %dot_general3A_8, %add3A_12 : vector<1000x128xf32>
    %get3A_14 = arith.constant 0 : index
    %get3A_15 = arith.constant 0 : index
    %get3A_16 = vector.load %arg3[%get3A_14, %get3A_15] : memref<1000x128xf32, #tpu.memory_space<vmem>>, vector<1000x128xf32>
    %get3A_17 = arith.constant 0 : index
    %get3A_18 = arith.constant 0 : index
    %get3A_19 = vector.load %arg5[%get3A_17, %get3A_18] : memref<128x128xf32, #tpu.memory_space<vmem>>, vector<128x128xf32>
    %dot_general3A_20 = arith.constant dense<0.000000e+00> : vector<1000x128xf32>
    %dot_general3A_21 = tpu.matmul %get3A_16, %get3A_19, %dot_general3A_20 {dimension_numbers = #tpu.dot_dimension_numbers<[1], [0], [0], [1], [0, 0, 1, 1], [], []>, precision = #tpu.contract_precision<fp32>, transpose_lhs_hint = false} : vector<1000x128xf32>, vector<128x128xf32>, vector<1000x128xf32> -> vector<1000x128xf32>
    %add3A_22 = arith.addf %add3A_13, %dot_general3A_21 : vector<1000x128xf32>
    %max3A = arith.constant 0.000000e+00 : f32
    %max3A_23 = vector.broadcast %max3A : f32 to vector<1000x128xf32>
    %max3A_24 = arith.maximumf %add3A_22, %max3A_23 : vector<1000x128xf32>
    %swap3A = arith.constant 0 : index
    %swap3A_25 = arith.constant 0 : index
    %swap3A_26 = vector.load %arg7[%swap3A, %swap3A_25] : memref<1000x128xf32, #tpu.memory_space<vmem>>, vector<1000x128xf32>
    tpu.vector_store %arg7[%swap3A, %swap3A_25], %max3A_24 {strides = array<i32>} : memref<1000x128xf32, #tpu.memory_space<vmem>>, vector<1000x128xf32>,
    return
  }
  func.func @transform_0(%arg0: i32) -> (i32, i32) {
    %c0_i32 = arith.constant 0 : i32
    %c0_i32_0 = arith.constant 0 : i32
    return %arg0, %c0_i32 : i32, i32
  }
  func.func @transform_1(%arg0: i32) -> (i32, i32) {
    %c0_i32 = arith.constant 0 : i32
    %c0_i32_0 = arith.constant 0 : i32
    return %arg0, %c0_i32 : i32, i32
  }
  func.func @transform_2(%arg0: i32) -> (i32, i32) {
    %c0_i32 = arith.constant 0 : i32
    %c0_i32_0 = arith.constant 0 : i32
    return %arg0, %c0_i32 : i32, i32
  }
  func.func @transform_3(%arg0: i32) -> (i32, i32) {
    %c0_i32 = arith.constant 0 : i32
    %c0_i32_0 = arith.constant 0 : i32
    %c0_i32_1 = arith.constant 0 : i32
    return %c0_i32, %c0_i32_0 : i32, i32
  }
  func.func @transform_4(%arg0: i32) -> (i32, i32) {
    %c0_i32 = arith.constant 0 : i32
    %c0_i32_0 = arith.constant 0 : i32
    %c0_i32_1 = arith.constant 0 : i32
    return %c0_i32, %c0_i32_0 : i32, i32
  }
  func.func @transform_5(%arg0: i32) -> (i32, i32) {
    %c0_i32 = arith.constant 0 : i32
    %c0_i32_0 = arith.constant 0 : i32
    %c0_i32_1 = arith.constant 0 : i32
    return %c0_i32, %c0_i32_0 : i32, i32
  }
  func.func @transform_6(%arg0: i32) -> (i32, i32) {
    %c0_i32 = arith.constant 0 : i32
    %c0_i32_0 = arith.constant 0 : i32
    return %arg0, %c0_i32 : i32, i32
  }
}

module attributes {stable_mosaic.version = 14 : i64} {
  func.func @_conv_body(%arg0: i32, %arg1: memref<1000x128xf32, #tpu.memory_space<vmem>>, %arg2: memref<1000x128xf32, #tpu.memory_space<vmem>>, %arg3: memref<1000x128xf32, #tpu.memory_space<vmem>>, %arg4: memref<128x128xf32, #tpu.memory_space<vmem>>, %arg5: memref<128x128xf32, #tpu.memory_space<vmem>>, %arg6: memref<1x128xf32, #tpu.memory_space<vmem>>, %arg7: memref<1000x128xf32, #tpu.memory_space<vmem>>) attributes {dimension_semantics = [#tpu.dimension_semantics<arbitrary>], iteration_bounds = array<i64: 10>, scalar_prefetch = 0 : i64, scratch_operands = 0 : i64, tpu.core_type = #tpu.core_type<tc>, window_params = [{transform_indices = @transform_0, window_bounds = array<i64: 1000, 128>}, {transform_indices = @transform_1, window_bounds = array<i64: 1000, 128>}, {transform_indices = @transform_2, window_bounds = array<i64: 1000, 128>}, {pipeline_mode = #tpu.pipeline_mode<synchronous>, transform_indices = @transform_3, window_bounds = array<i64: 128, 128>}, {pipeline_mode = #tpu.pipeline_mode<synchronous>, transform_indices = @transform_4, window_bounds = array<i64: 128, 128>}, {pipeline_mode = #tpu.pipeline_mode<synchronous>, transform_indices = @transform_5, window_bounds = array<i64: 1, 128>}, {transform_indices = @transform_6, window_bounds = array<i64: 1000, 128>}]} {
    %get3A = arith.constant 0 : index
    %get3A_0 = arith.constant 0 : index
    %get3A_1 = vector.load %arg1[%get3A, %get3A_0] : memref<1000x128xf32, #tpu.memory_space<vmem>>, vector<1000x128xf32>
    %get3A_2 = arith.constant 0 : index
    %get3A_3 = arith.constant 0 : index
    %get3A_4 = vector.load %arg2[%get3A_2, %get3A_3] : memref<1000x128xf32, #tpu.memory_space<vmem>>, vector<1000x128xf32>
    %add3A = arith.addf %get3A_1, %get3A_4 : vector<1000x128xf32>
    %get3A_5 = arith.constant 0 : index
    %get3A_6 = arith.constant 0 : index
    %get3A_7 = vector.load %arg4[%get3A_5, %get3A_6] : memref<128x128xf32, #tpu.memory_space<vmem>>, vector<128x128xf32>
    %dot_general3A = arith.constant dense<0.000000e+00> : vector<1000x128xf32>
    %dot_general3A_8 = tpu.matmul %add3A, %get3A_7, %dot_general3A {dimension_numbers = #tpu.dot_dimension_numbers<[1], [0], [0], [1], [0, 0, 1, 1], [], []>, precision = #tpu.contract_precision<fp32>, transpose_lhs_hint = false} : vector<1000x128xf32>, vector<128x128xf32>, vector<1000x128xf32> -> vector<1000x128xf32>
    %get3A_9 = arith.constant 0 : index
    %get3A_10 = arith.constant 0 : index
    %get3A_11 = vector.load %arg6[%get3A_9, %get3A_10] : memref<1x128xf32, #tpu.memory_space<vmem>>, vector<1x128xf32>
    %add3A_12 = vector.broadcast %get3A_11 : vector<1x128xf32> to vector<1000x128xf32>
    %add3A_13 = arith.addf %dot_general3A_8, %add3A_12 : vector<1000x128xf32>
    %get3A_14 = arith.constant 0 : index
    %get3A_15 = arith.constant 0 : index
    %get3A_16 = vector.load %arg3[%get3A_14, %get3A_15] : memref<1000x128xf32, #tpu.memory_space<vmem>>, vector<1000x128xf32>
    %get3A_17 = arith.constant 0 : index
    %get3A_18 = arith.constant 0 : index
    %get3A_19 = vector.load %arg5[%get3A_17, %get3A_18] : memref<128x128xf32, #tpu.memory_space<vmem>>, vector<128x128xf32>
    %dot_general3A_20 = arith.constant dense<0.000000e+00> : vector<1000x128xf32>
    %dot_general3A_21 = tpu.matmul %get3A_16, %get3A_19, %dot_general3A_20 {dimension_numbers = #tpu.dot_dimension_numbers<[1], [0], [0], [1], [0, 0, 1, 1], [], []>, precision = #tpu.contract_precision<fp32>, transpose_lhs_hint = false} : vector<1000x128xf32>, vector<128x128xf32>, vector<1000x128xf32> -> vector<1000x128xf32>
    %add3A_22 = arith.addf %add3A_13, %dot_general3A_21 : vector<1000x128xf32>
    %swap3A = arith.constant 0 : index
    %swap3A_23 = arith.constant 0 : index
    %swap3A_24 = vector.load %arg7[%swap3A, %swap3A_23] : memref<1000x128xf32, #tpu.memory_space<vmem>>, vector<1000x128xf32>
    tpu.vector_store %arg7[%swap3A, %swap3A_23], %add3A_22 {strides = array<i32>} : memref<1000x128xf32, #tpu.memory_space<vmem>>, vector<1000x128xf32>,
    return
  }
  func.func @transform_0(%arg0: i32) -> (i32, i32) {
    %c0_i32 = arith.constant 0 : i32
    %c0_i32_0 = arith.constant 0 : i32
    return %arg0, %c0_i32 : i32, i32
  }
  func.func @transform_1(%arg0: i32) -> (i32, i32) {
    %c0_i32 = arith.constant 0 : i32
    %c0_i32_0 = arith.constant 0 : i32
    return %arg0, %c0_i32 : i32, i32
  }
  func.func @transform_2(%arg0: i32) -> (i32, i32) {
    %c0_i32 = arith.constant 0 : i32
    %c0_i32_0 = arith.constant 0 : i32
    return %arg0, %c0_i32 : i32, i32
  }
  func.func @transform_3(%arg0: i32) -> (i32, i32) {
    %c0_i32 = arith.constant 0 : i32
    %c0_i32_0 = arith.constant 0 : i32
    %c0_i32_1 = arith.constant 0 : i32
    return %c0_i32, %c0_i32_0 : i32, i32
  }
  func.func @transform_4(%arg0: i32) -> (i32, i32) {
    %c0_i32 = arith.constant 0 : i32
    %c0_i32_0 = arith.constant 0 : i32
    %c0_i32_1 = arith.constant 0 : i32
    return %c0_i32, %c0_i32_0 : i32, i32
  }
  func.func @transform_5(%arg0: i32) -> (i32, i32) {
    %c0_i32 = arith.constant 0 : i32
    %c0_i32_0 = arith.constant 0 : i32
    %c0_i32_1 = arith.constant 0 : i32
    return %c0_i32, %c0_i32_0 : i32, i32
  }
  func.func @transform_6(%arg0: i32) -> (i32, i32) {
    %c0_i32 = arith.constant 0 : i32
    %c0_i32_0 = arith.constant 0 : i32
    return %arg0, %c0_i32 : i32, i32
  }
}

module attributes {stable_mosaic.version = 14 : i64} {
  func.func @_decoder_body(%arg0: i32, %arg1: i32, %arg2: memref<1024x128xf32, #tpu.memory_space<vmem>>, %arg3: memref<1024x128xf32, #tpu.memory_space<vmem>>, %arg4: memref<1024x1024xf32, #tpu.memory_space<vmem>>) attributes {dimension_semantics = [#tpu.dimension_semantics<parallel>, #tpu.dimension_semantics<parallel>], iteration_bounds = array<i64: 10, 10>, scalar_prefetch = 0 : i64, scratch_operands = 0 : i64, tpu.core_type = #tpu.core_type<tc>, window_params = [{transform_indices = @transform_0, window_bounds = array<i64: 1024, 128>}, {transform_indices = @transform_1, window_bounds = array<i64: 1024, 128>}, {transform_indices = @transform_2, window_bounds = array<i64: 1024, 1024>}]} {
    %get3A = arith.constant 0 : index
    %get3A_0 = arith.constant 0 : index
    %get3A_1 = vector.load %arg2[%get3A, %get3A_0] : memref<1024x128xf32, #tpu.memory_space<vmem>>, vector<1024x128xf32>
    %get3A_2 = arith.constant 0 : index
    %get3A_3 = arith.constant 0 : index
    %get3A_4 = vector.load %arg3[%get3A_2, %get3A_3] : memref<1024x128xf32, #tpu.memory_space<vmem>>, vector<1024x128xf32>
    %convert_element_type3A = arith.truncf %get3A_1 : vector<1024x128xf32> to vector<1024x128xbf16>
    %convert_element_type3A_5 = arith.extf %convert_element_type3A : vector<1024x128xbf16> to vector<1024x128xf32>
    %sub3A = arith.subf %get3A_1, %convert_element_type3A_5 : vector<1024x128xf32>
    %convert_element_type3A_6 = arith.truncf %sub3A : vector<1024x128xf32> to vector<1024x128xbf16>
    %convert_element_type3A_7 = arith.truncf %get3A_4 : vector<1024x128xf32> to vector<1024x128xbf16>
    %convert_element_type3A_8 = arith.extf %convert_element_type3A_7 : vector<1024x128xbf16> to vector<1024x128xf32>
    %sub3A_9 = arith.subf %get3A_4, %convert_element_type3A_8 : vector<1024x128xf32>
    %convert_element_type3A_10 = arith.truncf %sub3A_9 : vector<1024x128xf32> to vector<1024x128xbf16>
    %dot_general3A = arith.constant dense<0.000000e+00> : vector<1024x1024xf32>
    %dot_general3A_11 = tpu.matmul %convert_element_type3A, %convert_element_type3A_7, %dot_general3A {dimension_numbers = #tpu.dot_dimension_numbers<[1], [1], [0], [0], [0, 0, 1, 0], [], []>, transpose_lhs_hint = false} : vector<1024x128xbf16>, vector<1024x128xbf16>, vector<1024x1024xf32> -> vector<1024x1024xf32>
    %dot_general3A_12 = arith.constant dense<0.000000e+00> : vector<1024x1024xf32>
    %dot_general3A_13 = tpu.matmul %convert_element_type3A, %convert_element_type3A_10, %dot_general3A_12 {dimension_numbers = #tpu.dot_dimension_numbers<[1], [1], [0], [0], [0, 0, 1, 0], [], []>, transpose_lhs_hint = false} : vector<1024x128xbf16>, vector<1024x128xbf16>, vector<1024x1024xf32> -> vector<1024x1024xf32>
    %add3A = arith.addf %dot_general3A_11, %dot_general3A_13 : vector<1024x1024xf32>
    %dot_general3A_14 = arith.constant dense<0.000000e+00> : vector<1024x1024xf32>
    %dot_general3A_15 = tpu.matmul %convert_element_type3A_6, %convert_element_type3A_7, %dot_general3A_14 {dimension_numbers = #tpu.dot_dimension_numbers<[1], [1], [0], [0], [0, 0, 1, 0], [], []>, transpose_lhs_hint = false} : vector<1024x128xbf16>, vector<1024x128xbf16>, vector<1024x1024xf32> -> vector<1024x1024xf32>
    %add3A_16 = arith.addf %add3A, %dot_general3A_15 : vector<1024x1024xf32>
    %neg3A = arith.constant 0.000000e+00 : f32
    %neg3A_17 = vector.broadcast %neg3A : f32 to vector<1024x1024xf32>
    %neg3A_18 = arith.subf %neg3A_17, %add3A_16 : vector<1024x1024xf32>
    %exp3A = math.exp %neg3A_18 : vector<1024x1024xf32>
    %add3A_19 = arith.constant 1.000000e+00 : f32
    %add3A_20 = vector.broadcast %add3A_19 : f32 to vector<1024x1024xf32>
    %add3A_21 = arith.addf %add3A_20, %exp3A : vector<1024x1024xf32>
    %div3A = arith.constant 1.000000e+00 : f32
    %div3A_22 = vector.broadcast %div3A : f32 to vector<1024x1024xf32>
    %div3A_23 = arith.divf %div3A_22, %add3A_21 : vector<1024x1024xf32>
    %swap3A = arith.constant 0 : index
    %swap3A_24 = arith.constant 0 : index
    %swap3A_25 = vector.load %arg4[%swap3A, %swap3A_24] : memref<1024x1024xf32, #tpu.memory_space<vmem>>, vector<1024x1024xf32>
    tpu.vector_store %arg4[%swap3A, %swap3A_24], %div3A_23 {strides = array<i32>} : memref<1024x1024xf32, #tpu.memory_space<vmem>>, vector<1024x1024xf32>,
    return
  }
  func.func @transform_0(%arg0: i32, %arg1: i32) -> (i32, i32) {
    %c0_i32 = arith.constant 0 : i32
    %c0_i32_0 = arith.constant 0 : i32
    return %arg0, %c0_i32 : i32, i32
  }
  func.func @transform_1(%arg0: i32, %arg1: i32) -> (i32, i32) {
    %c0_i32 = arith.constant 0 : i32
    %c0_i32_0 = arith.constant 0 : i32
    return %arg1, %c0_i32 : i32, i32
  }
  func.func @transform_2(%arg0: i32, %arg1: i32) -> (i32, i32) {
    %c0_i32 = arith.constant 0 : i32
    return %arg0, %arg1 : i32, i32
  }
}

</mosaic_0001>

<sc_bundles>
// kernel: kernel.10.cloned.1.call-start
scs
__scs_entry_jumppad:
0x0: {  	(pc) =	sbr.rel $0x88, $3  }
0x1: {  	(tag) =	ssettag $0x0;
	lr =	simm.s32 $0x1  }
0x2: {  	[smem:$0x3F9C] =	sst lr;
	_ =	strace $0xD0000000  }
0x3: {  	_ = 	snop  }
0x4: {  	_ = 	snop  }
0x5: {  	_ = 	snop  }
0x6: {  	_ = 	snop  }
0x7: {  	_ = 	snop  }
__scs_overlays_trampoline_lowered:
0x8: {  	[smem:$0x3FAB] =	sst s0  }
0x9: {  	[smem:$0x3FAC] =	sst s1  }
0xa: {  	[smem:$0x3FAD] =	sst s2  }
0xb: {  	[smem:$0x3FAE] =	sst s3  }
0xc: {  	[smem:$0x3FAF] =	sst s4  }
0xd: {  	[smem:$0x3FB0] =	sst s5  }
0xe: {  	[smem:$0x3FB1] =	sst s6  }
0xf: {  	[smem:$0x3FB2] =	sst s7  }
0x10: {  	[smem:$0x3FB3] =	sst s8  }
0x11: {  	[smem:$0x3FB4] =	sst s9;
	s0 =	simm.s32 @!p0 $0x0  }
0x12: {  	s1 =	sld [smem:$0x3F9A];
	s0 =	simm.s32 @p0 $0x1  }
0x13: {  	[smem:$0x3FB5] =	sst s0;
	s0 =	simm.s32 @!p1 $0x0  }
0x14: {  	s2 =	sld [smem:$0x3F99];
	s0 =	simm.s32 @p1 $0x1  }
0x15: {  	[smem:$0x3FB6] =	sst s0;
	s0 =	simm.s32 @!p2 $0x0  }
0x16: {  	s3 =	sld [smem:$0x3FDB];
	s0 =	simm.s32 @p2 $0x1  }
0x17: {  	s4 =	simm.s32 $0x1BF5;
	[smem:$0x3FB8] =	sst s0  }
0x18: {  	s0 =	sld [smem:$0x3F9B];
	_ =	swait.ge [sflag:s4], $0x0  }
0x19: {  	s7 =	sld [smem:$0x3F9C]  }
0x1a: {  	s8 =	sadd.s32 $0xFFFFE003, lr  }
0x1b: {  	s9 =	sadd.s32 $0xFFFFFEF7, lr;
	s5 =	simm.s32 $0xFFFFFFFF;
	p2 =	slt.u32 s8, $0xFFFFF086  }
0x1c: {  	p1 =	slt.u32 s9, $0xF7A;
	s5 =	simm.s32 @!p2 $0x0  }
0x1d: {  	s5 =	simm.s32 @p1 $0x1;
	p0 =	seq.s32 s7, s2  }
0x1e: {  	s7 =	smul.u32 @!p0 $0xF7A, s2;
	p2 =	seq.s32 @!p0 s5, $0x0  }
0x1f: {  	s9 =	smul.u32 $0xF7A, s1;
	s8 =	simm.s32 @!p0 $0x1BF5;
	p2 =	por !p2, p0  }
0x20: {  	[sflag:s8] =	ssyncset.s32 @!p0 $0xFFFFF086;
	s6 =	sadd.s32 @!p0 s3, s7;
	s7 =	simm.s32 @!p0 $0x108  }
0x21: {  	s3 =	sadd.s32 s3, s9;
	s6 =	sadd.s32 @!p0 $0x88, s6;
	s7 =	simm.s32 @p2 $0x1082  }
0x22: {  	[simem:s7], [sflag:s8] =	dma.local @!p0 [hbm:s6], $0xF7A  }
0x23: {  	s9 =	sor.u32 $0xD0000000, s2;
	s6 =	simm.s32 $0x108;
	_ =	swait.ge @!p0 [sflag:s8], $0x0  }
0x24: {  	s3 =	sadd.s32 $0x88, s3;
	s6 =	simm.s32 @!p1 $0x1082;
	[sflag:s4] =	ssyncset.s32 $0xFFFFF086  }
0x25: {  	[simem:s6], [sflag:s4] =	dma.local [hbm:s3], $0xF7A  }
0x26: {  	[smem:$0x3F9C] =	sst s1;
	(tag) =	ssettag s2;
	_ =	strace s9  }
0x27: {  	s1 =	sld [smem:$0x3FAC]  }
0x28: {  	s2 =	sld [smem:$0x3FAD]  }
0x29: {  	s4 =	sld [smem:$0x3FAF]  }
0x2a: {  	p0 =	seq.s32 s5, $0x0;
	s5 =	sld [smem:$0x3FB0]  }
0x2b: {  	s6 =	sld [smem:$0x3FB1]  }
0x2c: {  	s7 =	sld [smem:$0x3FB2]  }
0x2d: {  	s3 =	simm.s32 $0x108;
	s8 =	sld [smem:$0x3FB3]  }
0x2e: {  	s3 =	simm.s32 @!p0 $0x1082;
	s9 =	sld [smem:$0x3FB4]  }
0x2f: {  	lr =	sadd.s32 s0, s3;
	s0 =	sld [smem:$0x3FAB]  }
0x30: {  	s3 =	sld [smem:$0x3FAE]  }
0x31: {  	[smem:$0x3FB7] =	sst s10  }
0x32: {  	s10 =	sld [smem:$0x3FB5];
	_ =	sdelay $0x3  }
0x33: {  	p0 =	seq.s32 s10, $0x1;
	s10 =	sld [smem:$0x3FB7];
	_ =	sdelay $0x3  }
0x34: {  	[smem:$0x3FB7] =	sst s10  }
0x35: {  	s10 =	sld [smem:$0x3FB6];
	_ =	sdelay $0x3  }
0x36: {  	p1 =	seq.s32 s10, $0x1;
	s10 =	sld [smem:$0x3FB7];
	_ =	sdelay $0x3  }
0x37: {  	[smem:$0x3FB7] =	sst s10  }
0x38: {  	s10 =	sld [smem:$0x3FB8]  }
0x39: {  	_ = 	snop;
	(pc) =	sbr.ind lr, $3  }
0x3a: {  	_ = 	snop  }
0x3b: {  	_ = 	snop  }
0x3c: {  	p2 =	seq.s32 s10, $0x1;
	s10 =	sld [smem:$0x3FB7]  }
0x3d: {  	_ =	shalt  }
0x3e: {  	_ =	shalt  }
0x3f: {  	_ =	shalt  }
0x40: {  	_ =	shalt  }
0x41: {  	_ =	shalt  }
0x42: {  	_ =	shalt  }
0x43: {  	_ =	shalt  }
0x44: {  	_ =	shalt  }
0x45: {  	_ =	shalt  }
0x46: {  	_ =	shalt  }
0x47: {  	_ =	shalt  }
0x48: {  	_ =	shalt  }
0x49: {  	_ =	shalt  }
0x4a: {  	_ =	shalt  }
0x4b: {  	_ =	shalt  }
0x4c: {  	_ =	shalt  }
0x4d: {  	_ =	shalt  }
0x4e: {  	_ =	shalt  }
0x4f: {  	_ =	shalt  }
0x50: {  	_ =	shalt  }
0x51: {  	_ =	shalt  }
0x52: {  	_ =	shalt  }
0x53: {  	_ =	shalt  }
0x54: {  	_ =	shalt  }
0x55: {  	_ =	shalt  }
0x56: {  	_ =	shalt  }
0x57: {  	_ =	shalt  }
0x58: {  	_ =	shalt  }
0x59: {  	_ =	shalt  }
0x5a: {  	_ =	shalt  }
0x5b: {  	_ =	shalt  }
0x5c: {  	_ =	shalt  }
0x5d: {  	_ =	shalt  }
0x5e: {  	_ =	shalt  }
0x5f: {  	_ =	shalt  }
0x60: {  	_ =	shalt  }
0x61: {  	_ =	shalt  }
0x62: {  	_ =	shalt  }
0x63: {  	_ =	shalt  }
0x64: {  	_ =	shalt  }
0x65: {  	_ =	shalt  }
0x66: {  	_ =	shalt  }
0x67: {  	_ =	shalt  }
0x68: {  	_ =	shalt  }
0x69: {  	_ =	shalt  }
0x6a: {  	_ =	shalt  }
0x6b: {  	_ =	shalt  }
0x6c: {  	_ =	shalt  }
0x6d: {  	_ =	shalt  }
0x6e: {  	_ =	shalt  }
0x6f: {  	_ =	shalt  }
0x70: {  	_ =	shalt  }
0x71: {  	_ =	shalt  }
0x72: {  	_ =	shalt  }
0x73: {  	_ =	shalt  }
0x74: {  	_ =	shalt  }
0x75: {  	_ =	shalt  }
0x76: {  	_ =	shalt  }
0x77: {  	_ =	shalt  }
0x78: {  	_ =	shalt  }
0x79: {  	_ =	shalt  }
0x7a: {  	_ =	shalt  }
0x7b: {  	_ =	shalt  }
0x7c: {  	_ =	shalt  }
0x7d: {  	_ =	shalt  }
0x7e: {  	_ =	shalt  }
0x7f: {  	_ =	shalt  }
0x80: {  	_ =	shalt  }
0x81: {  	_ =	shalt  }
0x82: {  	_ =	shalt  }
0x83: {  	_ =	shalt  }
0x84: {  	_ =	shalt  }
0x85: {  	_ =	shalt  }
0x86: {  	_ =	shalt  }
0x87: {  	_ =	shalt  }
.Lfunc_end0:
.L_simem_size_0:
called_computation.1_lowered:
.L_overlay_start_0:
0x88: {  	s2 =	sld [smem:$0x3FD9]  }
0x89: {  	s3 =	sld [smem:$0x3FFE];
	_ =	sdelay $0x1  }
0x8a: {  	s1 =	srdreg.scid  }
0x8b: {  	s0 =	sand.u32 $0x1, s1  }
0x8c: {  	s14 =	sshll.u32 s0, $0xA;
	s2 =	sadd.s32 s3, s2  }
0x8d: {  	s2 =	sadd.s32 s2, s14  }
0x8e: {  	[smem:$0x3FC3] =	sst s2  }
0x8f: {  	_ = 	snop  }
0x90: {  	s2 =	sld [smem:$0x3FD0];
	_ =	sdelay $0x2  }
0x91: {  	s15 =	simm.s32 $0xA;
	s4 =	simm.s32 $0x10  }
0x92: {  	[smem:s4], [sflag:s15] =	dma.local [hbm:s2], $0x1  }
0x93: {  	_ =	swait.eq [sflag:s15], $0x1  }
0x94: {  	[sflag:s15] =	ssyncset.done $0x0  }
0x95: {  	s16 =	sld [smem:$0x10];
	[sflag:s15] =	ssyncadd.s32 $0xFFFFFFFF  }
0x96: {  	s17 =	sld [smem:$0x11];
	(tm) =	ssettm $0x1  }
0x97: {  	s18 =	sld [smem:$0x3FFB];
	_ =	sdelay $0x3  }
0x98: {  	_ =	strace s18  }
0x99: {  	s4 =	sld [smem:$0x3FFC];
	_ =	sdelay $0x3  }
0x9a: {  	_ =	strace s4  }
0x9b: {  	s4 =	sld [smem:$0x3FFD];
	_ =	sdelay $0x3  }
0x9c: {  	_ =	strace s4  }
0x9d: {  	_ =	strace $0x8FFFFFFF  }
0x9e: {  	s19 =	sld [smem:$0x3FDB];
	_ =	sdelay $0x1  }
0x9f: {  	s5 =	simm.s32 $_scs_section_size  }
0xa0: {  	s6 =	simm.s32 $_size__tile_overlayer_lowered;
	s7 =	simm.s32 $_tile_overlayer_lowered  }
0xa1: {  	s22 =	simm.s32 $0x1BFF;
	s21 =	sshll.u32 s7, $0x1;
	s4 =	sadd.s32 s5, s19  }
0xa2: {  	s8 =	simm.s32 $0x0;
	s20 =	sshll.u32 s6, $0x1;
	s6 =	sadd.s32 s21, s4  }
0xa3: {  	[timem:s8], [sflag:s22] =	dma.local [hbm:s6], s20  }
0xa4: {  	_ =	swait.ge [sflag:s22], s20  }
0xa5: {  	s5 =	ssub.s32 $0x0, s20;
	[sflag:s22] =	ssyncset.done $0x0  }
0xa6: {  	[sflag:s22] =	ssyncadd.s32 s5;
	_ =	sdelay $0x1  }
0xa7: {  	s23 =	simm.s32 $0x1B8B  }
0xa8: {  	_ =	swait.ge [sflag:s23], $0x1  }
0xa9: {  	[sflag:s23] =	ssyncset.done $0x0  }
0xaa: {  	s25 =	simm.s32 $0x1B8E;
	s24 =	sld [smem:$0x3FFE];
	[sflag:s23] =	ssyncadd.s32 $0xFFFFFFFF  }
0xab: {  	s26 =	simm.s32 $execute0_lowered;
	[smem:$0x3FD2] =	sst s25  }
0xac: {  	s6 =	sshll.u32 s26, $0x1;
	_ =	strace $0x80000049;
	[dreg:$0x1] =	wrdreg $0xFFFFFFFF  }
0xad: {  	s28 =	simm.s32 $_size_execute0_lowered;
	s4 =	sadd.s32 s4, s6;
	[dreg:$0x0] =	wrdreg $0x0  }
0xae: {  	s6 =	sshll.u32 s28, $0x1;
	[dreg:$0x2] =	wrdreg s4  }
0xaf: {  	[dreg:$0x3] =	wrdreg s6  }
0xb0: {  	[dreg:$0x4] =	wrdreg $0xC0  }
0xb1: {  	_ =	task [dreg:s8], $0x5FFFF  }
0xb2: {  	[dreg:$0x1] =	wrdreg $0xFFFFFFFF  }
0xb3: {  	[dreg:$0x0] =	wrdreg $0x60  }
0xb4: {  	[dreg:$0x2] =	wrdreg s17  }
0xb5: {  	[dreg:$0x3] =	wrdreg s24  }
0xb6: {  	[dreg:$0x4] =	wrdreg s16  }
0xb7: {  	[dreg:$0x5] =	wrdreg $0x82000  }
0xb8: {  	[dreg:$0x6] =	wrdreg $0x9  }
0xb9: {  	_ =	task.clear_ibuf [dreg:s8], $0x7FFFF;
	_ =	strace $0x90000049  }
0xba: {  	s29 =	simm.s32 $0x9;
	_ =	strace $0x8000004B  }
0xbb: {  	_ =	swait.ge [sflag:s29], $0x1  }
0xbc: {  	[sflag:s29] =	ssyncadd.s32 $0xFFFFFFFF  }
0xbd: {  	_ =	strace $0x9000004B  }
0xbe: {  	_ =	sfence  }
0xbf: {  	s30 =	sld [smem:$0x0];
	_ =	sdelay $0x2  }
0xc0: {  	s31 =	sshll.u32 s1, $0xD;
	s1 =	sshrl.u32 s1, $0x2  }
0xc1: {  	s3 =	sand.u32 $0x4000, s31;
	s1 =	sadd.s32 s1, s30  }
0xc2: {  	s0 =	sor.u32 s3, s0;
	s1 =	sshll.u32 s1, $0x11  }
0xc3: {  	s0 =	sor.u32 s1, s0  }
0xc4: {  	s0 =	sadd.s32 $0x8F2B, s0  }
0xc5: {  	[sflag:s0] =	ssyncadd.remote.s32 $0x1  }
0xc6: {  	_ =	sfence.sel $0xFFFF  }
0xc7: {  	[dreg:$0x0] =	wrdreg $0xFFFFFFFF;
	(pc) =	sbr.abs _section_cstart, $3  }
0xc8: {  	[dreg:$0x1] =	wrdreg $0xFFFFFFFF  }
0xc9: {  	_ =	task.clear_ibuf [dreg:s8], $0x2FFFF;
	_ =	strace $0x9FFFFFFF  }
0xca: {  	(tm) =	ssettm $0x7FFFFFFF  }
0xcb: {  	_ =	shalt  }
tec
execute0_lowered:
.L_overlay_start_1:
0x0: {  	(tag) =	ssettag $0x1  }
0x1: {  	s1 =	rddreg [dreg:$0x0]  }
0x2: {  	s0 =	rddreg [dreg:$0x1]  }
0x3: {  	s4 =	rddreg [dreg:$0x2]  }
0x4: {  	s2 =	rddreg [dreg:$0x3];
	s3 =	simm.s32 $0x0  }
0x5: {  	s5 =	srdreg.scid;
	s12 =	stileid.u32;
	s28 =	simm.s32 $0x100  }
0x6: {  	s29 =	simm.s32 $0x80;
	s30 =	simm.s32 $0x180;
	s31 =	simm.s32 $0x1  }
0x7: {  	[smem:$0x7FF] =	sst s3;
	s5 =	sand.u32 $0x1, s5;
	s9 =	smul.u32 $0x50000, s12  }
0x8: {  	s7 =	sadd.s32 $0xC200, s0;
	s10 =	sadd.s32 $0x2200, s0;
	s23 =	smul.u32 $0x280, s12  }
0x9: {  	s0 =	sadd.s32 $0x16200, s0;
	s11 =	sshll.u32 s12, $0x3;
	s19 =	smul.u32 $0x2800, s12  }
0xa: {  	_ =	strace $0x8000004A;
	s6 =	ssub.s32 $0x2, s5;
	p0 =	seq.s32 s5, $0x0  }
0xb: {  	s11 =	sor.u32 $0x980, s11;
	s8 =	sshrl.u32 s6, $0x1;
	s9 =	sshrl.u32 s9, $0x2  }
0xc: {  	s18 =	sadd.s32 $0xA0, s23;
	s21 =	sadd.s32 $0x140, s23;
	s0 =	smov.u32 @p0 s4  }
0xd: {  	s4 =	simm.s32 $0x2;
	s6 =	ssub.s32 s6, s8;
	s5 =	sadd.s32 s9, s2  }
0xe: {  	s8 =	smul.u32 $0x98, s12;
	s20 =	sshll.u32 s18, $0x7;
	s9 =	sadd.s32 $0x4000, s5  }
0xf: {  	s22 =	sshll.u32 s21, $0x7;
	s24 =	sadd.s32 $0x8000, s5;
	[dreg:$0x5] =	wrdreg s9  }
0x10: {  	s25 =	sadd.s32 $0xC000, s5;
	s13 =	sadd.s32 $0x10000, s5;
	[dreg:$0x6] =	wrdreg s24  }
0x11: {  	s12 =	sadd.s32 s22, s2;
	s6 =	smax.u32 s6, $0x1;
	[dreg:$0x7] =	wrdreg s25  }
0x12: {  	s22 =	simm.s32 $0x200;
	s11 =	smov.u32 @p0 s8;
	[dreg:$0x8] =	wrdreg s13  }
0x13: {  	s13 =	simm.s32 $0x4B;
	s8 =	sadd.s32 $0x1E0, s23;
	[dreg:$0xb] =	wrdreg s6  }
0x14: {  	s24 =	sadd.s32 s0, s19;
	s6 =	simm.s32 $0x4;
	s9 =	simm.s32 $0x6  }
0x15: {  	s26 =	sshll.u32 s11, $0x4;
	s13 =	simm.s32 @!p0 $0x3;
	s11 =	sshll.u32 s21, $0x4  }
0x16: {  	s23 =	sshll.u32 s8, $0x4;
	[dreg:$0xc] =	wrdreg s24;
	s24 =	sshrl.u32 s12, $0x3  }
0x17: {  	s12 =	simm.s32 $0x0;
	s16 =	sadd.s32 s7, s26;
	s14 =	sor.u32 $0x10, s26  }
0x18: {  	s15 =	sadd.s32 s10, s26;
	s26 =	sadd.s32 s0, s11;
	s19 =	sadd.s32 s0, s23  }
0x19: {  	s7 =	sadd.s32 s7, s14;
	s17 =	sadd.s32 s10, s14;
	s10 =	sadd.s32 s20, s2  }
0x1a: {  	s14 =	sshll.u32 s8, $0x7;
	[dreg:$0xe] =	wrdreg s26;
	s21 =	sadd.s32 $0x30, s16  }
0x1b: {  	s26 =	simm.s32 $0x7;
	s8 =	simm.s32 $0x5;
	[dreg:$0x9] =	wrdreg s7  }
0x1c: {  	[dreg:$0xa] =	wrdreg s17;
	s7 =	sshll.u32 s18, $0x4;
	s14 =	sadd.s32 s14, s2  }
0x1d: {  	s18 =	smov.u32 s15;
	s15 =	sadd.s32 $0x30, s15;
	s17 =	smov.u32 s16  }
0x1e: {  	s23 =	sshrl.u32 s10, $0x3;
	s25 =	sadd.s32 s0, s7;
	s0 =	simm.s32 $0x3  }
0x1f: {  	v0 =	vimm.f32 $0.0e+00;
	s7 =	simm.s32 $0x4200;
	[dreg:$0xd] =	wrdreg s25;
	s25 =	sshrl.u32 s14, $0x3  }
.LBB2_1:
0x20: {  	s10 =	simm.s32 $0x0;
	s11 =	simm.s32 $0x200  }
.LBB2_2:
0x21: {  	p0 =	sne.s32 s11, $0xFE00;
	[tilespmem:s10+$0x270] =	vst v0  }
0x22: {  	[tilespmem:s10+$0x200] =	vst v0  }
0x23: {  	[tilespmem:s10+$0x210] =	vst v0  }
.Ltmp0:
0x24: {  	[tilespmem:s10+$0x220] =	vst v0;
	(pc) =	sbr.rel @p0 .LBB2_2-.Ltmp0, $4  }
0x25: {  	[tilespmem:s10+$0x230] =	vst v0  }
0x26: {  	[tilespmem:s10+$0x240] =	vst v0  }
0x27: {  	[tilespmem:s10+$0x250] =	vst v0  }
0x28: {  	[tilespmem:s10+$0x260] =	vst v0;
	s10 =	sshra.s32 s11, $0x2;
	s11 =	sadd.s32 $0x200, s11  }
0x29: {  	[tilespmem:s10+$0x270] =	vst v0  }
0x2a: {  	[tilespmem:s10+$0x200] =	vst v0  }
0x2b: {  	[tilespmem:s10+$0x210] =	vst v0  }
0x2c: {  	[tilespmem:s10+$0x220] =	vst v0  }
0x2d: {  	[tilespmem:s10+$0x230] =	vst v0  }
0x2e: {  	[tilespmem:s10+$0x240] =	vst v0  }
0x2f: {  	[tilespmem:s10+$0x250] =	vst v0  }
0x30: {  	[tilespmem:s10+$0x260] =	vst v0  }
0x31: {  	[spmem:s5] =	stream.linear.scatter [tilespmem:s22], [sflag:$0x7], $0x4000, $0x38;
	[tilespmem:$0x1C200] =	vst v63  }
0x32: {  	_ =	swait.ge [sflag:s26], $0x4000  }
0x33: {  	[sflag:s26] =	ssyncset.done $0x0  }
0x34: {  	s11 =	rddreg [dreg:$0x5];
	[sflag:s26] =	ssyncadd.s32 $0xFFFFC000  }
0x35: {  	[spmem:s11] =	stream.linear.scatter [tilespmem:s22], [sflag:$0x7], $0x4000, $0x38;
	[tilespmem:$0x1C200] =	vst v63  }
0x36: {  	_ =	swait.ge [sflag:s26], $0x4000  }
0x37: {  	[sflag:s26] =	ssyncset.done $0x0  }
0x38: {  	s14 =	rddreg [dreg:$0x6];
	[sflag:s26] =	ssyncadd.s32 $0xFFFFC000  }
0x39: {  	[spmem:s14] =	stream.linear.scatter [tilespmem:s22], [sflag:$0x7], $0x4000, $0x38;
	[tilespmem:$0x1C200] =	vst v63  }
0x3a: {  	_ =	swait.ge [sflag:s26], $0x4000  }
0x3b: {  	[sflag:s26] =	ssyncset.done $0x0  }
0x3c: {  	s16 =	rddreg [dreg:$0x7];
	[sflag:s26] =	ssyncadd.s32 $0xFFFFC000  }
0x3d: {  	[spmem:s16] =	stream.linear.scatter [tilespmem:s22], [sflag:$0x7], $0x4000, $0x38;
	[tilespmem:$0x1C200] =	vst v63  }
0x3e: {  	_ =	swait.ge [sflag:s26], $0x4000  }
0x3f: {  	[sflag:s26] =	ssyncset.done $0x0  }
0x40: {  	s20 =	rddreg [dreg:$0x8];
	[sflag:s26] =	ssyncadd.s32 $0xFFFFC000  }
0x41: {  	[spmem:s20] =	stream.linear.scatter [tilespmem:s22], [sflag:$0x7], $0x4000, $0x38;
	[tilespmem:$0x1C200] =	vst v63  }
0x42: {  	_ =	swait.ge [sflag:s26], $0x4000  }
0x43: {  	[sflag:s26] =	ssyncset.done $0x0  }
0x44: {  	[sflag:s26] =	ssyncadd.s32 $0xFFFFC000  }
0x45: {  	[bflag:$0x0] =	sbarrier.arrive $0xFFFF  }
0x46: {  	[tilespmem:s3], [sflag:$0x1] =	stream.linear.gather [hbm4b:s17+s3], $0x80, $0x38;
	[tilespmem:$0x1C200] =	vst v63  }
0x47: {  	_ = 	snop  }
0x48: {  	[tilespmem:s28], [sflag:$0x3] =	stream.linear.gather [hbm4b:s18+s3], $0x80, $0x38;
	[tilespmem:$0x1C200] =	vst v63  }
0x49: {  	s11 =	rddreg [dreg:$0x9]  }
0x4a: {  	[tilespmem:s29], [sflag:$0x2] =	stream.linear.gather [hbm4b:s11+s3], $0x80, $0x38;
	[tilespmem:$0x1C200] =	vst v63  }
0x4b: {  	s14 =	rddreg [dreg:$0xa]  }
0x4c: {  	[tilespmem:s30], [sflag:$0x4] =	stream.linear.gather [hbm4b:s14+s3], $0x80, $0x38;
	[tilespmem:$0x1C200] =	vst v63  }
0x4d: {  	_ =	swait.ge [sflag:s31], $0x80  }
0x4e: {  	[sflag:s31] =	ssyncset.done $0x0  }
0x4f: {  	[sflag:s31] =	ssyncadd.s32 $0xFFFFFF80  }
0x50: {  	_ =	swait.ge [sflag:s0], $0x80  }
0x51: {  	[sflag:s0] =	ssyncset.done $0x0  }
0x52: {  	[sflag:s0] =	ssyncadd.s32 $0xFFFFFF80  }
0x53: {  	[tilespmem:s22], [sflag:$0x5] =	stream.indirect.gather [hbm4b:s1+s29], $0x80, s3, s29, $0xb8;
	[tilespmem:$0x1C200] =	vst v63  }
0x54: {  	_ =	swait.ge [sflag:s4], $0x80  }
0x55: {  	[sflag:s4] =	ssyncset.done $0x0  }
0x56: {  	[sflag:s4] =	ssyncadd.s32 $0xFFFFFF80  }
0x57: {  	_ =	swait.ge [sflag:s6], $0x80  }
0x58: {  	[sflag:s6] =	ssyncset.done $0x0  }
0x59: {  	[sflag:s6] =	ssyncadd.s32 $0xFFFFFF80  }
0x5a: {  	[tilespmem:s7], [sflag:$0x6] =	stream.indirect.gather [hbm4b:s1+s29], $0x80, s29, s29, $0xb8;
	[tilespmem:$0x1C200] =	vst v63  }
0x5b: {  	_ =	swait.ge [sflag:s8], $0x4000  }
0x5c: {  	[sflag:s8] =	ssyncset.done $0x0  }
0x5d: {  	[sflag:s8] =	ssyncadd.s32 $0xFFFFC000  }
0x5e: {  	[spmem:s2] =	stream.indirect.scatter.add.f32 [tilespmem:s22], [sflag:$0x7], $0x80, s28, s29, $0xb8;
	[tilespmem:$0x1C200] =	vst v63  }
0x5f: {  	_ =	swait.ge [sflag:s26], $0x4000  }
0x60: {  	[sflag:s26] =	ssyncset.done $0x0  }
0x61: {  	s16 =	sadd.s32 $0xFFFFFFF0, s21;
	[sflag:s26] =	ssyncadd.s32 $0xFFFFC000  }
0x62: {  	[tilespmem:s3], [sflag:$0x1] =	stream.linear.gather [hbm4b:s16+s3], $0x80, $0x38;
	[tilespmem:$0x1C200] =	vst v63  }
0x63: {  	s20 =	sadd.s32 $0xFFFFFFF0, s15  }
0x64: {  	[tilespmem:s28], [sflag:$0x3] =	stream.linear.gather [hbm4b:s20+s3], $0x80, $0x38;
	[tilespmem:$0x1C200] =	vst v63  }
0x65: {  	_ =	swait.ge [sflag:s31], $0x80  }
0x66: {  	[sflag:s31] =	ssyncset.done $0x0  }
0x67: {  	[sflag:s31] =	ssyncadd.s32 $0xFFFFFF80  }
0x68: {  	_ =	swait.ge [sflag:s0], $0x80  }
0x69: {  	[sflag:s0] =	ssyncset.done $0x0  }
0x6a: {  	[sflag:s0] =	ssyncadd.s32 $0xFFFFFF80  }
0x6b: {  	[tilespmem:s22], [sflag:$0x5] =	stream.indirect.gather [hbm4b:s1+s29], $0x80, s3, s29, $0xb8;
	[tilespmem:$0x1C200] =	vst v63  }
0x6c: {  	_ =	swait.ge [sflag:s9], $0x4000  }
0x6d: {  	[sflag:s9] =	ssyncset.done $0x0  }
0x6e: {  	p0 =	sne.s32 s13, $0x1;
	[sflag:s9] =	ssyncadd.s32 $0xFFFFC000  }
0x6f: {  	[spmem:s2] =	stream.indirect.scatter.add.f32 [tilespmem:s7], [sflag:$0x7], $0x80, s30, s29, $0xb8;
	[tilespmem:$0x1C200] =	vst v63  }
.Ltmp1:
0x70: {  	_ = 	snop;
	(pc) =	sbr.rel @!p0 .LBB2_5-.Ltmp1, $4  }
0x71: {  	_ =	swait.ge [sflag:s26], $0x4000  }
0x72: {  	s10 =	sadd.s32 $0x20, s15;
	s11 =	sadd.s32 $0x20, s21;
	[sflag:s26] =	ssyncset.done $0x0  }
0x73: {  	s14 =	sadd.s32 $0xFFFFFFFF, s13;
	s20 =	smov.u32 s15;
	[sflag:s26] =	ssyncadd.s32 $0xFFFFC000  }
0x74: {  	[tilespmem:s29], [sflag:$0x2] =	stream.linear.gather [hbm4b:s21+s3], $0x80, $0x38;
	[tilespmem:$0x1C200] =	vst v63  }
.LBB2_4:
0x75: {  	[tilespmem:s30], [sflag:$0x4] =	stream.linear.gather [hbm4b:s20+s3], $0x80, $0x38;
	[tilespmem:$0x1C200] =	vst v63  }
0x76: {  	p0 =	sne.s32 s14, $0x1;
	s14 =	sadd.s32 $0xFFFFFFFF, s14;
	_ =	swait.ge [sflag:s4], $0x80  }
0x77: {  	s20 =	smov.u32 s10;
	[sflag:s4] =	ssyncset.done $0x0  }
0x78: {  	[sflag:s4] =	ssyncadd.s32 $0xFFFFFF80  }
0x79: {  	_ =	swait.ge [sflag:s6], $0x80  }
0x7a: {  	[sflag:s6] =	ssyncset.done $0x0  }
0x7b: {  	[sflag:s6] =	ssyncadd.s32 $0xFFFFFF80  }
0x7c: {  	[tilespmem:s7], [sflag:$0x6] =	stream.indirect.gather [hbm4b:s1+s29], $0x80, s29, s29, $0xb8;
	[tilespmem:$0x1C200] =	vst v63  }
0x7d: {  	_ =	swait.ge [sflag:s8], $0x4000  }
0x7e: {  	[sflag:s8] =	ssyncset.done $0x0  }
0x7f: {  	[sflag:s8] =	ssyncadd.s32 $0xFFFFC000  }
0x80: {  	[spmem:s2] =	stream.indirect.scatter.add.f32 [tilespmem:s22], [sflag:$0x7], $0x80, s28, s29, $0xb8;
	[tilespmem:$0x1C200] =	vst v63  }
0x81: {  	_ =	swait.ge [sflag:s26], $0x4000  }
0x82: {  	[sflag:s26] =	ssyncset.done $0x0  }
0x83: {  	s16 =	sadd.s32 $0xFFFFFFF0, s11;
	[sflag:s26] =	ssyncadd.s32 $0xFFFFC000  }
0x84: {  	[tilespmem:s3], [sflag:$0x1] =	stream.linear.gather [hbm4b:s16+s3], $0x80, $0x38;
	[tilespmem:$0x1C200] =	vst v63  }
0x85: {  	s16 =	sadd.s32 $0xFFFFFFF0, s10  }
0x86: {  	[tilespmem:s28], [sflag:$0x3] =	stream.linear.gather [hbm4b:s16+s3], $0x80, $0x38;
	[tilespmem:$0x1C200] =	vst v63  }
0x87: {  	_ =	swait.ge [sflag:s31], $0x80  }
0x88: {  	[sflag:s31] =	ssyncset.done $0x0  }
0x89: {  	[sflag:s31] =	ssyncadd.s32 $0xFFFFFF80  }
0x8a: {  	_ =	swait.ge [sflag:s0], $0x80  }
0x8b: {  	[sflag:s0] =	ssyncset.done $0x0  }
0x8c: {  	[sflag:s0] =	ssyncadd.s32 $0xFFFFFF80  }
0x8d: {  	[tilespmem:s22], [sflag:$0x5] =	stream.indirect.gather [hbm4b:s1+s29], $0x80, s3, s29, $0xb8;
	[tilespmem:$0x1C200] =	vst v63  }
0x8e: {  	_ =	swait.ge [sflag:s9], $0x4000  }
0x8f: {  	[sflag:s9] =	ssyncset.done $0x0  }
0x90: {  	[sflag:s9] =	ssyncadd.s32 $0xFFFFC000  }
0x91: {  	[spmem:s2] =	stream.indirect.scatter.add.f32 [tilespmem:s7], [sflag:$0x7], $0x80, s30, s29, $0xb8;
	[tilespmem:$0x1C200] =	vst v63  }
.Ltmp2:
0x92: {  	_ =	swait.ge [sflag:s26], $0x4000;
	(pc) =	sbr.rel @p0 .LBB2_4-.Ltmp2, $4  }
0x93: {  	[sflag:s26] =	ssyncset.done $0x0  }
0x94: {  	[sflag:s26] =	ssyncadd.s32 $0xFFFFC000  }
0x95: {  	[tilespmem:s29], [sflag:$0x2] =	stream.linear.gather [hbm4b:s11+s3], $0x80, $0x38;
	[tilespmem:$0x1C200] =	vst v63  }
0x96: {  	s10 =	sadd.s32 $0x20, s10;
	s11 =	sadd.s32 $0x20, s11  }
.LBB2_5:
0x97: {  	[tilespmem:s30], [sflag:$0x4] =	stream.linear.gather [hbm4b:s20+s3], $0x80, $0x38;
	[tilespmem:$0x1C200] =	vst v63  }
0x98: {  	_ =	swait.ge [sflag:s4], $0x80  }
0x99: {  	[sflag:s4] =	ssyncset.done $0x0  }
0x9a: {  	[sflag:s4] =	ssyncadd.s32 $0xFFFFFF80  }
0x9b: {  	_ =	swait.ge [sflag:s6], $0x80  }
0x9c: {  	[sflag:s6] =	ssyncset.done $0x0  }
0x9d: {  	[sflag:s6] =	ssyncadd.s32 $0xFFFFFF80  }
0x9e: {  	[tilespmem:s7], [sflag:$0x6] =	stream.indirect.gather [hbm4b:s1+s29], $0x80, s29, s29, $0xb8;
	[tilespmem:$0x1C200] =	vst v63  }
0x9f: {  	_ =	swait.ge [sflag:s8], $0x4000  }
0xa0: {  	[sflag:s8] =	ssyncset.done $0x0  }
0xa1: {  	[sflag:s8] =	ssyncadd.s32 $0xFFFFC000  }
0xa2: {  	[spmem:s2] =	stream.indirect.scatter.add.f32 [tilespmem:s22], [sflag:$0x7], $0x80, s28, s29, $0xb8;
	[tilespmem:$0x1C200] =	vst v63  }
0xa3: {  	_ =	swait.ge [sflag:s26], $0x4000  }
0xa4: {  	[sflag:s26] =	ssyncset.done $0x0  }
0xa5: {  	[sflag:s26] =	ssyncadd.s32 $0xFFFFC000  }
0xa6: {  	_ =	swait.ge [sflag:s9], $0x4000  }
0xa7: {  	[sflag:s9] =	ssyncset.done $0x0  }
0xa8: {  	[sflag:s9] =	ssyncadd.s32 $0xFFFFC000  }
0xa9: {  	[spmem:s2] =	stream.indirect.scatter.add.f32 [tilespmem:s7], [sflag:$0x7], $0x80, s30, s29, $0xb8;
	[tilespmem:$0x1C200] =	vst v63  }
0xaa: {  	_ =	swait.ge [sflag:s26], $0x4000  }
0xab: {  	[sflag:s26] =	ssyncset.done $0x0  }
0xac: {  	s10 =	stileid.u32;
	[sflag:s26] =	ssyncadd.s32 $0xFFFFC000  }
0xad: {  	s10 =	sshll.u32 s10, $0x6;
	[bflag:$0x0] =	sbarrier.arrive $0xFFFF  }
0xae: {  	s14 =	sshrl.u32 s5, $0x3;
	s11 =	sor.u32 $0x1C01, s10;
	s16 =	rddreg [dreg:$0xc]  }
0xaf: {  	[hbm:s16], [sflag:s11] =	dma.local [spmem:s14], $0xA00  }
0xb0: {  	s20 =	sor.u32 $0x1C02, s10;
	s14 =	rddreg [dreg:$0xd]  }
0xb1: {  	[hbm:s14], [sflag:s20] =	dma.local [spmem:s23], $0xA00  }
0xb2: {  	s16 =	sor.u32 $0x1C03, s10;
	s10 =	sor.u32 $0x1C04, s10;
	s14 =	rddreg [dreg:$0xe]  }
0xb3: {  	[hbm:s14], [sflag:s16] =	dma.local [spmem:s24], $0xA00  }
0xb4: {  	[hbm:s19], [sflag:s10] =	dma.local [spmem:s25], $0xA00  }
0xb5: {  	_ =	swait.ge [sflag:s31], $0xA00  }
0xb6: {  	[sflag:s31] =	ssyncset.done $0x0  }
0xb7: {  	[sflag:s31] =	ssyncadd.s32 $0xFFFFF600  }
0xb8: {  	_ =	swait.ge [sflag:s4], $0xA00  }
0xb9: {  	[sflag:s4] =	ssyncset.done $0x0  }
0xba: {  	[sflag:s4] =	ssyncadd.s32 $0xFFFFF600  }
0xbb: {  	_ =	swait.ge [sflag:s0], $0xA00  }
0xbc: {  	[sflag:s0] =	ssyncset.done $0x0  }
0xbd: {  	[sflag:s0] =	ssyncadd.s32 $0xFFFFF600  }
0xbe: {  	_ =	swait.ge [sflag:s6], $0xA00  }
0xbf: {  	s12 =	sadd.s32 $0x1, s12;
	s20 =	rddreg [dreg:$0xb]  }
0xc0: {  	p0 =	sne.s32 s12, s20  }
.Ltmp3:
0xc1: {  	_ = 	snop;
	(pc) =	sbr.rel @p0 .LBB2_1-.Ltmp3, $3  }
0xc2: {  	_ =	sdelay $0x1  }
0xc3: {  	[sflag:s6] =	ssyncset.done $0x0  }
0xc4: {  	[sflag:s6] =	ssyncadd.s32 $0xFFFFF600  }
0xc5: {  	_ =	sfence.sel $0x180000  }
0xc6: {  	[bflag:$0x0] =	sbarrier.arrive $0xFFFF  }
0xc7: {  	_ =	strace $0x9000004A  }
0xc8: {  	s0 =	stileid.u32;
	[bflag:$0x2] =	sbarrier.arrive $0xFFFF  }
0xc9: {  	p0 =	sne.s32 s0, $0x0;
	s0 =	rddreg [dreg:$0x4]  }
0xca: {  	s0 =	sadd.s32 @!p0 $0x100000, s0  }
0xcb: {  	[sflag:s0] =	ssyncadd.tile.s32 @!p0 $0x1;
	_ =	shalt  }
.Lfunc_end2:
_tile_overlayer_lowered:
.L_overlay_start_2:
0xcc: {  	(tag) =	ssettag $0x2  }
0xcd: {  	s0 =	rddreg [dreg:$0x0];
	s2 =	stileid.u32  }
0xce: {  	s1 =	rddreg [dreg:$0x1];
	p0 =	sne.s32 s2, $0x0  }
0xcf: {  	s3 =	rddreg [dreg:$0x2];
	[bflag:$0x3] =	sbarrier.arrive $0xFFFF;
	s2 =	simm.s32 @!p0 $0x1C07  }
0xd0: {  	[timem:s3], [sflag:s2] =	dma.local @!p0 [hbm:s0], s1  }
0xd1: {  	s0 =	simm.s32 @!p0 $0x7  }
0xd2: {  	_ =	swait.ge @!p0 [sflag:s0], s1  }
0xd3: {  	s1 =	ssub.s32 @!p0 $0x0, s1;
	[sflag:s0] =	ssyncset.done @!p0 $0x0  }
0xd4: {  	[sflag:s0] =	ssyncadd.s32 @!p0 s1  }
0xd5: {  	[bflag:$0x3] =	sbarrier.arrive $0xFFFF  }
0xd6: {  	_ =	shalt  }

// kernel: kernel.7.cloned.1.call-start
scs
__scs_entry_jumppad:
0x0: {  	(pc) =	sbr.rel $0x88, $3  }
0x1: {  	(tag) =	ssettag $0x0;
	lr =	simm.s32 $0x1  }
0x2: {  	[smem:$0x3F9C] =	sst lr;
	_ =	strace $0xD0000000  }
0x3: {  	_ = 	snop  }
0x4: {  	_ = 	snop  }
0x5: {  	_ = 	snop  }
0x6: {  	_ = 	snop  }
0x7: {  	_ = 	snop  }
__scs_overlays_trampoline_lowered:
0x8: {  	[smem:$0x3FAB] =	sst s0  }
0x9: {  	[smem:$0x3FAC] =	sst s1  }
0xa: {  	[smem:$0x3FAD] =	sst s2  }
0xb: {  	[smem:$0x3FAE] =	sst s3  }
0xc: {  	[smem:$0x3FAF] =	sst s4  }
0xd: {  	[smem:$0x3FB0] =	sst s5  }
0xe: {  	[smem:$0x3FB1] =	sst s6  }
0xf: {  	[smem:$0x3FB2] =	sst s7  }
0x10: {  	[smem:$0x3FB3] =	sst s8  }
0x11: {  	[smem:$0x3FB4] =	sst s9;
	s0 =	simm.s32 @!p0 $0x0  }
0x12: {  	s1 =	sld [smem:$0x3F9A];
	s0 =	simm.s32 @p0 $0x1  }
0x13: {  	[smem:$0x3FB5] =	sst s0;
	s0 =	simm.s32 @!p1 $0x0  }
0x14: {  	s2 =	sld [smem:$0x3F99];
	s0 =	simm.s32 @p1 $0x1  }
0x15: {  	[smem:$0x3FB6] =	sst s0;
	s0 =	simm.s32 @!p2 $0x0  }
0x16: {  	s3 =	sld [smem:$0x3FDB];
	s0 =	simm.s32 @p2 $0x1  }
0x17: {  	s4 =	simm.s32 $0x1BF5;
	[smem:$0x3FB8] =	sst s0  }
0x18: {  	s0 =	sld [smem:$0x3F9B];
	_ =	swait.ge [sflag:s4], $0x0  }
0x19: {  	s7 =	sld [smem:$0x3F9C]  }
0x1a: {  	s8 =	sadd.s32 $0xFFFFE003, lr  }
0x1b: {  	s9 =	sadd.s32 $0xFFFFFEF7, lr;
	s5 =	simm.s32 $0xFFFFFFFF;
	p2 =	slt.u32 s8, $0xFFFFF086  }
0x1c: {  	p1 =	slt.u32 s9, $0xF7A;
	s5 =	simm.s32 @!p2 $0x0  }
0x1d: {  	s5 =	simm.s32 @p1 $0x1;
	p0 =	seq.s32 s7, s2  }
0x1e: {  	s7 =	smul.u32 @!p0 $0xF7A, s2;
	p2 =	seq.s32 @!p0 s5, $0x0  }
0x1f: {  	s9 =	smul.u32 $0xF7A, s1;
	s8 =	simm.s32 @!p0 $0x1BF5;
	p2 =	por !p2, p0  }
0x20: {  	[sflag:s8] =	ssyncset.s32 @!p0 $0xFFFFF086;
	s6 =	sadd.s32 @!p0 s3, s7;
	s7 =	simm.s32 @!p0 $0x108  }
0x21: {  	s3 =	sadd.s32 s3, s9;
	s6 =	sadd.s32 @!p0 $0x88, s6;
	s7 =	simm.s32 @p2 $0x1082  }
0x22: {  	[simem:s7], [sflag:s8] =	dma.local @!p0 [hbm:s6], $0xF7A  }
0x23: {  	s9 =	sor.u32 $0xD0000000, s2;
	s6 =	simm.s32 $0x108;
	_ =	swait.ge @!p0 [sflag:s8], $0x0  }
0x24: {  	s3 =	sadd.s32 $0x88, s3;
	s6 =	simm.s32 @!p1 $0x1082;
	[sflag:s4] =	ssyncset.s32 $0xFFFFF086  }
0x25: {  	[simem:s6], [sflag:s4] =	dma.local [hbm:s3], $0xF7A  }
0x26: {  	[smem:$0x3F9C] =	sst s1;
	(tag) =	ssettag s2;
	_ =	strace s9  }
0x27: {  	s1 =	sld [smem:$0x3FAC]  }
0x28: {  	s2 =	sld [smem:$0x3FAD]  }
0x29: {  	s4 =	sld [smem:$0x3FAF]  }
0x2a: {  	p0 =	seq.s32 s5, $0x0;
	s5 =	sld [smem:$0x3FB0]  }
0x2b: {  	s6 =	sld [smem:$0x3FB1]  }
0x2c: {  	s7 =	sld [smem:$0x3FB2]  }
0x2d: {  	s3 =	simm.s32 $0x108;
	s8 =	sld [smem:$0x3FB3]  }
0x2e: {  	s3 =	simm.s32 @!p0 $0x1082;
	s9 =	sld [smem:$0x3FB4]  }
0x2f: {  	lr =	sadd.s32 s0, s3;
	s0 =	sld [smem:$0x3FAB]  }
0x30: {  	s3 =	sld [smem:$0x3FAE]  }
0x31: {  	[smem:$0x3FB7] =	sst s10  }
0x32: {  	s10 =	sld [smem:$0x3FB5];
	_ =	sdelay $0x3  }
0x33: {  	p0 =	seq.s32 s10, $0x1;
	s10 =	sld [smem:$0x3FB7];
	_ =	sdelay $0x3  }
0x34: {  	[smem:$0x3FB7] =	sst s10  }
0x35: {  	s10 =	sld [smem:$0x3FB6];
	_ =	sdelay $0x3  }
0x36: {  	p1 =	seq.s32 s10, $0x1;
	s10 =	sld [smem:$0x3FB7];
	_ =	sdelay $0x3  }
0x37: {  	[smem:$0x3FB7] =	sst s10  }
0x38: {  	s10 =	sld [smem:$0x3FB8]  }
0x39: {  	_ = 	snop;
	(pc) =	sbr.ind lr, $3  }
0x3a: {  	_ = 	snop  }
0x3b: {  	_ = 	snop  }
0x3c: {  	p2 =	seq.s32 s10, $0x1;
	s10 =	sld [smem:$0x3FB7]  }
0x3d: {  	_ =	shalt  }
0x3e: {  	_ =	shalt  }
0x3f: {  	_ =	shalt  }
0x40: {  	_ =	shalt  }
0x41: {  	_ =	shalt  }
0x42: {  	_ =	shalt  }
0x43: {  	_ =	shalt  }
0x44: {  	_ =	shalt  }
0x45: {  	_ =	shalt  }
0x46: {  	_ =	shalt  }
0x47: {  	_ =	shalt  }
0x48: {  	_ =	shalt  }
0x49: {  	_ =	shalt  }
0x4a: {  	_ =	shalt  }
0x4b: {  	_ =	shalt  }
0x4c: {  	_ =	shalt  }
0x4d: {  	_ =	shalt  }
0x4e: {  	_ =	shalt  }
0x4f: {  	_ =	shalt  }
0x50: {  	_ =	shalt  }
0x51: {  	_ =	shalt  }
0x52: {  	_ =	shalt  }
0x53: {  	_ =	shalt  }
0x54: {  	_ =	shalt  }
0x55: {  	_ =	shalt  }
0x56: {  	_ =	shalt  }
0x57: {  	_ =	shalt  }
0x58: {  	_ =	shalt  }
0x59: {  	_ =	shalt  }
0x5a: {  	_ =	shalt  }
0x5b: {  	_ =	shalt  }
0x5c: {  	_ =	shalt  }
0x5d: {  	_ =	shalt  }
0x5e: {  	_ =	shalt  }
0x5f: {  	_ =	shalt  }
0x60: {  	_ =	shalt  }
0x61: {  	_ =	shalt  }
0x62: {  	_ =	shalt  }
0x63: {  	_ =	shalt  }
0x64: {  	_ =	shalt  }
0x65: {  	_ =	shalt  }
0x66: {  	_ =	shalt  }
0x67: {  	_ =	shalt  }
0x68: {  	_ =	shalt  }
0x69: {  	_ =	shalt  }
0x6a: {  	_ =	shalt  }
0x6b: {  	_ =	shalt  }
0x6c: {  	_ =	shalt  }
0x6d: {  	_ =	shalt  }
0x6e: {  	_ =	shalt  }
0x6f: {  	_ =	shalt  }
0x70: {  	_ =	shalt  }
0x71: {  	_ =	shalt  }
0x72: {  	_ =	shalt  }
0x73: {  	_ =	shalt  }
0x74: {  	_ =	shalt  }
0x75: {  	_ =	shalt  }
0x76: {  	_ =	shalt  }
0x77: {  	_ =	shalt  }
0x78: {  	_ =	shalt  }
0x79: {  	_ =	shalt  }
0x7a: {  	_ =	shalt  }
0x7b: {  	_ =	shalt  }
0x7c: {  	_ =	shalt  }
0x7d: {  	_ =	shalt  }
0x7e: {  	_ =	shalt  }
0x7f: {  	_ =	shalt  }
0x80: {  	_ =	shalt  }
0x81: {  	_ =	shalt  }
0x82: {  	_ =	shalt  }
0x83: {  	_ =	shalt  }
0x84: {  	_ =	shalt  }
0x85: {  	_ =	shalt  }
0x86: {  	_ =	shalt  }
0x87: {  	_ =	shalt  }
.Lfunc_end0:
.L_simem_size_0:
called_computation_lowered:
.L_overlay_start_0:
0x88: {  	s2 =	sld [smem:$0x3FD9]  }
0x89: {  	s3 =	sld [smem:$0x3FFE];
	_ =	sdelay $0x1  }
0x8a: {  	s1 =	srdreg.scid  }
0x8b: {  	s0 =	sand.u32 $0x1, s1  }
0x8c: {  	s14 =	sshll.u32 s0, $0xA;
	s2 =	sadd.s32 s3, s2  }
0x8d: {  	s2 =	sadd.s32 s2, s14  }
0x8e: {  	[smem:$0x3FC3] =	sst s2  }
0x8f: {  	_ = 	snop  }
0x90: {  	s2 =	sld [smem:$0x3FD0];
	_ =	sdelay $0x2  }
0x91: {  	s4 =	simm.s32 $0xA;
	s5 =	simm.s32 $0x10;
	s15 =	sld [smem:$0x3FC9]  }
0x92: {  	[smem:s5], [sflag:s4] =	dma.local [hbm:s2], $0x1  }
0x93: {  	_ =	swait.eq [sflag:s4], $0x1  }
0x94: {  	[sflag:s4] =	ssyncset.done $0x0  }
0x95: {  	[sflag:s4] =	ssyncadd.s32 $0xFFFFFFFF  }
0x96: {  	s16 =	sld [smem:$0x10];
	(tm) =	ssettm $0x1  }
0x97: {  	s17 =	sld [smem:$0x3FFB];
	_ =	sdelay $0x3  }
0x98: {  	_ =	strace s17  }
0x99: {  	s4 =	sld [smem:$0x3FFC];
	_ =	sdelay $0x3  }
0x9a: {  	_ =	strace s4  }
0x9b: {  	s4 =	sld [smem:$0x3FFD];
	_ =	sdelay $0x3  }
0x9c: {  	_ =	strace s4  }
0x9d: {  	_ =	strace $0x8FFFFFFF  }
0x9e: {  	s18 =	sld [smem:$0x3FDB];
	_ =	sdelay $0x1  }
0x9f: {  	s19 =	simm.s32 $_scs_section_size  }
0xa0: {  	s6 =	simm.s32 $_size__tile_overlayer_lowered;
	s7 =	simm.s32 $_tile_overlayer_lowered  }
0xa1: {  	s22 =	simm.s32 $0x1BFF;
	s21 =	sshll.u32 s7, $0x1;
	s4 =	sadd.s32 s19, s18  }
0xa2: {  	s8 =	simm.s32 $0x0;
	s20 =	sshll.u32 s6, $0x1;
	s6 =	sadd.s32 s21, s4  }
0xa3: {  	[timem:s8], [sflag:s22] =	dma.local [hbm:s6], s20  }
0xa4: {  	_ =	swait.ge [sflag:s22], s20  }
0xa5: {  	s5 =	ssub.s32 $0x0, s20;
	[sflag:s22] =	ssyncset.done $0x0  }
0xa6: {  	[sflag:s22] =	ssyncadd.s32 s5;
	_ =	sdelay $0x1  }
0xa7: {  	s23 =	simm.s32 $0x1B8B  }
0xa8: {  	_ =	swait.ge [sflag:s23], $0x1  }
0xa9: {  	[sflag:s23] =	ssyncset.done $0x0  }
0xaa: {  	s25 =	simm.s32 $0x1B8E;
	s24 =	sld [smem:$0x3FFE];
	[sflag:s23] =	ssyncadd.s32 $0xFFFFFFFF  }
0xab: {  	s26 =	simm.s32 $execute0_lowered;
	[smem:$0x3FD2] =	sst s25  }
0xac: {  	s6 =	sshll.u32 s26, $0x1;
	_ =	strace $0x80000046;
	[dreg:$0x1] =	wrdreg $0xFFFFFFFF  }
0xad: {  	s28 =	simm.s32 $_size_execute0_lowered;
	s4 =	sadd.s32 s4, s6;
	[dreg:$0x0] =	wrdreg $0x0  }
0xae: {  	s6 =	sshll.u32 s28, $0x1;
	[dreg:$0x2] =	wrdreg s4  }
0xaf: {  	[dreg:$0x3] =	wrdreg s6  }
0xb0: {  	[dreg:$0x4] =	wrdreg $0xC0  }
0xb1: {  	_ =	task [dreg:s8], $0x5FFFF  }
0xb2: {  	[dreg:$0x1] =	wrdreg $0xFFFFFFFF  }
0xb3: {  	[dreg:$0x0] =	wrdreg $0x60  }
0xb4: {  	[dreg:$0x2] =	wrdreg s15  }
0xb5: {  	[dreg:$0x3] =	wrdreg s24  }
0xb6: {  	[dreg:$0x4] =	wrdreg s16  }
0xb7: {  	[dreg:$0x5] =	wrdreg $0x82000  }
0xb8: {  	[dreg:$0x6] =	wrdreg $0x9  }
0xb9: {  	_ =	task.clear_ibuf [dreg:s8], $0x7FFFF;
	_ =	strace $0x90000046  }
0xba: {  	s29 =	simm.s32 $0x9;
	_ =	strace $0x80000048  }
0xbb: {  	_ =	swait.ge [sflag:s29], $0x1  }
0xbc: {  	[sflag:s29] =	ssyncadd.s32 $0xFFFFFFFF  }
0xbd: {  	_ =	strace $0x90000048  }
0xbe: {  	_ =	sfence  }
0xbf: {  	s30 =	sld [smem:$0x0];
	_ =	sdelay $0x2  }
0xc0: {  	s31 =	sshll.u32 s1, $0xD;
	s1 =	sshrl.u32 s1, $0x2  }
0xc1: {  	s3 =	sand.u32 $0x4000, s31;
	s1 =	sadd.s32 s1, s30  }
0xc2: {  	s0 =	sor.u32 s3, s0;
	s1 =	sshll.u32 s1, $0x11  }
0xc3: {  	s0 =	sor.u32 s1, s0  }
0xc4: {  	s0 =	sadd.s32 $0x8F2B, s0  }
0xc5: {  	[sflag:s0] =	ssyncadd.remote.s32 $0x1  }
0xc6: {  	_ =	sfence.sel $0xFFFF  }
0xc7: {  	[dreg:$0x0] =	wrdreg $0xFFFFFFFF;
	(pc) =	sbr.abs _section_cstart, $3  }
0xc8: {  	[dreg:$0x1] =	wrdreg $0xFFFFFFFF  }
0xc9: {  	_ =	task.clear_ibuf [dreg:s8], $0x2FFFF;
	_ =	strace $0x9FFFFFFF  }
0xca: {  	(tm) =	ssettm $0x7FFFFFFF  }
0xcb: {  	_ =	shalt  }
tec
execute0_lowered:
.L_overlay_start_1:
0x0: {  	(tag) =	ssettag $0x1  }
0x1: {  	s1 =	rddreg [dreg:$0x0]  }
0x2: {  	s0 =	rddreg [dreg:$0x1]  }
0x3: {  	s4 =	rddreg [dreg:$0x2]  }
0x4: {  	s2 =	rddreg [dreg:$0x3];
	s3 =	simm.s32 $0x0  }
0x5: {  	s5 =	srdreg.scid;
	s12 =	stileid.u32;
	s28 =	simm.s32 $0x100  }
0x6: {  	s29 =	simm.s32 $0x80;
	s30 =	simm.s32 $0x180;
	s31 =	simm.s32 $0x1  }
0x7: {  	[smem:$0x7FF] =	sst s3;
	s5 =	sand.u32 $0x1, s5;
	s9 =	smul.u32 $0x50000, s12  }
0x8: {  	s7 =	sadd.s32 $0xC200, s0;
	s10 =	sadd.s32 $0x2200, s0;
	s23 =	smul.u32 $0x280, s12  }
0x9: {  	s0 =	sadd.s32 $0x16200, s0;
	s11 =	sshll.u32 s12, $0x3;
	s19 =	smul.u32 $0x2800, s12  }
0xa: {  	_ =	strace $0x80000047;
	s6 =	ssub.s32 $0x2, s5;
	p0 =	seq.s32 s5, $0x0  }
0xb: {  	s11 =	sor.u32 $0x980, s11;
	s8 =	sshrl.u32 s6, $0x1;
	s9 =	sshrl.u32 s9, $0x2  }
0xc: {  	s18 =	sadd.s32 $0xA0, s23;
	s21 =	sadd.s32 $0x140, s23;
	s0 =	smov.u32 @p0 s4  }
0xd: {  	s4 =	simm.s32 $0x2;
	s6 =	ssub.s32 s6, s8;
	s5 =	sadd.s32 s9, s2  }
0xe: {  	s8 =	smul.u32 $0x98, s12;
	s20 =	sshll.u32 s18, $0x7;
	s9 =	sadd.s32 $0x4000, s5  }
0xf: {  	s22 =	sshll.u32 s21, $0x7;
	s24 =	sadd.s32 $0x8000, s5;
	[dreg:$0x5] =	wrdreg s9  }
0x10: {  	s25 =	sadd.s32 $0xC000, s5;
	s13 =	sadd.s32 $0x10000, s5;
	[dreg:$0x6] =	wrdreg s24  }
0x11: {  	s12 =	sadd.s32 s22, s2;
	s6 =	smax.u32 s6, $0x1;
	[dreg:$0x7] =	wrdreg s25  }
0x12: {  	s22 =	simm.s32 $0x200;
	s11 =	smov.u32 @p0 s8;
	[dreg:$0x8] =	wrdreg s13  }
0x13: {  	s13 =	simm.s32 $0x4B;
	s8 =	sadd.s32 $0x1E0, s23;
	[dreg:$0xb] =	wrdreg s6  }
0x14: {  	s24 =	sadd.s32 s0, s19;
	s6 =	simm.s32 $0x4;
	s9 =	simm.s32 $0x6  }
0x15: {  	s26 =	sshll.u32 s11, $0x4;
	s13 =	simm.s32 @!p0 $0x3;
	s11 =	sshll.u32 s21, $0x4  }
0x16: {  	s23 =	sshll.u32 s8, $0x4;
	[dreg:$0xc] =	wrdreg s24;
	s24 =	sshrl.u32 s12, $0x3  }
0x17: {  	s12 =	simm.s32 $0x0;
	s16 =	sadd.s32 s7, s26;
	s14 =	sor.u32 $0x10, s26  }
0x18: {  	s15 =	sadd.s32 s10, s26;
	s26 =	sadd.s32 s0, s11;
	s19 =	sadd.s32 s0, s23  }
0x19: {  	s7 =	sadd.s32 s7, s14;
	s17 =	sadd.s32 s10, s14;
	s10 =	sadd.s32 s20, s2  }
0x1a: {  	s14 =	sshll.u32 s8, $0x7;
	[dreg:$0xe] =	wrdreg s26;
	s21 =	sadd.s32 $0x30, s16  }
0x1b: {  	s26 =	simm.s32 $0x7;
	s8 =	simm.s32 $0x5;
	[dreg:$0x9] =	wrdreg s7  }
0x1c: {  	[dreg:$0xa] =	wrdreg s17;
	s7 =	sshll.u32 s18, $0x4;
	s14 =	sadd.s32 s14, s2  }
0x1d: {  	s18 =	smov.u32 s15;
	s15 =	sadd.s32 $0x30, s15;
	s17 =	smov.u32 s16  }
0x1e: {  	s23 =	sshrl.u32 s10, $0x3;
	s25 =	sadd.s32 s0, s7;
	s0 =	simm.s32 $0x3  }
0x1f: {  	v0 =	vimm.f32 $0.0e+00;
	s7 =	simm.s32 $0x4200;
	[dreg:$0xd] =	wrdreg s25;
	s25 =	sshrl.u32 s14, $0x3  }
.LBB2_1:
0x20: {  	s10 =	simm.s32 $0x0;
	s11 =	simm.s32 $0x200  }
.LBB2_2:
0x21: {  	p0 =	sne.s32 s11, $0xFE00;
	[tilespmem:s10+$0x270] =	vst v0  }
0x22: {  	[tilespmem:s10+$0x200] =	vst v0  }
0x23: {  	[tilespmem:s10+$0x210] =	vst v0  }
.Ltmp0:
0x24: {  	[tilespmem:s10+$0x220] =	vst v0;
	(pc) =	sbr.rel @p0 .LBB2_2-.Ltmp0, $4  }
0x25: {  	[tilespmem:s10+$0x230] =	vst v0  }
0x26: {  	[tilespmem:s10+$0x240] =	vst v0  }
0x27: {  	[tilespmem:s10+$0x250] =	vst v0  }
0x28: {  	[tilespmem:s10+$0x260] =	vst v0;
	s10 =	sshra.s32 s11, $0x2;
	s11 =	sadd.s32 $0x200, s11  }
0x29: {  	[tilespmem:s10+$0x270] =	vst v0  }
0x2a: {  	[tilespmem:s10+$0x200] =	vst v0  }
0x2b: {  	[tilespmem:s10+$0x210] =	vst v0  }
0x2c: {  	[tilespmem:s10+$0x220] =	vst v0  }
0x2d: {  	[tilespmem:s10+$0x230] =	vst v0  }
0x2e: {  	[tilespmem:s10+$0x240] =	vst v0  }
0x2f: {  	[tilespmem:s10+$0x250] =	vst v0  }
0x30: {  	[tilespmem:s10+$0x260] =	vst v0  }
0x31: {  	[spmem:s5] =	stream.linear.scatter [tilespmem:s22], [sflag:$0x7], $0x4000, $0x38;
	[tilespmem:$0x1C200] =	vst v63  }
0x32: {  	_ =	swait.ge [sflag:s26], $0x4000  }
0x33: {  	[sflag:s26] =	ssyncset.done $0x0  }
0x34: {  	s11 =	rddreg [dreg:$0x5];
	[sflag:s26] =	ssyncadd.s32 $0xFFFFC000  }
0x35: {  	[spmem:s11] =	stream.linear.scatter [tilespmem:s22], [sflag:$0x7], $0x4000, $0x38;
	[tilespmem:$0x1C200] =	vst v63  }
0x36: {  	_ =	swait.ge [sflag:s26], $0x4000  }
0x37: {  	[sflag:s26] =	ssyncset.done $0x0  }
0x38: {  	s14 =	rddreg [dreg:$0x6];
	[sflag:s26] =	ssyncadd.s32 $0xFFFFC000  }
0x39: {  	[spmem:s14] =	stream.linear.scatter [tilespmem:s22], [sflag:$0x7], $0x4000, $0x38;
	[tilespmem:$0x1C200] =	vst v63  }
0x3a: {  	_ =	swait.ge [sflag:s26], $0x4000  }
0x3b: {  	[sflag:s26] =	ssyncset.done $0x0  }
0x3c: {  	s16 =	rddreg [dreg:$0x7];
	[sflag:s26] =	ssyncadd.s32 $0xFFFFC000  }
0x3d: {  	[spmem:s16] =	stream.linear.scatter [tilespmem:s22], [sflag:$0x7], $0x4000, $0x38;
	[tilespmem:$0x1C200] =	vst v63  }
0x3e: {  	_ =	swait.ge [sflag:s26], $0x4000  }
0x3f: {  	[sflag:s26] =	ssyncset.done $0x0  }
0x40: {  	s20 =	rddreg [dreg:$0x8];
	[sflag:s26] =	ssyncadd.s32 $0xFFFFC000  }
0x41: {  	[spmem:s20] =	stream.linear.scatter [tilespmem:s22], [sflag:$0x7], $0x4000, $0x38;
	[tilespmem:$0x1C200] =	vst v63  }
0x42: {  	_ =	swait.ge [sflag:s26], $0x4000  }
0x43: {  	[sflag:s26] =	ssyncset.done $0x0  }
0x44: {  	[sflag:s26] =	ssyncadd.s32 $0xFFFFC000  }
0x45: {  	[bflag:$0x0] =	sbarrier.arrive $0xFFFF  }
0x46: {  	[tilespmem:s3], [sflag:$0x1] =	stream.linear.gather [hbm4b:s17+s3], $0x80, $0x38;
	[tilespmem:$0x1C200] =	vst v63  }
0x47: {  	_ = 	snop  }
0x48: {  	[tilespmem:s28], [sflag:$0x3] =	stream.linear.gather [hbm4b:s18+s3], $0x80, $0x38;
	[tilespmem:$0x1C200] =	vst v63  }
0x49: {  	s11 =	rddreg [dreg:$0x9]  }
0x4a: {  	[tilespmem:s29], [sflag:$0x2] =	stream.linear.gather [hbm4b:s11+s3], $0x80, $0x38;
	[tilespmem:$0x1C200] =	vst v63  }
0x4b: {  	s14 =	rddreg [dreg:$0xa]  }
0x4c: {  	[tilespmem:s30], [sflag:$0x4] =	stream.linear.gather [hbm4b:s14+s3], $0x80, $0x38;
	[tilespmem:$0x1C200] =	vst v63  }
0x4d: {  	_ =	swait.ge [sflag:s31], $0x80  }
0x4e: {  	[sflag:s31] =	ssyncset.done $0x0  }
0x4f: {  	[sflag:s31] =	ssyncadd.s32 $0xFFFFFF80  }
0x50: {  	_ =	swait.ge [sflag:s0], $0x80  }
0x51: {  	[sflag:s0] =	ssyncset.done $0x0  }
0x52: {  	[sflag:s0] =	ssyncadd.s32 $0xFFFFFF80  }
0x53: {  	[tilespmem:s22], [sflag:$0x5] =	stream.indirect.gather [hbm4b:s1+s29], $0x80, s3, s29, $0xb8;
	[tilespmem:$0x1C200] =	vst v63  }
0x54: {  	_ =	swait.ge [sflag:s4], $0x80  }
0x55: {  	[sflag:s4] =	ssyncset.done $0x0  }
0x56: {  	[sflag:s4] =	ssyncadd.s32 $0xFFFFFF80  }
0x57: {  	_ =	swait.ge [sflag:s6], $0x80  }
0x58: {  	[sflag:s6] =	ssyncset.done $0x0  }
0x59: {  	[sflag:s6] =	ssyncadd.s32 $0xFFFFFF80  }
0x5a: {  	[tilespmem:s7], [sflag:$0x6] =	stream.indirect.gather [hbm4b:s1+s29], $0x80, s29, s29, $0xb8;
	[tilespmem:$0x1C200] =	vst v63  }
0x5b: {  	_ =	swait.ge [sflag:s8], $0x4000  }
0x5c: {  	[sflag:s8] =	ssyncset.done $0x0  }
0x5d: {  	[sflag:s8] =	ssyncadd.s32 $0xFFFFC000  }
0x5e: {  	[spmem:s2] =	stream.indirect.scatter.add.f32 [tilespmem:s22], [sflag:$0x7], $0x80, s28, s29, $0xb8;
	[tilespmem:$0x1C200] =	vst v63  }
0x5f: {  	_ =	swait.ge [sflag:s26], $0x4000  }
0x60: {  	[sflag:s26] =	ssyncset.done $0x0  }
0x61: {  	s16 =	sadd.s32 $0xFFFFFFF0, s21;
	[sflag:s26] =	ssyncadd.s32 $0xFFFFC000  }
0x62: {  	[tilespmem:s3], [sflag:$0x1] =	stream.linear.gather [hbm4b:s16+s3], $0x80, $0x38;
	[tilespmem:$0x1C200] =	vst v63  }
0x63: {  	s20 =	sadd.s32 $0xFFFFFFF0, s15  }
0x64: {  	[tilespmem:s28], [sflag:$0x3] =	stream.linear.gather [hbm4b:s20+s3], $0x80, $0x38;
	[tilespmem:$0x1C200] =	vst v63  }
0x65: {  	_ =	swait.ge [sflag:s31], $0x80  }
0x66: {  	[sflag:s31] =	ssyncset.done $0x0  }
0x67: {  	[sflag:s31] =	ssyncadd.s32 $0xFFFFFF80  }
0x68: {  	_ =	swait.ge [sflag:s0], $0x80  }
0x69: {  	[sflag:s0] =	ssyncset.done $0x0  }
0x6a: {  	[sflag:s0] =	ssyncadd.s32 $0xFFFFFF80  }
0x6b: {  	[tilespmem:s22], [sflag:$0x5] =	stream.indirect.gather [hbm4b:s1+s29], $0x80, s3, s29, $0xb8;
	[tilespmem:$0x1C200] =	vst v63  }
0x6c: {  	_ =	swait.ge [sflag:s9], $0x4000  }
0x6d: {  	[sflag:s9] =	ssyncset.done $0x0  }
0x6e: {  	p0 =	sne.s32 s13, $0x1;
	[sflag:s9] =	ssyncadd.s32 $0xFFFFC000  }
0x6f: {  	[spmem:s2] =	stream.indirect.scatter.add.f32 [tilespmem:s7], [sflag:$0x7], $0x80, s30, s29, $0xb8;
	[tilespmem:$0x1C200] =	vst v63  }
.Ltmp1:
0x70: {  	_ = 	snop;
	(pc) =	sbr.rel @!p0 .LBB2_5-.Ltmp1, $4  }
0x71: {  	_ =	swait.ge [sflag:s26], $0x4000  }
0x72: {  	s10 =	sadd.s32 $0x20, s15;
	s11 =	sadd.s32 $0x20, s21;
	[sflag:s26] =	ssyncset.done $0x0  }
0x73: {  	s14 =	sadd.s32 $0xFFFFFFFF, s13;
	s20 =	smov.u32 s15;
	[sflag:s26] =	ssyncadd.s32 $0xFFFFC000  }
0x74: {  	[tilespmem:s29], [sflag:$0x2] =	stream.linear.gather [hbm4b:s21+s3], $0x80, $0x38;
	[tilespmem:$0x1C200] =	vst v63  }
.LBB2_4:
0x75: {  	[tilespmem:s30], [sflag:$0x4] =	stream.linear.gather [hbm4b:s20+s3], $0x80, $0x38;
	[tilespmem:$0x1C200] =	vst v63  }
0x76: {  	p0 =	sne.s32 s14, $0x1;
	s14 =	sadd.s32 $0xFFFFFFFF, s14;
	_ =	swait.ge [sflag:s4], $0x80  }
0x77: {  	s20 =	smov.u32 s10;
	[sflag:s4] =	ssyncset.done $0x0  }
0x78: {  	[sflag:s4] =	ssyncadd.s32 $0xFFFFFF80  }
0x79: {  	_ =	swait.ge [sflag:s6], $0x80  }
0x7a: {  	[sflag:s6] =	ssyncset.done $0x0  }
0x7b: {  	[sflag:s6] =	ssyncadd.s32 $0xFFFFFF80  }
0x7c: {  	[tilespmem:s7], [sflag:$0x6] =	stream.indirect.gather [hbm4b:s1+s29], $0x80, s29, s29, $0xb8;
	[tilespmem:$0x1C200] =	vst v63  }
0x7d: {  	_ =	swait.ge [sflag:s8], $0x4000  }
0x7e: {  	[sflag:s8] =	ssyncset.done $0x0  }
0x7f: {  	[sflag:s8] =	ssyncadd.s32 $0xFFFFC000  }
0x80: {  	[spmem:s2] =	stream.indirect.scatter.add.f32 [tilespmem:s22], [sflag:$0x7], $0x80, s28, s29, $0xb8;
	[tilespmem:$0x1C200] =	vst v63  }
0x81: {  	_ =	swait.ge [sflag:s26], $0x4000  }
0x82: {  	[sflag:s26] =	ssyncset.done $0x0  }
0x83: {  	s16 =	sadd.s32 $0xFFFFFFF0, s11;
	[sflag:s26] =	ssyncadd.s32 $0xFFFFC000  }
0x84: {  	[tilespmem:s3], [sflag:$0x1] =	stream.linear.gather [hbm4b:s16+s3], $0x80, $0x38;
	[tilespmem:$0x1C200] =	vst v63  }
0x85: {  	s16 =	sadd.s32 $0xFFFFFFF0, s10  }
0x86: {  	[tilespmem:s28], [sflag:$0x3] =	stream.linear.gather [hbm4b:s16+s3], $0x80, $0x38;
	[tilespmem:$0x1C200] =	vst v63  }
0x87: {  	_ =	swait.ge [sflag:s31], $0x80  }
0x88: {  	[sflag:s31] =	ssyncset.done $0x0  }
0x89: {  	[sflag:s31] =	ssyncadd.s32 $0xFFFFFF80  }
0x8a: {  	_ =	swait.ge [sflag:s0], $0x80  }
0x8b: {  	[sflag:s0] =	ssyncset.done $0x0  }
0x8c: {  	[sflag:s0] =	ssyncadd.s32 $0xFFFFFF80  }
0x8d: {  	[tilespmem:s22], [sflag:$0x5] =	stream.indirect.gather [hbm4b:s1+s29], $0x80, s3, s29, $0xb8;
	[tilespmem:$0x1C200] =	vst v63  }
0x8e: {  	_ =	swait.ge [sflag:s9], $0x4000  }
0x8f: {  	[sflag:s9] =	ssyncset.done $0x0  }
0x90: {  	[sflag:s9] =	ssyncadd.s32 $0xFFFFC000  }
0x91: {  	[spmem:s2] =	stream.indirect.scatter.add.f32 [tilespmem:s7], [sflag:$0x7], $0x80, s30, s29, $0xb8;
	[tilespmem:$0x1C200] =	vst v63  }
.Ltmp2:
0x92: {  	_ =	swait.ge [sflag:s26], $0x4000;
	(pc) =	sbr.rel @p0 .LBB2_4-.Ltmp2, $4  }
0x93: {  	[sflag:s26] =	ssyncset.done $0x0  }
0x94: {  	[sflag:s26] =	ssyncadd.s32 $0xFFFFC000  }
0x95: {  	[tilespmem:s29], [sflag:$0x2] =	stream.linear.gather [hbm4b:s11+s3], $0x80, $0x38;
	[tilespmem:$0x1C200] =	vst v63  }
0x96: {  	s10 =	sadd.s32 $0x20, s10;
	s11 =	sadd.s32 $0x20, s11  }
.LBB2_5:
0x97: {  	[tilespmem:s30], [sflag:$0x4] =	stream.linear.gather [hbm4b:s20+s3], $0x80, $0x38;
	[tilespmem:$0x1C200] =	vst v63  }
0x98: {  	_ =	swait.ge [sflag:s4], $0x80  }
0x99: {  	[sflag:s4] =	ssyncset.done $0x0  }
0x9a: {  	[sflag:s4] =	ssyncadd.s32 $0xFFFFFF80  }
0x9b: {  	_ =	swait.ge [sflag:s6], $0x80  }
0x9c: {  	[sflag:s6] =	ssyncset.done $0x0  }
0x9d: {  	[sflag:s6] =	ssyncadd.s32 $0xFFFFFF80  }
0x9e: {  	[tilespmem:s7], [sflag:$0x6] =	stream.indirect.gather [hbm4b:s1+s29], $0x80, s29, s29, $0xb8;
	[tilespmem:$0x1C200] =	vst v63  }
0x9f: {  	_ =	swait.ge [sflag:s8], $0x4000  }
0xa0: {  	[sflag:s8] =	ssyncset.done $0x0  }
0xa1: {  	[sflag:s8] =	ssyncadd.s32 $0xFFFFC000  }
0xa2: {  	[spmem:s2] =	stream.indirect.scatter.add.f32 [tilespmem:s22], [sflag:$0x7], $0x80, s28, s29, $0xb8;
	[tilespmem:$0x1C200] =	vst v63  }
0xa3: {  	_ =	swait.ge [sflag:s26], $0x4000  }
0xa4: {  	[sflag:s26] =	ssyncset.done $0x0  }
0xa5: {  	[sflag:s26] =	ssyncadd.s32 $0xFFFFC000  }
0xa6: {  	_ =	swait.ge [sflag:s9], $0x4000  }
0xa7: {  	[sflag:s9] =	ssyncset.done $0x0  }
0xa8: {  	[sflag:s9] =	ssyncadd.s32 $0xFFFFC000  }
0xa9: {  	[spmem:s2] =	stream.indirect.scatter.add.f32 [tilespmem:s7], [sflag:$0x7], $0x80, s30, s29, $0xb8;
	[tilespmem:$0x1C200] =	vst v63  }
0xaa: {  	_ =	swait.ge [sflag:s26], $0x4000  }
0xab: {  	[sflag:s26] =	ssyncset.done $0x0  }
0xac: {  	s10 =	stileid.u32;
	[sflag:s26] =	ssyncadd.s32 $0xFFFFC000  }
0xad: {  	s10 =	sshll.u32 s10, $0x6;
	[bflag:$0x0] =	sbarrier.arrive $0xFFFF  }
0xae: {  	s14 =	sshrl.u32 s5, $0x3;
	s11 =	sor.u32 $0x1C01, s10;
	s16 =	rddreg [dreg:$0xc]  }
0xaf: {  	[hbm:s16], [sflag:s11] =	dma.local [spmem:s14], $0xA00  }
0xb0: {  	s20 =	sor.u32 $0x1C02, s10;
	s14 =	rddreg [dreg:$0xd]  }
0xb1: {  	[hbm:s14], [sflag:s20] =	dma.local [spmem:s23], $0xA00  }
0xb2: {  	s16 =	sor.u32 $0x1C03, s10;
	s10 =	sor.u32 $0x1C04, s10;
	s14 =	rddreg [dreg:$0xe]  }
0xb3: {  	[hbm:s14], [sflag:s16] =	dma.local [spmem:s24], $0xA00  }
0xb4: {  	[hbm:s19], [sflag:s10] =	dma.local [spmem:s25], $0xA00  }
0xb5: {  	_ =	swait.ge [sflag:s31], $0xA00  }
0xb6: {  	[sflag:s31] =	ssyncset.done $0x0  }
0xb7: {  	[sflag:s31] =	ssyncadd.s32 $0xFFFFF600  }
0xb8: {  	_ =	swait.ge [sflag:s4], $0xA00  }
0xb9: {  	[sflag:s4] =	ssyncset.done $0x0  }
0xba: {  	[sflag:s4] =	ssyncadd.s32 $0xFFFFF600  }
0xbb: {  	_ =	swait.ge [sflag:s0], $0xA00  }
0xbc: {  	[sflag:s0] =	ssyncset.done $0x0  }
0xbd: {  	[sflag:s0] =	ssyncadd.s32 $0xFFFFF600  }
0xbe: {  	_ =	swait.ge [sflag:s6], $0xA00  }
0xbf: {  	s12 =	sadd.s32 $0x1, s12;
	s20 =	rddreg [dreg:$0xb]  }
0xc0: {  	p0 =	sne.s32 s12, s20  }
.Ltmp3:
0xc1: {  	_ = 	snop;
	(pc) =	sbr.rel @p0 .LBB2_1-.Ltmp3, $3  }
0xc2: {  	_ =	sdelay $0x1  }
0xc3: {  	[sflag:s6] =	ssyncset.done $0x0  }
0xc4: {  	[sflag:s6] =	ssyncadd.s32 $0xFFFFF600  }
0xc5: {  	_ =	sfence.sel $0x180000  }
0xc6: {  	[bflag:$0x0] =	sbarrier.arrive $0xFFFF  }
0xc7: {  	_ =	strace $0x90000047  }
0xc8: {  	s0 =	stileid.u32;
	[bflag:$0x2] =	sbarrier.arrive $0xFFFF  }
0xc9: {  	p0 =	sne.s32 s0, $0x0;
	s0 =	rddreg [dreg:$0x4]  }
0xca: {  	s0 =	sadd.s32 @!p0 $0x100000, s0  }
0xcb: {  	[sflag:s0] =	ssyncadd.tile.s32 @!p0 $0x1;
	_ =	shalt  }
.Lfunc_end2:
_tile_overlayer_lowered:
.L_overlay_start_2:
0xcc: {  	(tag) =	ssettag $0x2  }
0xcd: {  	s0 =	rddreg [dreg:$0x0];
	s2 =	stileid.u32  }
0xce: {  	s1 =	rddreg [dreg:$0x1];
	p0 =	sne.s32 s2, $0x0  }
0xcf: {  	s3 =	rddreg [dreg:$0x2];
	[bflag:$0x3] =	sbarrier.arrive $0xFFFF;
	s2 =	simm.s32 @!p0 $0x1C07  }
0xd0: {  	[timem:s3], [sflag:s2] =	dma.local @!p0 [hbm:s0], s1  }
0xd1: {  	s0 =	simm.s32 @!p0 $0x7  }
0xd2: {  	_ =	swait.ge @!p0 [sflag:s0], s1  }
0xd3: {  	s1 =	ssub.s32 @!p0 $0x0, s1;
	[sflag:s0] =	ssyncset.done @!p0 $0x0  }
0xd4: {  	[sflag:s0] =	ssyncadd.s32 @!p0 s1  }
0xd5: {  	[bflag:$0x3] =	sbarrier.arrive $0xFFFF  }
0xd6: {  	_ =	shalt  }

</sc_bundles>
